<compile_context>
chip_gen: v7x
topology: tpu7x:2x2x1
jax: 0.10.2.dev20260603
libtpu: 0.0.44.dev20260713+nightly
codegen_flags: <defaults>
</compile_context>

<pallas_src>
import jax
import jax.numpy as jnp
from jax import lax
from jax.experimental import pallas as pl
from jax.experimental.pallas import tpu as pltpu
from jax.experimental.pallas import tpu_sc as plsc

B, C, H, W = 32, 192, 64, 64
NSEL = 32
NW = 32
L = 16
NB = 8
LD = 4


def _sc_kernel(xp_hbm, ri_hbm, rj_hbm, out_hbm, idx_v, slab_v, gsem, osem):
    nc = 2
    wid = lax.axis_index("s") * nc + lax.axis_index("c")
    b = wid

    pltpu.sync_copy(ri_hbm, idx_v.at[0])
    pltpu.sync_copy(rj_hbm, idx_v.at[1])
    ri_lo = idx_v[0, pl.ds(0, L)]
    ri_hi = idx_v[0, pl.ds(L, L)]
    rj_lo = idx_v[1, pl.ds(0, L)]
    rj_hi = idx_v[1, pl.ds(L, L)]
    lanes = lax.iota(jnp.int32, L)

    def vec_at(lo, hi, i):
        return (jnp.sum(jnp.where(lanes == i, lo, 0))
                + jnp.sum(jnp.where(lanes == i - L, hi, 0)))

    def fire_gather(i, k):
        h = vec_at(rj_lo, rj_hi, i)

        def jbody(j, carry):
            w = vec_at(ri_lo, ri_hi, j)
            pltpu.async_copy(xp_hbm.at[b, h, w], slab_v.at[k, j],
                             gsem.at[k])
            return carry

        lax.fori_loop(0, NSEL, jbody, 0)

    def drain_gather(k):
        pltpu.make_async_copy(xp_hbm.at[b, 0, pl.ds(0, NSEL)],
                              slab_v.at[k], gsem.at[k]).wait()

    def drain_out(i, k):
        pltpu.make_async_copy(slab_v.at[k], out_hbm.at[b, i],
                              osem.at[k]).wait()

    for q in range(LD):
        fire_gather(q, q)

    def step(t, carry):
        for kk in range(NB):
            g = t * NB + kk
            drain_gather(kk)
            pltpu.async_copy(slab_v.at[kk], out_hbm.at[b, g], osem.at[kk])

            @pl.when(g >= LD)
            def _():
                drain_out(g - LD, (kk + LD) % NB)

            @pl.when(g + LD < NSEL)
            def _():
                fire_gather(g + LD, (kk + LD) % NB)
        return carry

    lax.fori_loop(0, NSEL // NB, step, 0)
    for q in range(NSEL - LD, NSEL):
        drain_out(q, q % NB)


def kernel(x, randi, randj):
    x_p = jnp.transpose(x, (0, 2, 3, 1))
    mesh = plsc.VectorSubcoreMesh(core_axis_name="c", subcore_axis_name="s")
    run = pl.kernel(
        _sc_kernel,
        out_type=jax.ShapeDtypeStruct((B, NSEL, NSEL, C), jnp.float32),
        mesh=mesh,
        compiler_params=pltpu.CompilerParams(needs_layout_passes=False),
        scratch_types=[
            pltpu.VMEM((2, NSEL), jnp.int32),
            pltpu.VMEM((NB, NSEL, C), jnp.float32),
            pltpu.SemaphoreType.DMA((NB,)),
            pltpu.SemaphoreType.DMA((NB,)),
        ],
    )
    out_p = run(x_p, randi, randj)
    return jnp.transpose(out_p, (0, 3, 1, 2))

# --- scband reference (transcript-rebuilt; emitter-appended) ---
"""Pipeline reference for scband-sup-res1-31533649887983 (READ-ONLY COPY).

The authoritative reference and input builder live on the scoring server;
editing this copy changes nothing except your own understanding.
"""

import jax, jax.numpy as jnp
import numpy as np


def setup_inputs(seed: int = 0) -> dict:
    key = jax.random.key(seed)
    k1, k2, k3 = jax.random.split(key, 3)
    x = jax.random.normal(k1, (32, 192, 64, 64), dtype=jnp.float32)
    # deterministic stand-ins for random.sample(range(64), 32): sorted random ints in [0, 64)
    randi = jnp.sort(jax.random.randint(k2, (32,), 0, 64, dtype=jnp.int64 if jax.config.read('jax_enable_x64') else jnp.int32)).astype(jnp.int32)
    randj = jnp.sort(jax.random.randint(k3, (32,), 0, 64, dtype=jnp.int64 if jax.config.read('jax_enable_x64') else jnp.int32)).astype(jnp.int32)
    return {"x": x, "randi": randi, "randj": randj}


def reference(x, randi, randj):
    # torch.index_select(x, -1, randi) -> gather along last axis
    out = jnp.take(x, randi, axis=-1)
    # torch.index_select(out, -2, randj) -> gather along second-to-last axis
    out = jnp.take(out, randj, axis=-2)
    return out

if __name__ == "__main__":
    import jax
    _d = setup_inputs()
    print(jax.jit(kernel)(*tuple(_d.values())))

</pallas_src>

<mosaic_0001>
#map = affine_map<(d0, d1) -> (0, 0, 0, 0)>
#map1 = affine_map<(d0, d1) -> (0)>
module attributes {stable_mosaic.version = 14 : i64} {
  func.func @_sc_kernel(%arg0: i32, %arg1: i32, %arg2: memref<32x64x64x192xf32, #tpu.memory_space<hbm>>, %arg3: memref<32xi32, #tpu.memory_space<hbm>>, %arg4: memref<32xi32, #tpu.memory_space<hbm>>, %arg5: memref<32x32x32x192xf32, #tpu.memory_space<hbm>>, %arg6: memref<2x32xi32, #tpu.memory_space<vmem>>, %arg7: memref<8x32x192xf32, #tpu.memory_space<vmem>>, %arg8: memref<8x!tpu.dma_semaphore, #tpu.memory_space<semaphore_mem>>, %arg9: memref<8x!tpu.dma_semaphore, #tpu.memory_space<semaphore_mem>>) attributes {dimension_semantics = [#tpu.dimension_semantics<core_parallel>, #tpu.dimension_semantics<subcore_parallel>], iteration_bounds = array<i64: 2, 16>, scalar_prefetch = 0 : i64, scratch_operands = 4 : i64, tpu.core_type = #tpu.core_type<sc_vector_subcore>, window_params = [{transform_indices = #map}, {transform_indices = #map1}, {transform_indices = #map1}, {transform_indices = #map}]} {
    %mul3A = arith.constant 2 : i32
    %mul3A_0 = arith.muli %arg1, %mul3A : i32
    %add3A = arith.addi %mul3A_0, %arg0 : i32
    %run_scoped3A = arith.constant 0 : i32
    "tpu.region"() ({
      %run_scoped3A_208 = tpu.sem_alloc : memref<!tpu.dma_semaphore, #tpu.memory_space<semaphore_mem>>
      %dma_start3A = arith.constant 0 : i32
      %dma_start3A_209 = tpu.memref_slice %arg6[%run_scoped3A, %dma_start3A] : memref<2x32xi32, #tpu.memory_space<vmem>> -> memref<1x32xi32, #tpu.memory_space<vmem>>
      %dma_start3A_210 = tpu.memref_squeeze %dma_start3A_209 : memref<1x32xi32, #tpu.memory_space<vmem>> -> memref<32xi32, #tpu.memory_space<vmem>>
      %dma_start3A_211 = arith.constant 0 : i32
      %dma_start3A_212 = tpu.memref_slice %arg6[%run_scoped3A, %dma_start3A_211] : memref<2x32xi32, #tpu.memory_space<vmem>> -> memref<1x32xi32, #tpu.memory_space<vmem>>
      %dma_start3A_213 = tpu.memref_squeeze %dma_start3A_212 : memref<1x32xi32, #tpu.memory_space<vmem>> -> memref<32xi32, #tpu.memory_space<vmem>>
      tpu.enqueue_dma source(%arg3 : memref<32xi32, #tpu.memory_space<hbm>>) target(%dma_start3A_213 : memref<32xi32, #tpu.memory_space<vmem>>) target_semaphore(%run_scoped3A_208 : memref<!tpu.dma_semaphore, #tpu.memory_space<semaphore_mem>>)
      %dma_wait3A_214 = arith.constant 0 : i32
      %dma_wait3A_215 = tpu.memref_slice %arg6[%run_scoped3A, %dma_wait3A_214] : memref<2x32xi32, #tpu.memory_space<vmem>> -> memref<1x32xi32, #tpu.memory_space<vmem>>
      %dma_wait3A_216 = tpu.memref_squeeze %dma_wait3A_215 : memref<1x32xi32, #tpu.memory_space<vmem>> -> memref<32xi32, #tpu.memory_space<vmem>>
      %dma_wait3A_217 = arith.constant 0 : i32
      %dma_wait3A_218 = tpu.memref_slice %arg6[%run_scoped3A, %dma_wait3A_217] : memref<2x32xi32, #tpu.memory_space<vmem>> -> memref<1x32xi32, #tpu.memory_space<vmem>>
      %dma_wait3A_219 = tpu.memref_squeeze %dma_wait3A_218 : memref<1x32xi32, #tpu.memory_space<vmem>> -> memref<32xi32, #tpu.memory_space<vmem>>
      tpu.wait_dma2 semaphore(%run_scoped3A_208 : memref<!tpu.dma_semaphore, #tpu.memory_space<semaphore_mem>>) src(%arg3 : memref<32xi32, #tpu.memory_space<hbm>>) dst(%dma_wait3A_219 : memref<32xi32, #tpu.memory_space<vmem>>)
      tpu.yield
    }) : () -> ()
    %run_scoped3A_1 = arith.constant 1 : i32
    "tpu.region"() ({
      %run_scoped3A_208 = tpu.sem_alloc : memref<!tpu.dma_semaphore, #tpu.memory_space<semaphore_mem>>
      %dma_start3A = arith.constant 0 : i32
      %dma_start3A_209 = tpu.memref_slice %arg6[%run_scoped3A_1, %dma_start3A] : memref<2x32xi32, #tpu.memory_space<vmem>> -> memref<1x32xi32, #tpu.memory_space<vmem>>
      %dma_start3A_210 = tpu.memref_squeeze %dma_start3A_209 : memref<1x32xi32, #tpu.memory_space<vmem>> -> memref<32xi32, #tpu.memory_space<vmem>>
      %dma_start3A_211 = arith.constant 0 : i32
      %dma_start3A_212 = tpu.memref_slice %arg6[%run_scoped3A_1, %dma_start3A_211] : memref<2x32xi32, #tpu.memory_space<vmem>> -> memref<1x32xi32, #tpu.memory_space<vmem>>
      %dma_start3A_213 = tpu.memref_squeeze %dma_start3A_212 : memref<1x32xi32, #tpu.memory_space<vmem>> -> memref<32xi32, #tpu.memory_space<vmem>>
      tpu.enqueue_dma source(%arg4 : memref<32xi32, #tpu.memory_space<hbm>>) target(%dma_start3A_213 : memref<32xi32, #tpu.memory_space<vmem>>) target_semaphore(%run_scoped3A_208 : memref<!tpu.dma_semaphore, #tpu.memory_space<semaphore_mem>>)
      %dma_wait3A_214 = arith.constant 0 : i32
      %dma_wait3A_215 = tpu.memref_slice %arg6[%run_scoped3A_1, %dma_wait3A_214] : memref<2x32xi32, #tpu.memory_space<vmem>> -> memref<1x32xi32, #tpu.memory_space<vmem>>
      %dma_wait3A_216 = tpu.memref_squeeze %dma_wait3A_215 : memref<1x32xi32, #tpu.memory_space<vmem>> -> memref<32xi32, #tpu.memory_space<vmem>>
      %dma_wait3A_217 = arith.constant 0 : i32
      %dma_wait3A_218 = tpu.memref_slice %arg6[%run_scoped3A_1, %dma_wait3A_217] : memref<2x32xi32, #tpu.memory_space<vmem>> -> memref<1x32xi32, #tpu.memory_space<vmem>>
      %dma_wait3A_219 = tpu.memref_squeeze %dma_wait3A_218 : memref<1x32xi32, #tpu.memory_space<vmem>> -> memref<32xi32, #tpu.memory_space<vmem>>
      tpu.wait_dma2 semaphore(%run_scoped3A_208 : memref<!tpu.dma_semaphore, #tpu.memory_space<semaphore_mem>>) src(%arg4 : memref<32xi32, #tpu.memory_space<hbm>>) dst(%dma_wait3A_219 : memref<32xi32, #tpu.memory_space<vmem>>)
      tpu.yield
    }) : () -> ()
    %get3A = arith.constant 0 : i32
    %get3A_2 = arith.index_cast %get3A : i32 to index
    %get3A_3 = arith.constant 0 : index
    %get3A_4 = tpu.vector_load %arg6[%get3A_2, %get3A_3] {strides = array<i32>} : memref<2x32xi32, #tpu.memory_space<vmem>>, vector<16xi32>,
    %get3A_5 = arith.constant 0 : i32
    %get3A_6 = arith.index_cast %get3A_5 : i32 to index
    %get3A_7 = arith.constant 16 : index
    %get3A_8 = tpu.vector_load %arg6[%get3A_6, %get3A_7] {strides = array<i32>} : memref<2x32xi32, #tpu.memory_space<vmem>>, vector<16xi32>,
    %get3A_9 = arith.constant 1 : i32
    %get3A_10 = arith.index_cast %get3A_9 : i32 to index
    %get3A_11 = arith.constant 0 : index
    %get3A_12 = tpu.vector_load %arg6[%get3A_10, %get3A_11] {strides = array<i32>} : memref<2x32xi32, #tpu.memory_space<vmem>>, vector<16xi32>,
    %get3A_13 = arith.constant 1 : i32
    %get3A_14 = arith.index_cast %get3A_13 : i32 to index
    %get3A_15 = arith.constant 16 : index
    %get3A_16 = tpu.vector_load %arg6[%get3A_14, %get3A_15] {strides = array<i32>} : memref<2x32xi32, #tpu.memory_space<vmem>>, vector<16xi32>,
    %iota3A = tpu.iota {dimensions = array<i32: 0>} : vector<16xi32>
    %eq3A = arith.constant 0 : i32
    %eq3A_17 = vector.broadcast %eq3A : i32 to vector<16xi32>
    %eq3A_18 = arith.cmpi eq, %iota3A, %eq3A_17 : vector<16xi32>
    %jit3A = arith.constant 0 : i32
    %broadcast_in_dim3A = vector.broadcast %jit3A : i32 to vector<16xi32>
    %select_n3A = arith.select %eq3A_18, %get3A_12, %broadcast_in_dim3A : vector<16xi1>, vector<16xi32>
    %reduce_sum3A = arith.constant true
    %reduce_sum3A_19 = vector.broadcast %reduce_sum3A : i1 to vector<16xi1>
    %reduce_sum3A_20 = tpu.scan <sum>, %select_n3A masked %reduce_sum3A_19 : vector<16xi32>, vector<16xi1> -> vector<16xi32>
    %reduce_sum3A_21 = vector.extract %reduce_sum3A_20[15] : i32 from vector<16xi32>
    %eq3A_22 = arith.constant -16 : i32
    %eq3A_23 = vector.broadcast %eq3A_22 : i32 to vector<16xi32>
    %eq3A_24 = arith.cmpi eq, %iota3A, %eq3A_23 : vector<16xi32>
    %jit3A_25 = arith.constant 0 : i32
    %broadcast_in_dim3A_26 = vector.broadcast %jit3A_25 : i32 to vector<16xi32>
    %select_n3A_27 = arith.select %eq3A_24, %get3A_16, %broadcast_in_dim3A_26 : vector<16xi1>, vector<16xi32>
    %reduce_sum3A_28 = arith.constant true
    %reduce_sum3A_29 = vector.broadcast %reduce_sum3A_28 : i1 to vector<16xi1>
    %reduce_sum3A_30 = tpu.scan <sum>, %select_n3A_27 masked %reduce_sum3A_29 : vector<16xi32>, vector<16xi1> -> vector<16xi32>
    %reduce_sum3A_31 = vector.extract %reduce_sum3A_30[15] : i32 from vector<16xi32>
    %add3A_32 = arith.addi %reduce_sum3A_21, %reduce_sum3A_31 : i32
    %scan3A = arith.constant 0 : i32
    %scan3A_33 = arith.constant 0 : i32
    %scan3A_34 = arith.constant 32 : i32
    %scan3A_35 = arith.addi %scan3A_33, %scan3A_34 : i32
    %scan3A_36 = arith.constant 1 : i32
    scf.for %scan3A_208 = %scan3A_33 to %scan3A_35 step %scan3A_36  : i32 {
      %eq3A_209 = vector.broadcast %scan3A_208 : i32 to vector<16xi32>
      %eq3A_210 = arith.cmpi eq, %iota3A, %eq3A_209 : vector<16xi32>
      %jit3A_211 = arith.constant 0 : i32
      %broadcast_in_dim3A_212 = vector.broadcast %jit3A_211 : i32 to vector<16xi32>
      %select_n3A_213 = arith.select %eq3A_210, %get3A_4, %broadcast_in_dim3A_212 : vector<16xi1>, vector<16xi32>
      %reduce_sum3A_214 = arith.constant true
      %reduce_sum3A_215 = vector.broadcast %reduce_sum3A_214 : i1 to vector<16xi1>
      %reduce_sum3A_216 = tpu.scan <sum>, %select_n3A_213 masked %reduce_sum3A_215 : vector<16xi32>, vector<16xi1> -> vector<16xi32>
      %reduce_sum3A_217 = vector.extract %reduce_sum3A_216[15] : i32 from vector<16xi32>
      %sub3A = arith.constant 16 : i32
      %sub3A_218 = arith.subi %scan3A_208, %sub3A : i32
      %eq3A_219 = vector.broadcast %sub3A_218 : i32 to vector<16xi32>
      %eq3A_220 = arith.cmpi eq, %iota3A, %eq3A_219 : vector<16xi32>
      %jit3A_221 = arith.constant 0 : i32
      %broadcast_in_dim3A_222 = vector.broadcast %jit3A_221 : i32 to vector<16xi32>
      %select_n3A_223 = arith.select %eq3A_220, %get3A_8, %broadcast_in_dim3A_222 : vector<16xi1>, vector<16xi32>
      %reduce_sum3A_224 = arith.constant true
      %reduce_sum3A_225 = vector.broadcast %reduce_sum3A_224 : i1 to vector<16xi1>
      %reduce_sum3A_226 = tpu.scan <sum>, %select_n3A_223 masked %reduce_sum3A_225 : vector<16xi32>, vector<16xi1> -> vector<16xi32>
      %reduce_sum3A_227 = vector.extract %reduce_sum3A_226[15] : i32 from vector<16xi32>
      %add3A_228 = arith.addi %reduce_sum3A_217, %reduce_sum3A_227 : i32
      %dma_start3A = arith.constant 0 : i32
      %dma_start3A_229 = arith.constant 0 : i32
      %dma_start3A_230 = arith.constant 0 : i32
      %dma_start3A_231 = tpu.memref_slice %arg7[%dma_start3A, %scan3A_208, %dma_start3A_230] : memref<8x32x192xf32, #tpu.memory_space<vmem>> -> memref<1x1x192xf32, #tpu.memory_space<vmem>>
      %dma_start3A_232 = tpu.memref_squeeze %dma_start3A_231 : memref<1x1x192xf32, #tpu.memory_space<vmem>> -> memref<192xf32, #tpu.memory_space<vmem>>
      %dma_start3A_233 = arith.constant 0 : i32
      %dma_start3A_234 = tpu.memref_slice %arg2[%add3A, %add3A_32, %add3A_228, %dma_start3A_233] : memref<32x64x64x192xf32, #tpu.memory_space<hbm>> -> memref<1x1x1x192xf32, #tpu.memory_space<hbm>>
      %dma_start3A_235 = tpu.memref_squeeze %dma_start3A_234 : memref<1x1x1x192xf32, #tpu.memory_space<hbm>> -> memref<192xf32, #tpu.memory_space<hbm>>
      %dma_start3A_236 = tpu.memref_slice %arg8[%dma_start3A_229] : memref<8x!tpu.dma_semaphore, #tpu.memory_space<semaphore_mem>> -> memref<1x!tpu.dma_semaphore, #tpu.memory_space<semaphore_mem>>
      %dma_start3A_237 = tpu.memref_squeeze %dma_start3A_236 : memref<1x!tpu.dma_semaphore, #tpu.memory_space<semaphore_mem>> -> memref<!tpu.dma_semaphore, #tpu.memory_space<semaphore_mem>>
      %dma_start3A_238 = arith.constant 0 : i32
      %dma_start3A_239 = tpu.memref_slice %arg7[%dma_start3A, %scan3A_208, %dma_start3A_238] : memref<8x32x192xf32, #tpu.memory_space<vmem>> -> memref<1x1x192xf32, #tpu.memory_space<vmem>>
      %dma_start3A_240 = tpu.memref_squeeze %dma_start3A_239 : memref<1x1x192xf32, #tpu.memory_space<vmem>> -> memref<192xf32, #tpu.memory_space<vmem>>
      %dma_start3A_241 = arith.constant 0 : i32
      %dma_start3A_242 = tpu.memref_slice %arg2[%add3A, %add3A_32, %add3A_228, %dma_start3A_241] : memref<32x64x64x192xf32, #tpu.memory_space<hbm>> -> memref<1x1x1x192xf32, #tpu.memory_space<hbm>>
      %dma_start3A_243 = tpu.memref_squeeze %dma_start3A_242 : memref<1x1x1x192xf32, #tpu.memory_space<hbm>> -> memref<192xf32, #tpu.memory_space<hbm>>
      tpu.enqueue_dma source(%dma_start3A_243 : memref<192xf32, #tpu.memory_space<hbm>>) target(%dma_start3A_240 : memref<192xf32, #tpu.memory_space<vmem>>) target_semaphore(%dma_start3A_237 : memref<!tpu.dma_semaphore, #tpu.memory_space<semaphore_mem>>)
    }
    %scan3A_37 = arith.constant 32 : i32
    %eq3A_38 = arith.constant 1 : i32
    %eq3A_39 = vector.broadcast %eq3A_38 : i32 to vector<16xi32>
    %eq3A_40 = arith.cmpi eq, %iota3A, %eq3A_39 : vector<16xi32>
    %jit3A_41 = arith.constant 0 : i32
    %broadcast_in_dim3A_42 = vector.broadcast %jit3A_41 : i32 to vector<16xi32>
    %select_n3A_43 = arith.select %eq3A_40, %get3A_12, %broadcast_in_dim3A_42 : vector<16xi1>, vector<16xi32>
    %reduce_sum3A_44 = arith.constant true
    %reduce_sum3A_45 = vector.broadcast %reduce_sum3A_44 : i1 to vector<16xi1>
    %reduce_sum3A_46 = tpu.scan <sum>, %select_n3A_43 masked %reduce_sum3A_45 : vector<16xi32>, vector<16xi1> -> vector<16xi32>
    %reduce_sum3A_47 = vector.extract %reduce_sum3A_46[15] : i32 from vector<16xi32>
    %eq3A_48 = arith.constant -15 : i32
    %eq3A_49 = vector.broadcast %eq3A_48 : i32 to vector<16xi32>
    %eq3A_50 = arith.cmpi eq, %iota3A, %eq3A_49 : vector<16xi32>
    %jit3A_51 = arith.constant 0 : i32
    %broadcast_in_dim3A_52 = vector.broadcast %jit3A_51 : i32 to vector<16xi32>
    %select_n3A_53 = arith.select %eq3A_50, %get3A_16, %broadcast_in_dim3A_52 : vector<16xi1>, vector<16xi32>
    %reduce_sum3A_54 = arith.constant true
    %reduce_sum3A_55 = vector.broadcast %reduce_sum3A_54 : i1 to vector<16xi1>
    %reduce_sum3A_56 = tpu.scan <sum>, %select_n3A_53 masked %reduce_sum3A_55 : vector<16xi32>, vector<16xi1> -> vector<16xi32>
    %reduce_sum3A_57 = vector.extract %reduce_sum3A_56[15] : i32 from vector<16xi32>
    %add3A_58 = arith.addi %reduce_sum3A_47, %reduce_sum3A_57 : i32
    %scan3A_59 = arith.constant 0 : i32
    %scan3A_60 = arith.constant 0 : i32
    %scan3A_61 = arith.constant 32 : i32
    %scan3A_62 = arith.addi %scan3A_60, %scan3A_61 : i32
    %scan3A_63 = arith.constant 1 : i32
    scf.for %scan3A_208 = %scan3A_60 to %scan3A_62 step %scan3A_63  : i32 {
      %eq3A_209 = vector.broadcast %scan3A_208 : i32 to vector<16xi32>
      %eq3A_210 = arith.cmpi eq, %iota3A, %eq3A_209 : vector<16xi32>
      %jit3A_211 = arith.constant 0 : i32
      %broadcast_in_dim3A_212 = vector.broadcast %jit3A_211 : i32 to vector<16xi32>
      %select_n3A_213 = arith.select %eq3A_210, %get3A_4, %broadcast_in_dim3A_212 : vector<16xi1>, vector<16xi32>
      %reduce_sum3A_214 = arith.constant true
      %reduce_sum3A_215 = vector.broadcast %reduce_sum3A_214 : i1 to vector<16xi1>
      %reduce_sum3A_216 = tpu.scan <sum>, %select_n3A_213 masked %reduce_sum3A_215 : vector<16xi32>, vector<16xi1> -> vector<16xi32>
      %reduce_sum3A_217 = vector.extract %reduce_sum3A_216[15] : i32 from vector<16xi32>
      %sub3A = arith.constant 16 : i32
      %sub3A_218 = arith.subi %scan3A_208, %sub3A : i32
      %eq3A_219 = vector.broadcast %sub3A_218 : i32 to vector<16xi32>
      %eq3A_220 = arith.cmpi eq, %iota3A, %eq3A_219 : vector<16xi32>
      %jit3A_221 = arith.constant 0 : i32
      %broadcast_in_dim3A_222 = vector.broadcast %jit3A_221 : i32 to vector<16xi32>
      %select_n3A_223 = arith.select %eq3A_220, %get3A_8, %broadcast_in_dim3A_222 : vector<16xi1>, vector<16xi32>
      %reduce_sum3A_224 = arith.constant true
      %reduce_sum3A_225 = vector.broadcast %reduce_sum3A_224 : i1 to vector<16xi1>
      %reduce_sum3A_226 = tpu.scan <sum>, %select_n3A_223 masked %reduce_sum3A_225 : vector<16xi32>, vector<16xi1> -> vector<16xi32>
      %reduce_sum3A_227 = vector.extract %reduce_sum3A_226[15] : i32 from vector<16xi32>
      %add3A_228 = arith.addi %reduce_sum3A_217, %reduce_sum3A_227 : i32
      %dma_start3A = arith.constant 1 : i32
      %dma_start3A_229 = arith.constant 1 : i32
      %dma_start3A_230 = arith.constant 0 : i32
      %dma_start3A_231 = tpu.memref_slice %arg7[%dma_start3A, %scan3A_208, %dma_start3A_230] : memref<8x32x192xf32, #tpu.memory_space<vmem>> -> memref<1x1x192xf32, #tpu.memory_space<vmem>>
      %dma_start3A_232 = tpu.memref_squeeze %dma_start3A_231 : memref<1x1x192xf32, #tpu.memory_space<vmem>> -> memref<192xf32, #tpu.memory_space<vmem>>
      %dma_start3A_233 = arith.constant 0 : i32
      %dma_start3A_234 = tpu.memref_slice %arg2[%add3A, %add3A_58, %add3A_228, %dma_start3A_233] : memref<32x64x64x192xf32, #tpu.memory_space<hbm>> -> memref<1x1x1x192xf32, #tpu.memory_space<hbm>>
      %dma_start3A_235 = tpu.memref_squeeze %dma_start3A_234 : memref<1x1x1x192xf32, #tpu.memory_space<hbm>> -> memref<192xf32, #tpu.memory_space<hbm>>
      %dma_start3A_236 = tpu.memref_slice %arg8[%dma_start3A_229] : memref<8x!tpu.dma_semaphore, #tpu.memory_space<semaphore_mem>> -> memref<1x!tpu.dma_semaphore, #tpu.memory_space<semaphore_mem>>
      %dma_start3A_237 = tpu.memref_squeeze %dma_start3A_236 : memref<1x!tpu.dma_semaphore, #tpu.memory_space<semaphore_mem>> -> memref<!tpu.dma_semaphore, #tpu.memory_space<semaphore_mem>>
      %dma_start3A_238 = arith.constant 0 : i32
      %dma_start3A_239 = tpu.memref_slice %arg7[%dma_start3A, %scan3A_208, %dma_start3A_238] : memref<8x32x192xf32, #tpu.memory_space<vmem>> -> memref<1x1x192xf32, #tpu.memory_space<vmem>>
      %dma_start3A_240 = tpu.memref_squeeze %dma_start3A_239 : memref<1x1x192xf32, #tpu.memory_space<vmem>> -> memref<192xf32, #tpu.memory_space<vmem>>
      %dma_start3A_241 = arith.constant 0 : i32
      %dma_start3A_242 = tpu.memref_slice %arg2[%add3A, %add3A_58, %add3A_228, %dma_start3A_241] : memref<32x64x64x192xf32, #tpu.memory_space<hbm>> -> memref<1x1x1x192xf32, #tpu.memory_space<hbm>>
      %dma_start3A_243 = tpu.memref_squeeze %dma_start3A_242 : memref<1x1x1x192xf32, #tpu.memory_space<hbm>> -> memref<192xf32, #tpu.memory_space<hbm>>
      tpu.enqueue_dma source(%dma_start3A_243 : memref<192xf32, #tpu.memory_space<hbm>>) target(%dma_start3A_240 : memref<192xf32, #tpu.memory_space<vmem>>) target_semaphore(%dma_start3A_237 : memref<!tpu.dma_semaphore, #tpu.memory_space<semaphore_mem>>)
    }
    %scan3A_64 = arith.constant 32 : i32
    %eq3A_65 = arith.constant 2 : i32
    %eq3A_66 = vector.broadcast %eq3A_65 : i32 to vector<16xi32>
    %eq3A_67 = arith.cmpi eq, %iota3A, %eq3A_66 : vector<16xi32>
    %jit3A_68 = arith.constant 0 : i32
    %broadcast_in_dim3A_69 = vector.broadcast %jit3A_68 : i32 to vector<16xi32>
    %select_n3A_70 = arith.select %eq3A_67, %get3A_12, %broadcast_in_dim3A_69 : vector<16xi1>, vector<16xi32>
    %reduce_sum3A_71 = arith.constant true
    %reduce_sum3A_72 = vector.broadcast %reduce_sum3A_71 : i1 to vector<16xi1>
    %reduce_sum3A_73 = tpu.scan <sum>, %select_n3A_70 masked %reduce_sum3A_72 : vector<16xi32>, vector<16xi1> -> vector<16xi32>
    %reduce_sum3A_74 = vector.extract %reduce_sum3A_73[15] : i32 from vector<16xi32>
    %eq3A_75 = arith.constant -14 : i32
    %eq3A_76 = vector.broadcast %eq3A_75 : i32 to vector<16xi32>
    %eq3A_77 = arith.cmpi eq, %iota3A, %eq3A_76 : vector<16xi32>
    %jit3A_78 = arith.constant 0 : i32
    %broadcast_in_dim3A_79 = vector.broadcast %jit3A_78 : i32 to vector<16xi32>
    %select_n3A_80 = arith.select %eq3A_77, %get3A_16, %broadcast_in_dim3A_79 : vector<16xi1>, vector<16xi32>
    %reduce_sum3A_81 = arith.constant true
    %reduce_sum3A_82 = vector.broadcast %reduce_sum3A_81 : i1 to vector<16xi1>
    %reduce_sum3A_83 = tpu.scan <sum>, %select_n3A_80 masked %reduce_sum3A_82 : vector<16xi32>, vector<16xi1> -> vector<16xi32>
    %reduce_sum3A_84 = vector.extract %reduce_sum3A_83[15] : i32 from vector<16xi32>
    %add3A_85 = arith.addi %reduce_sum3A_74, %reduce_sum3A_84 : i32
    %scan3A_86 = arith.constant 0 : i32
    %scan3A_87 = arith.constant 0 : i32
    %scan3A_88 = arith.constant 32 : i32
    %scan3A_89 = arith.addi %scan3A_87, %scan3A_88 : i32
    %scan3A_90 = arith.constant 1 : i32
    scf.for %scan3A_208 = %scan3A_87 to %scan3A_89 step %scan3A_90  : i32 {
      %eq3A_209 = vector.broadcast %scan3A_208 : i32 to vector<16xi32>
      %eq3A_210 = arith.cmpi eq, %iota3A, %eq3A_209 : vector<16xi32>
      %jit3A_211 = arith.constant 0 : i32
      %broadcast_in_dim3A_212 = vector.broadcast %jit3A_211 : i32 to vector<16xi32>
      %select_n3A_213 = arith.select %eq3A_210, %get3A_4, %broadcast_in_dim3A_212 : vector<16xi1>, vector<16xi32>
      %reduce_sum3A_214 = arith.constant true
      %reduce_sum3A_215 = vector.broadcast %reduce_sum3A_214 : i1 to vector<16xi1>
      %reduce_sum3A_216 = tpu.scan <sum>, %select_n3A_213 masked %reduce_sum3A_215 : vector<16xi32>, vector<16xi1> -> vector<16xi32>
      %reduce_sum3A_217 = vector.extract %reduce_sum3A_216[15] : i32 from vector<16xi32>
      %sub3A = arith.constant 16 : i32
      %sub3A_218 = arith.subi %scan3A_208, %sub3A : i32
      %eq3A_219 = vector.broadcast %sub3A_218 : i32 to vector<16xi32>
      %eq3A_220 = arith.cmpi eq, %iota3A, %eq3A_219 : vector<16xi32>
      %jit3A_221 = arith.constant 0 : i32
      %broadcast_in_dim3A_222 = vector.broadcast %jit3A_221 : i32 to vector<16xi32>
      %select_n3A_223 = arith.select %eq3A_220, %get3A_8, %broadcast_in_dim3A_222 : vector<16xi1>, vector<16xi32>
      %reduce_sum3A_224 = arith.constant true
      %reduce_sum3A_225 = vector.broadcast %reduce_sum3A_224 : i1 to vector<16xi1>
      %reduce_sum3A_226 = tpu.scan <sum>, %select_n3A_223 masked %reduce_sum3A_225 : vector<16xi32>, vector<16xi1> -> vector<16xi32>
      %reduce_sum3A_227 = vector.extract %reduce_sum3A_226[15] : i32 from vector<16xi32>
      %add3A_228 = arith.addi %reduce_sum3A_217, %reduce_sum3A_227 : i32
      %dma_start3A = arith.constant 2 : i32
      %dma_start3A_229 = arith.constant 2 : i32
      %dma_start3A_230 = arith.constant 0 : i32
      %dma_start3A_231 = tpu.memref_slice %arg7[%dma_start3A, %scan3A_208, %dma_start3A_230] : memref<8x32x192xf32, #tpu.memory_space<vmem>> -> memref<1x1x192xf32, #tpu.memory_space<vmem>>
      %dma_start3A_232 = tpu.memref_squeeze %dma_start3A_231 : memref<1x1x192xf32, #tpu.memory_space<vmem>> -> memref<192xf32, #tpu.memory_space<vmem>>
      %dma_start3A_233 = arith.constant 0 : i32
      %dma_start3A_234 = tpu.memref_slice %arg2[%add3A, %add3A_85, %add3A_228, %dma_start3A_233] : memref<32x64x64x192xf32, #tpu.memory_space<hbm>> -> memref<1x1x1x192xf32, #tpu.memory_space<hbm>>
      %dma_start3A_235 = tpu.memref_squeeze %dma_start3A_234 : memref<1x1x1x192xf32, #tpu.memory_space<hbm>> -> memref<192xf32, #tpu.memory_space<hbm>>
      %dma_start3A_236 = tpu.memref_slice %arg8[%dma_start3A_229] : memref<8x!tpu.dma_semaphore, #tpu.memory_space<semaphore_mem>> -> memref<1x!tpu.dma_semaphore, #tpu.memory_space<semaphore_mem>>
      %dma_start3A_237 = tpu.memref_squeeze %dma_start3A_236 : memref<1x!tpu.dma_semaphore, #tpu.memory_space<semaphore_mem>> -> memref<!tpu.dma_semaphore, #tpu.memory_space<semaphore_mem>>
      %dma_start3A_238 = arith.constant 0 : i32
      %dma_start3A_239 = tpu.memref_slice %arg7[%dma_start3A, %scan3A_208, %dma_start3A_238] : memref<8x32x192xf32, #tpu.memory_space<vmem>> -> memref<1x1x192xf32, #tpu.memory_space<vmem>>
      %dma_start3A_240 = tpu.memref_squeeze %dma_start3A_239 : memref<1x1x192xf32, #tpu.memory_space<vmem>> -> memref<192xf32, #tpu.memory_space<vmem>>
      %dma_start3A_241 = arith.constant 0 : i32
      %dma_start3A_242 = tpu.memref_slice %arg2[%add3A, %add3A_85, %add3A_228, %dma_start3A_241] : memref<32x64x64x192xf32, #tpu.memory_space<hbm>> -> memref<1x1x1x192xf32, #tpu.memory_space<hbm>>
      %dma_start3A_243 = tpu.memref_squeeze %dma_start3A_242 : memref<1x1x1x192xf32, #tpu.memory_space<hbm>> -> memref<192xf32, #tpu.memory_space<hbm>>
      tpu.enqueue_dma source(%dma_start3A_243 : memref<192xf32, #tpu.memory_space<hbm>>) target(%dma_start3A_240 : memref<192xf32, #tpu.memory_space<vmem>>) target_semaphore(%dma_start3A_237 : memref<!tpu.dma_semaphore, #tpu.memory_space<semaphore_mem>>)
    }
    %scan3A_91 = arith.constant 32 : i32
    %eq3A_92 = arith.constant 3 : i32
    %eq3A_93 = vector.broadcast %eq3A_92 : i32 to vector<16xi32>
    %eq3A_94 = arith.cmpi eq, %iota3A, %eq3A_93 : vector<16xi32>
    %jit3A_95 = arith.constant 0 : i32
    %broadcast_in_dim3A_96 = vector.broadcast %jit3A_95 : i32 to vector<16xi32>
    %select_n3A_97 = arith.select %eq3A_94, %get3A_12, %broadcast_in_dim3A_96 : vector<16xi1>, vector<16xi32>
    %reduce_sum3A_98 = arith.constant true
    %reduce_sum3A_99 = vector.broadcast %reduce_sum3A_98 : i1 to vector<16xi1>
    %reduce_sum3A_100 = tpu.scan <sum>, %select_n3A_97 masked %reduce_sum3A_99 : vector<16xi32>, vector<16xi1> -> vector<16xi32>
    %reduce_sum3A_101 = vector.extract %reduce_sum3A_100[15] : i32 from vector<16xi32>
    %eq3A_102 = arith.constant -13 : i32
    %eq3A_103 = vector.broadcast %eq3A_102 : i32 to vector<16xi32>
    %eq3A_104 = arith.cmpi eq, %iota3A, %eq3A_103 : vector<16xi32>
    %jit3A_105 = arith.constant 0 : i32
    %broadcast_in_dim3A_106 = vector.broadcast %jit3A_105 : i32 to vector<16xi32>
    %select_n3A_107 = arith.select %eq3A_104, %get3A_16, %broadcast_in_dim3A_106 : vector<16xi1>, vector<16xi32>
    %reduce_sum3A_108 = arith.constant true
    %reduce_sum3A_109 = vector.broadcast %reduce_sum3A_108 : i1 to vector<16xi1>
    %reduce_sum3A_110 = tpu.scan <sum>, %select_n3A_107 masked %reduce_sum3A_109 : vector<16xi32>, vector<16xi1> -> vector<16xi32>
    %reduce_sum3A_111 = vector.extract %reduce_sum3A_110[15] : i32 from vector<16xi32>
    %add3A_112 = arith.addi %reduce_sum3A_101, %reduce_sum3A_111 : i32
    %scan3A_113 = arith.constant 0 : i32
    %scan3A_114 = arith.constant 0 : i32
    %scan3A_115 = arith.constant 32 : i32
    %scan3A_116 = arith.addi %scan3A_114, %scan3A_115 : i32
    %scan3A_117 = arith.constant 1 : i32
    scf.for %scan3A_208 = %scan3A_114 to %scan3A_116 step %scan3A_117  : i32 {
      %eq3A_209 = vector.broadcast %scan3A_208 : i32 to vector<16xi32>
      %eq3A_210 = arith.cmpi eq, %iota3A, %eq3A_209 : vector<16xi32>
      %jit3A_211 = arith.constant 0 : i32
      %broadcast_in_dim3A_212 = vector.broadcast %jit3A_211 : i32 to vector<16xi32>
      %select_n3A_213 = arith.select %eq3A_210, %get3A_4, %broadcast_in_dim3A_212 : vector<16xi1>, vector<16xi32>
      %reduce_sum3A_214 = arith.constant true
      %reduce_sum3A_215 = vector.broadcast %reduce_sum3A_214 : i1 to vector<16xi1>
      %reduce_sum3A_216 = tpu.scan <sum>, %select_n3A_213 masked %reduce_sum3A_215 : vector<16xi32>, vector<16xi1> -> vector<16xi32>
      %reduce_sum3A_217 = vector.extract %reduce_sum3A_216[15] : i32 from vector<16xi32>
      %sub3A = arith.constant 16 : i32
      %sub3A_218 = arith.subi %scan3A_208, %sub3A : i32
      %eq3A_219 = vector.broadcast %sub3A_218 : i32 to vector<16xi32>
      %eq3A_220 = arith.cmpi eq, %iota3A, %eq3A_219 : vector<16xi32>
      %jit3A_221 = arith.constant 0 : i32
      %broadcast_in_dim3A_222 = vector.broadcast %jit3A_221 : i32 to vector<16xi32>
      %select_n3A_223 = arith.select %eq3A_220, %get3A_8, %broadcast_in_dim3A_222 : vector<16xi1>, vector<16xi32>
      %reduce_sum3A_224 = arith.constant true
      %reduce_sum3A_225 = vector.broadcast %reduce_sum3A_224 : i1 to vector<16xi1>
      %reduce_sum3A_226 = tpu.scan <sum>, %select_n3A_223 masked %reduce_sum3A_225 : vector<16xi32>, vector<16xi1> -> vector<16xi32>
      %reduce_sum3A_227 = vector.extract %reduce_sum3A_226[15] : i32 from vector<16xi32>
      %add3A_228 = arith.addi %reduce_sum3A_217, %reduce_sum3A_227 : i32
      %dma_start3A = arith.constant 3 : i32
      %dma_start3A_229 = arith.constant 3 : i32
      %dma_start3A_230 = arith.constant 0 : i32
      %dma_start3A_231 = tpu.memref_slice %arg7[%dma_start3A, %scan3A_208, %dma_start3A_230] : memref<8x32x192xf32, #tpu.memory_space<vmem>> -> memref<1x1x192xf32, #tpu.memory_space<vmem>>
      %dma_start3A_232 = tpu.memref_squeeze %dma_start3A_231 : memref<1x1x192xf32, #tpu.memory_space<vmem>> -> memref<192xf32, #tpu.memory_space<vmem>>
      %dma_start3A_233 = arith.constant 0 : i32
      %dma_start3A_234 = tpu.memref_slice %arg2[%add3A, %add3A_112, %add3A_228, %dma_start3A_233] : memref<32x64x64x192xf32, #tpu.memory_space<hbm>> -> memref<1x1x1x192xf32, #tpu.memory_space<hbm>>
      %dma_start3A_235 = tpu.memref_squeeze %dma_start3A_234 : memref<1x1x1x192xf32, #tpu.memory_space<hbm>> -> memref<192xf32, #tpu.memory_space<hbm>>
      %dma_start3A_236 = tpu.memref_slice %arg8[%dma_start3A_229] : memref<8x!tpu.dma_semaphore, #tpu.memory_space<semaphore_mem>> -> memref<1x!tpu.dma_semaphore, #tpu.memory_space<semaphore_mem>>
      %dma_start3A_237 = tpu.memref_squeeze %dma_start3A_236 : memref<1x!tpu.dma_semaphore, #tpu.memory_space<semaphore_mem>> -> memref<!tpu.dma_semaphore, #tpu.memory_space<semaphore_mem>>
      %dma_start3A_238 = arith.constant 0 : i32
      %dma_start3A_239 = tpu.memref_slice %arg7[%dma_start3A, %scan3A_208, %dma_start3A_238] : memref<8x32x192xf32, #tpu.memory_space<vmem>> -> memref<1x1x192xf32, #tpu.memory_space<vmem>>
      %dma_start3A_240 = tpu.memref_squeeze %dma_start3A_239 : memref<1x1x192xf32, #tpu.memory_space<vmem>> -> memref<192xf32, #tpu.memory_space<vmem>>
      %dma_start3A_241 = arith.constant 0 : i32
      %dma_start3A_242 = tpu.memref_slice %arg2[%add3A, %add3A_112, %add3A_228, %dma_start3A_241] : memref<32x64x64x192xf32, #tpu.memory_space<hbm>> -> memref<1x1x1x192xf32, #tpu.memory_space<hbm>>
      %dma_start3A_243 = tpu.memref_squeeze %dma_start3A_242 : memref<1x1x1x192xf32, #tpu.memory_space<hbm>> -> memref<192xf32, #tpu.memory_space<hbm>>
      tpu.enqueue_dma source(%dma_start3A_243 : memref<192xf32, #tpu.memory_space<hbm>>) target(%dma_start3A_240 : memref<192xf32, #tpu.memory_space<vmem>>) target_semaphore(%dma_start3A_237 : memref<!tpu.dma_semaphore, #tpu.memory_space<semaphore_mem>>)
    }
    %scan3A_118 = arith.constant 32 : i32
    %scan3A_119 = arith.constant 0 : i32
    %scan3A_120 = arith.constant 0 : i32
    %scan3A_121 = arith.constant 4 : i32
    %scan3A_122 = arith.addi %scan3A_120, %scan3A_121 : i32
    %scan3A_123 = arith.constant 1 : i32
    scf.for %scan3A_208 = %scan3A_120 to %scan3A_122 step %scan3A_123  : i32 {
      %mul3A_209 = arith.constant 8 : i32
      %mul3A_210 = arith.muli %scan3A_208, %mul3A_209 : i32
      %add3A_211 = arith.constant 0 : i32
      %add3A_212 = arith.addi %mul3A_210, %add3A_211 : i32
      %dma_wait3A_213 = arith.constant 0 : i32
      %dma_wait3A_214 = arith.constant 0 : i32
      %dma_wait3A_215 = arith.constant 0 : i32
      %dma_wait3A_216 = arith.constant 0 : i32
      %dma_wait3A_217 = arith.constant 0 : i32
      %dma_wait3A_218 = tpu.memref_slice %arg7[%dma_wait3A_214, %dma_wait3A_216, %dma_wait3A_217] : memref<8x32x192xf32, #tpu.memory_space<vmem>> -> memref<1x32x192xf32, #tpu.memory_space<vmem>>
      %dma_wait3A_219 = tpu.memref_squeeze %dma_wait3A_218 : memref<1x32x192xf32, #tpu.memory_space<vmem>> -> memref<32x192xf32, #tpu.memory_space<vmem>>
      %dma_wait3A_220 = arith.constant 0 : i32
      %dma_wait3A_221 = arith.constant 0 : i32
      %dma_wait3A_222 = tpu.memref_slice %arg2[%add3A, %dma_wait3A_213, %dma_wait3A_220, %dma_wait3A_221] : memref<32x64x64x192xf32, #tpu.memory_space<hbm>> -> memref<1x1x32x192xf32, #tpu.memory_space<hbm>>
      %dma_wait3A_223 = tpu.memref_squeeze %dma_wait3A_222 : memref<1x1x32x192xf32, #tpu.memory_space<hbm>> -> memref<32x192xf32, #tpu.memory_space<hbm>>
      %dma_wait3A_224 = tpu.memref_slice %arg8[%dma_wait3A_215] : memref<8x!tpu.dma_semaphore, #tpu.memory_space<semaphore_mem>> -> memref<1x!tpu.dma_semaphore, #tpu.memory_space<semaphore_mem>>
      %dma_wait3A_225 = tpu.memref_squeeze %dma_wait3A_224 : memref<1x!tpu.dma_semaphore, #tpu.memory_space<semaphore_mem>> -> memref<!tpu.dma_semaphore, #tpu.memory_space<semaphore_mem>>
      %dma_wait3A_226 = arith.constant 0 : i32
      %dma_wait3A_227 = arith.constant 0 : i32
      %dma_wait3A_228 = tpu.memref_slice %arg7[%dma_wait3A_214, %dma_wait3A_226, %dma_wait3A_227] : memref<8x32x192xf32, #tpu.memory_space<vmem>> -> memref<1x32x192xf32, #tpu.memory_space<vmem>>
      %dma_wait3A_229 = tpu.memref_squeeze %dma_wait3A_228 : memref<1x32x192xf32, #tpu.memory_space<vmem>> -> memref<32x192xf32, #tpu.memory_space<vmem>>
      %dma_wait3A_230 = arith.constant 0 : i32
      %dma_wait3A_231 = arith.constant 0 : i32
      %dma_wait3A_232 = tpu.memref_slice %arg2[%add3A, %dma_wait3A_213, %dma_wait3A_230, %dma_wait3A_231] : memref<32x64x64x192xf32, #tpu.memory_space<hbm>> -> memref<1x1x32x192xf32, #tpu.memory_space<hbm>>
      %dma_wait3A_233 = tpu.memref_squeeze %dma_wait3A_232 : memref<1x1x32x192xf32, #tpu.memory_space<hbm>> -> memref<32x192xf32, #tpu.memory_space<hbm>>
      tpu.wait_dma2 semaphore(%dma_wait3A_225 : memref<!tpu.dma_semaphore, #tpu.memory_space<semaphore_mem>>) src(%dma_wait3A_233 : memref<32x192xf32, #tpu.memory_space<hbm>>) dst(%dma_wait3A_229 : memref<32x192xf32, #tpu.memory_space<vmem>>)
      %dma_start3A = arith.constant 0 : i32
      %dma_start3A_234 = arith.constant 0 : i32
      %dma_start3A_235 = arith.constant 0 : i32
      %dma_start3A_236 = arith.constant 0 : i32
      %dma_start3A_237 = tpu.memref_slice %arg7[%dma_start3A, %dma_start3A_235, %dma_start3A_236] : memref<8x32x192xf32, #tpu.memory_space<vmem>> -> memref<1x32x192xf32, #tpu.memory_space<vmem>>
      %dma_start3A_238 = tpu.memref_squeeze %dma_start3A_237 : memref<1x32x192xf32, #tpu.memory_space<vmem>> -> memref<32x192xf32, #tpu.memory_space<vmem>>
      %dma_start3A_239 = arith.constant 0 : i32
      %dma_start3A_240 = arith.constant 0 : i32
      %dma_start3A_241 = tpu.memref_slice %arg5[%add3A, %add3A_212, %dma_start3A_239, %dma_start3A_240] : memref<32x32x32x192xf32, #tpu.memory_space<hbm>> -> memref<1x1x32x192xf32, #tpu.memory_space<hbm>>
      %dma_start3A_242 = tpu.memref_squeeze %dma_start3A_241 : memref<1x1x32x192xf32, #tpu.memory_space<hbm>> -> memref<32x192xf32, #tpu.memory_space<hbm>>
      %dma_start3A_243 = tpu.memref_slice %arg9[%dma_start3A_234] : memref<8x!tpu.dma_semaphore, #tpu.memory_space<semaphore_mem>> -> memref<1x!tpu.dma_semaphore, #tpu.memory_space<semaphore_mem>>
      %dma_start3A_244 = tpu.memref_squeeze %dma_start3A_243 : memref<1x!tpu.dma_semaphore, #tpu.memory_space<semaphore_mem>> -> memref<!tpu.dma_semaphore, #tpu.memory_space<semaphore_mem>>
      %dma_start3A_245 = arith.constant 0 : i32
      %dma_start3A_246 = arith.constant 0 : i32
      %dma_start3A_247 = tpu.memref_slice %arg5[%add3A, %add3A_212, %dma_start3A_245, %dma_start3A_246] : memref<32x32x32x192xf32, #tpu.memory_space<hbm>> -> memref<1x1x32x192xf32, #tpu.memory_space<hbm>>
      %dma_start3A_248 = tpu.memref_squeeze %dma_start3A_247 : memref<1x1x32x192xf32, #tpu.memory_space<hbm>> -> memref<32x192xf32, #tpu.memory_space<hbm>>
      %dma_start3A_249 = arith.constant 0 : i32
      %dma_start3A_250 = arith.constant 0 : i32
      %dma_start3A_251 = tpu.memref_slice %arg7[%dma_start3A, %dma_start3A_249, %dma_start3A_250] : memref<8x32x192xf32, #tpu.memory_space<vmem>> -> memref<1x32x192xf32, #tpu.memory_space<vmem>>
      %dma_start3A_252 = tpu.memref_squeeze %dma_start3A_251 : memref<1x32x192xf32, #tpu.memory_space<vmem>> -> memref<32x192xf32, #tpu.memory_space<vmem>>
      tpu.enqueue_dma source(%dma_start3A_252 : memref<32x192xf32, #tpu.memory_space<vmem>>) target(%dma_start3A_248 : memref<32x192xf32, #tpu.memory_space<hbm>>) target_semaphore(%dma_start3A_244 : memref<!tpu.dma_semaphore, #tpu.memory_space<semaphore_mem>>)
      %ge3A = arith.constant 4 : i32
      %ge3A_253 = arith.cmpi sge, %add3A_212, %ge3A : i32
      %convert_element_type3A = arith.extui %ge3A_253 : i1 to i32
      %cond3A = arith.constant 0 : i32
      %cond3A_254 = arith.cmpi ne, %convert_element_type3A, %cond3A : i32
      scf.if %cond3A_254 {
        %sub3A = arith.constant 4 : i32
        %sub3A_660 = arith.subi %add3A_212, %sub3A : i32
        %dma_wait3A_661 = arith.constant 4 : i32
        %dma_wait3A_662 = arith.constant 4 : i32
        %dma_wait3A_663 = arith.constant 0 : i32
        %dma_wait3A_664 = arith.constant 0 : i32
        %dma_wait3A_665 = tpu.memref_slice %arg7[%dma_wait3A_661, %dma_wait3A_663, %dma_wait3A_664] : memref<8x32x192xf32, #tpu.memory_space<vmem>> -> memref<1x32x192xf32, #tpu.memory_space<vmem>>
        %dma_wait3A_666 = tpu.memref_squeeze %dma_wait3A_665 : memref<1x32x192xf32, #tpu.memory_space<vmem>> -> memref<32x192xf32, #tpu.memory_space<vmem>>
        %dma_wait3A_667 = arith.constant 0 : i32
        %dma_wait3A_668 = arith.constant 0 : i32
        %dma_wait3A_669 = tpu.memref_slice %arg5[%add3A, %sub3A_660, %dma_wait3A_667, %dma_wait3A_668] : memref<32x32x32x192xf32, #tpu.memory_space<hbm>> -> memref<1x1x32x192xf32, #tpu.memory_space<hbm>>
        %dma_wait3A_670 = tpu.memref_squeeze %dma_wait3A_669 : memref<1x1x32x192xf32, #tpu.memory_space<hbm>> -> memref<32x192xf32, #tpu.memory_space<hbm>>
        %dma_wait3A_671 = tpu.memref_slice %arg9[%dma_wait3A_662] : memref<8x!tpu.dma_semaphore, #tpu.memory_space<semaphore_mem>> -> memref<1x!tpu.dma_semaphore, #tpu.memory_space<semaphore_mem>>
        %dma_wait3A_672 = tpu.memref_squeeze %dma_wait3A_671 : memref<1x!tpu.dma_semaphore, #tpu.memory_space<semaphore_mem>> -> memref<!tpu.dma_semaphore, #tpu.memory_space<semaphore_mem>>
        %dma_wait3A_673 = arith.constant 0 : i32
        %dma_wait3A_674 = arith.constant 0 : i32
        %dma_wait3A_675 = tpu.memref_slice %arg5[%add3A, %sub3A_660, %dma_wait3A_673, %dma_wait3A_674] : memref<32x32x32x192xf32, #tpu.memory_space<hbm>> -> memref<1x1x32x192xf32, #tpu.memory_space<hbm>>
        %dma_wait3A_676 = tpu.memref_squeeze %dma_wait3A_675 : memref<1x1x32x192xf32, #tpu.memory_space<hbm>> -> memref<32x192xf32, #tpu.memory_space<hbm>>
        %dma_wait3A_677 = arith.constant 0 : i32
        %dma_wait3A_678 = arith.constant 0 : i32
        %dma_wait3A_679 = tpu.memref_slice %arg7[%dma_wait3A_661, %dma_wait3A_677, %dma_wait3A_678] : memref<8x32x192xf32, #tpu.memory_space<vmem>> -> memref<1x32x192xf32, #tpu.memory_space<vmem>>
        %dma_wait3A_680 = tpu.memref_squeeze %dma_wait3A_679 : memref<1x32x192xf32, #tpu.memory_space<vmem>> -> memref<32x192xf32, #tpu.memory_space<vmem>>
        tpu.wait_dma2 semaphore(%dma_wait3A_672 : memref<!tpu.dma_semaphore, #tpu.memory_space<semaphore_mem>>) src(%dma_wait3A_680 : memref<32x192xf32, #tpu.memory_space<vmem>>) dst(%dma_wait3A_676 : memref<32x192xf32, #tpu.memory_space<hbm>>)
      } else {
      }
      %add3A_255 = arith.constant 4 : i32
      %add3A_256 = arith.addi %add3A_212, %add3A_255 : i32
      %lt3A = arith.constant 32 : i32
      %lt3A_257 = arith.cmpi slt, %add3A_256, %lt3A : i32
      %convert_element_type3A_258 = arith.extui %lt3A_257 : i1 to i32
      %cond3A_259 = arith.constant 0 : i32
      %cond3A_260 = arith.cmpi ne, %convert_element_type3A_258, %cond3A_259 : i32
      scf.if %cond3A_260 {
        %add3A_660 = arith.constant 4 : i32
        %add3A_661 = arith.addi %add3A_212, %add3A_660 : i32
        %eq3A_662 = vector.broadcast %add3A_661 : i32 to vector<16xi32>
        %eq3A_663 = arith.cmpi eq, %iota3A, %eq3A_662 : vector<16xi32>
        %jit3A_664 = arith.constant 0 : i32
        %broadcast_in_dim3A_665 = vector.broadcast %jit3A_664 : i32 to vector<16xi32>
        %select_n3A_666 = arith.select %eq3A_663, %get3A_12, %broadcast_in_dim3A_665 : vector<16xi1>, vector<16xi32>
        %reduce_sum3A_667 = arith.constant true
        %reduce_sum3A_668 = vector.broadcast %reduce_sum3A_667 : i1 to vector<16xi1>
        %reduce_sum3A_669 = tpu.scan <sum>, %select_n3A_666 masked %reduce_sum3A_668 : vector<16xi32>, vector<16xi1> -> vector<16xi32>
        %reduce_sum3A_670 = vector.extract %reduce_sum3A_669[15] : i32 from vector<16xi32>
        %sub3A = arith.constant 16 : i32
        %sub3A_671 = arith.subi %add3A_661, %sub3A : i32
        %eq3A_672 = vector.broadcast %sub3A_671 : i32 to vector<16xi32>
        %eq3A_673 = arith.cmpi eq, %iota3A, %eq3A_672 : vector<16xi32>
        %jit3A_674 = arith.constant 0 : i32
        %broadcast_in_dim3A_675 = vector.broadcast %jit3A_674 : i32 to vector<16xi32>
        %select_n3A_676 = arith.select %eq3A_673, %get3A_16, %broadcast_in_dim3A_675 : vector<16xi1>, vector<16xi32>
        %reduce_sum3A_677 = arith.constant true
        %reduce_sum3A_678 = vector.broadcast %reduce_sum3A_677 : i1 to vector<16xi1>
        %reduce_sum3A_679 = tpu.scan <sum>, %select_n3A_676 masked %reduce_sum3A_678 : vector<16xi32>, vector<16xi1> -> vector<16xi32>
        %reduce_sum3A_680 = vector.extract %reduce_sum3A_679[15] : i32 from vector<16xi32>
        %add3A_681 = arith.addi %reduce_sum3A_670, %reduce_sum3A_680 : i32
        %scan3A_682 = arith.constant 0 : i32
        %scan3A_683 = arith.constant 0 : i32
        %scan3A_684 = arith.constant 32 : i32
        %scan3A_685 = arith.addi %scan3A_683, %scan3A_684 : i32
        %scan3A_686 = arith.constant 1 : i32
        scf.for %scan3A_688 = %scan3A_683 to %scan3A_685 step %scan3A_686  : i32 {
          %eq3A_689 = vector.broadcast %scan3A_688 : i32 to vector<16xi32>
          %eq3A_690 = arith.cmpi eq, %iota3A, %eq3A_689 : vector<16xi32>
          %jit3A_691 = arith.constant 0 : i32
          %broadcast_in_dim3A_692 = vector.broadcast %jit3A_691 : i32 to vector<16xi32>
          %select_n3A_693 = arith.select %eq3A_690, %get3A_4, %broadcast_in_dim3A_692 : vector<16xi1>, vector<16xi32>
          %reduce_sum3A_694 = arith.constant true
          %reduce_sum3A_695 = vector.broadcast %reduce_sum3A_694 : i1 to vector<16xi1>
          %reduce_sum3A_696 = tpu.scan <sum>, %select_n3A_693 masked %reduce_sum3A_695 : vector<16xi32>, vector<16xi1> -> vector<16xi32>
          %reduce_sum3A_697 = vector.extract %reduce_sum3A_696[15] : i32 from vector<16xi32>
          %sub3A_698 = arith.constant 16 : i32
          %sub3A_699 = arith.subi %scan3A_688, %sub3A_698 : i32
          %eq3A_700 = vector.broadcast %sub3A_699 : i32 to vector<16xi32>
          %eq3A_701 = arith.cmpi eq, %iota3A, %eq3A_700 : vector<16xi32>
          %jit3A_702 = arith.constant 0 : i32
          %broadcast_in_dim3A_703 = vector.broadcast %jit3A_702 : i32 to vector<16xi32>
          %select_n3A_704 = arith.select %eq3A_701, %get3A_8, %broadcast_in_dim3A_703 : vector<16xi1>, vector<16xi32>
          %reduce_sum3A_705 = arith.constant true
          %reduce_sum3A_706 = vector.broadcast %reduce_sum3A_705 : i1 to vector<16xi1>
          %reduce_sum3A_707 = tpu.scan <sum>, %select_n3A_704 masked %reduce_sum3A_706 : vector<16xi32>, vector<16xi1> -> vector<16xi32>
          %reduce_sum3A_708 = vector.extract %reduce_sum3A_707[15] : i32 from vector<16xi32>
          %add3A_709 = arith.addi %reduce_sum3A_697, %reduce_sum3A_708 : i32
          %dma_start3A_710 = arith.constant 4 : i32
          %dma_start3A_711 = arith.constant 4 : i32
          %dma_start3A_712 = arith.constant 0 : i32
          %dma_start3A_713 = tpu.memref_slice %arg7[%dma_start3A_710, %scan3A_688, %dma_start3A_712] : memref<8x32x192xf32, #tpu.memory_space<vmem>> -> memref<1x1x192xf32, #tpu.memory_space<vmem>>
          %dma_start3A_714 = tpu.memref_squeeze %dma_start3A_713 : memref<1x1x192xf32, #tpu.memory_space<vmem>> -> memref<192xf32, #tpu.memory_space<vmem>>
          %dma_start3A_715 = arith.constant 0 : i32
          %dma_start3A_716 = tpu.memref_slice %arg2[%add3A, %add3A_681, %add3A_709, %dma_start3A_715] : memref<32x64x64x192xf32, #tpu.memory_space<hbm>> -> memref<1x1x1x192xf32, #tpu.memory_space<hbm>>
          %dma_start3A_717 = tpu.memref_squeeze %dma_start3A_716 : memref<1x1x1x192xf32, #tpu.memory_space<hbm>> -> memref<192xf32, #tpu.memory_space<hbm>>
          %dma_start3A_718 = tpu.memref_slice %arg8[%dma_start3A_711] : memref<8x!tpu.dma_semaphore, #tpu.memory_space<semaphore_mem>> -> memref<1x!tpu.dma_semaphore, #tpu.memory_space<semaphore_mem>>
          %dma_start3A_719 = tpu.memref_squeeze %dma_start3A_718 : memref<1x!tpu.dma_semaphore, #tpu.memory_space<semaphore_mem>> -> memref<!tpu.dma_semaphore, #tpu.memory_space<semaphore_mem>>
          %dma_start3A_720 = arith.constant 0 : i32
          %dma_start3A_721 = tpu.memref_slice %arg7[%dma_start3A_710, %scan3A_688, %dma_start3A_720] : memref<8x32x192xf32, #tpu.memory_space<vmem>> -> memref<1x1x192xf32, #tpu.memory_space<vmem>>
          %dma_start3A_722 = tpu.memref_squeeze %dma_start3A_721 : memref<1x1x192xf32, #tpu.memory_space<vmem>> -> memref<192xf32, #tpu.memory_space<vmem>>
          %dma_start3A_723 = arith.constant 0 : i32
          %dma_start3A_724 = tpu.memref_slice %arg2[%add3A, %add3A_681, %add3A_709, %dma_start3A_723] : memref<32x64x64x192xf32, #tpu.memory_space<hbm>> -> memref<1x1x1x192xf32, #tpu.memory_space<hbm>>
          %dma_start3A_725 = tpu.memref_squeeze %dma_start3A_724 : memref<1x1x1x192xf32, #tpu.memory_space<hbm>> -> memref<192xf32, #tpu.memory_space<hbm>>
          tpu.enqueue_dma source(%dma_start3A_725 : memref<192xf32, #tpu.memory_space<hbm>>) target(%dma_start3A_722 : memref<192xf32, #tpu.memory_space<vmem>>) target_semaphore(%dma_start3A_719 : memref<!tpu.dma_semaphore, #tpu.memory_space<semaphore_mem>>)
        }
        %scan3A_687 = arith.constant 32 : i32
      } else {
      }
      %mul3A_261 = arith.constant 8 : i32
      %mul3A_262 = arith.muli %scan3A_208, %mul3A_261 : i32
      %add3A_263 = arith.constant 1 : i32
      %add3A_264 = arith.addi %mul3A_262, %add3A_263 : i32
      %dma_wait3A_265 = arith.constant 0 : i32
      %dma_wait3A_266 = arith.constant 1 : i32
      %dma_wait3A_267 = arith.constant 1 : i32
      %dma_wait3A_268 = arith.constant 0 : i32
      %dma_wait3A_269 = arith.constant 0 : i32
      %dma_wait3A_270 = tpu.memref_slice %arg7[%dma_wait3A_266, %dma_wait3A_268, %dma_wait3A_269] : memref<8x32x192xf32, #tpu.memory_space<vmem>> -> memref<1x32x192xf32, #tpu.memory_space<vmem>>
      %dma_wait3A_271 = tpu.memref_squeeze %dma_wait3A_270 : memref<1x32x192xf32, #tpu.memory_space<vmem>> -> memref<32x192xf32, #tpu.memory_space<vmem>>
      %dma_wait3A_272 = arith.constant 0 : i32
      %dma_wait3A_273 = arith.constant 0 : i32
      %dma_wait3A_274 = tpu.memref_slice %arg2[%add3A, %dma_wait3A_265, %dma_wait3A_272, %dma_wait3A_273] : memref<32x64x64x192xf32, #tpu.memory_space<hbm>> -> memref<1x1x32x192xf32, #tpu.memory_space<hbm>>
      %dma_wait3A_275 = tpu.memref_squeeze %dma_wait3A_274 : memref<1x1x32x192xf32, #tpu.memory_space<hbm>> -> memref<32x192xf32, #tpu.memory_space<hbm>>
      %dma_wait3A_276 = tpu.memref_slice %arg8[%dma_wait3A_267] : memref<8x!tpu.dma_semaphore, #tpu.memory_space<semaphore_mem>> -> memref<1x!tpu.dma_semaphore, #tpu.memory_space<semaphore_mem>>
      %dma_wait3A_277 = tpu.memref_squeeze %dma_wait3A_276 : memref<1x!tpu.dma_semaphore, #tpu.memory_space<semaphore_mem>> -> memref<!tpu.dma_semaphore, #tpu.memory_space<semaphore_mem>>
      %dma_wait3A_278 = arith.constant 0 : i32
      %dma_wait3A_279 = arith.constant 0 : i32
      %dma_wait3A_280 = tpu.memref_slice %arg7[%dma_wait3A_266, %dma_wait3A_278, %dma_wait3A_279] : memref<8x32x192xf32, #tpu.memory_space<vmem>> -> memref<1x32x192xf32, #tpu.memory_space<vmem>>
      %dma_wait3A_281 = tpu.memref_squeeze %dma_wait3A_280 : memref<1x32x192xf32, #tpu.memory_space<vmem>> -> memref<32x192xf32, #tpu.memory_space<vmem>>
      %dma_wait3A_282 = arith.constant 0 : i32
      %dma_wait3A_283 = arith.constant 0 : i32
      %dma_wait3A_284 = tpu.memref_slice %arg2[%add3A, %dma_wait3A_265, %dma_wait3A_282, %dma_wait3A_283] : memref<32x64x64x192xf32, #tpu.memory_space<hbm>> -> memref<1x1x32x192xf32, #tpu.memory_space<hbm>>
      %dma_wait3A_285 = tpu.memref_squeeze %dma_wait3A_284 : memref<1x1x32x192xf32, #tpu.memory_space<hbm>> -> memref<32x192xf32, #tpu.memory_space<hbm>>
      tpu.wait_dma2 semaphore(%dma_wait3A_277 : memref<!tpu.dma_semaphore, #tpu.memory_space<semaphore_mem>>) src(%dma_wait3A_285 : memref<32x192xf32, #tpu.memory_space<hbm>>) dst(%dma_wait3A_281 : memref<32x192xf32, #tpu.memory_space<vmem>>)
      %dma_start3A_286 = arith.constant 1 : i32
      %dma_start3A_287 = arith.constant 1 : i32
      %dma_start3A_288 = arith.constant 0 : i32
      %dma_start3A_289 = arith.constant 0 : i32
      %dma_start3A_290 = tpu.memref_slice %arg7[%dma_start3A_286, %dma_start3A_288, %dma_start3A_289] : memref<8x32x192xf32, #tpu.memory_space<vmem>> -> memref<1x32x192xf32, #tpu.memory_space<vmem>>
      %dma_start3A_291 = tpu.memref_squeeze %dma_start3A_290 : memref<1x32x192xf32, #tpu.memory_space<vmem>> -> memref<32x192xf32, #tpu.memory_space<vmem>>
      %dma_start3A_292 = arith.constant 0 : i32
      %dma_start3A_293 = arith.constant 0 : i32
      %dma_start3A_294 = tpu.memref_slice %arg5[%add3A, %add3A_264, %dma_start3A_292, %dma_start3A_293] : memref<32x32x32x192xf32, #tpu.memory_space<hbm>> -> memref<1x1x32x192xf32, #tpu.memory_space<hbm>>
      %dma_start3A_295 = tpu.memref_squeeze %dma_start3A_294 : memref<1x1x32x192xf32, #tpu.memory_space<hbm>> -> memref<32x192xf32, #tpu.memory_space<hbm>>
      %dma_start3A_296 = tpu.memref_slice %arg9[%dma_start3A_287] : memref<8x!tpu.dma_semaphore, #tpu.memory_space<semaphore_mem>> -> memref<1x!tpu.dma_semaphore, #tpu.memory_space<semaphore_mem>>
      %dma_start3A_297 = tpu.memref_squeeze %dma_start3A_296 : memref<1x!tpu.dma_semaphore, #tpu.memory_space<semaphore_mem>> -> memref<!tpu.dma_semaphore, #tpu.memory_space<semaphore_mem>>
      %dma_start3A_298 = arith.constant 0 : i32
      %dma_start3A_299 = arith.constant 0 : i32
      %dma_start3A_300 = tpu.memref_slice %arg5[%add3A, %add3A_264, %dma_start3A_298, %dma_start3A_299] : memref<32x32x32x192xf32, #tpu.memory_space<hbm>> -> memref<1x1x32x192xf32, #tpu.memory_space<hbm>>
      %dma_start3A_301 = tpu.memref_squeeze %dma_start3A_300 : memref<1x1x32x192xf32, #tpu.memory_space<hbm>> -> memref<32x192xf32, #tpu.memory_space<hbm>>
      %dma_start3A_302 = arith.constant 0 : i32
      %dma_start3A_303 = arith.constant 0 : i32
      %dma_start3A_304 = tpu.memref_slice %arg7[%dma_start3A_286, %dma_start3A_302, %dma_start3A_303] : memref<8x32x192xf32, #tpu.memory_space<vmem>> -> memref<1x32x192xf32, #tpu.memory_space<vmem>>
      %dma_start3A_305 = tpu.memref_squeeze %dma_start3A_304 : memref<1x32x192xf32, #tpu.memory_space<vmem>> -> memref<32x192xf32, #tpu.memory_space<vmem>>
      tpu.enqueue_dma source(%dma_start3A_305 : memref<32x192xf32, #tpu.memory_space<vmem>>) target(%dma_start3A_301 : memref<32x192xf32, #tpu.memory_space<hbm>>) target_semaphore(%dma_start3A_297 : memref<!tpu.dma_semaphore, #tpu.memory_space<semaphore_mem>>)
      %ge3A_306 = arith.constant 4 : i32
      %ge3A_307 = arith.cmpi sge, %add3A_264, %ge3A_306 : i32
      %convert_element_type3A_308 = arith.extui %ge3A_307 : i1 to i32
      %cond3A_309 = arith.constant 0 : i32
      %cond3A_310 = arith.cmpi ne, %convert_element_type3A_308, %cond3A_309 : i32
      scf.if %cond3A_310 {
        %sub3A = arith.constant 4 : i32
        %sub3A_660 = arith.subi %add3A_264, %sub3A : i32
        %dma_wait3A_661 = arith.constant 5 : i32
        %dma_wait3A_662 = arith.constant 5 : i32
        %dma_wait3A_663 = arith.constant 0 : i32
        %dma_wait3A_664 = arith.constant 0 : i32
        %dma_wait3A_665 = tpu.memref_slice %arg7[%dma_wait3A_661, %dma_wait3A_663, %dma_wait3A_664] : memref<8x32x192xf32, #tpu.memory_space<vmem>> -> memref<1x32x192xf32, #tpu.memory_space<vmem>>
        %dma_wait3A_666 = tpu.memref_squeeze %dma_wait3A_665 : memref<1x32x192xf32, #tpu.memory_space<vmem>> -> memref<32x192xf32, #tpu.memory_space<vmem>>
        %dma_wait3A_667 = arith.constant 0 : i32
        %dma_wait3A_668 = arith.constant 0 : i32
        %dma_wait3A_669 = tpu.memref_slice %arg5[%add3A, %sub3A_660, %dma_wait3A_667, %dma_wait3A_668] : memref<32x32x32x192xf32, #tpu.memory_space<hbm>> -> memref<1x1x32x192xf32, #tpu.memory_space<hbm>>
        %dma_wait3A_670 = tpu.memref_squeeze %dma_wait3A_669 : memref<1x1x32x192xf32, #tpu.memory_space<hbm>> -> memref<32x192xf32, #tpu.memory_space<hbm>>
        %dma_wait3A_671 = tpu.memref_slice %arg9[%dma_wait3A_662] : memref<8x!tpu.dma_semaphore, #tpu.memory_space<semaphore_mem>> -> memref<1x!tpu.dma_semaphore, #tpu.memory_space<semaphore_mem>>
        %dma_wait3A_672 = tpu.memref_squeeze %dma_wait3A_671 : memref<1x!tpu.dma_semaphore, #tpu.memory_space<semaphore_mem>> -> memref<!tpu.dma_semaphore, #tpu.memory_space<semaphore_mem>>
        %dma_wait3A_673 = arith.constant 0 : i32
        %dma_wait3A_674 = arith.constant 0 : i32
        %dma_wait3A_675 = tpu.memref_slice %arg5[%add3A, %sub3A_660, %dma_wait3A_673, %dma_wait3A_674] : memref<32x32x32x192xf32, #tpu.memory_space<hbm>> -> memref<1x1x32x192xf32, #tpu.memory_space<hbm>>
        %dma_wait3A_676 = tpu.memref_squeeze %dma_wait3A_675 : memref<1x1x32x192xf32, #tpu.memory_space<hbm>> -> memref<32x192xf32, #tpu.memory_space<hbm>>
        %dma_wait3A_677 = arith.constant 0 : i32
        %dma_wait3A_678 = arith.constant 0 : i32
        %dma_wait3A_679 = tpu.memref_slice %arg7[%dma_wait3A_661, %dma_wait3A_677, %dma_wait3A_678] : memref<8x32x192xf32, #tpu.memory_space<vmem>> -> memref<1x32x192xf32, #tpu.memory_space<vmem>>
        %dma_wait3A_680 = tpu.memref_squeeze %dma_wait3A_679 : memref<1x32x192xf32, #tpu.memory_space<vmem>> -> memref<32x192xf32, #tpu.memory_space<vmem>>
        tpu.wait_dma2 semaphore(%dma_wait3A_672 : memref<!tpu.dma_semaphore, #tpu.memory_space<semaphore_mem>>) src(%dma_wait3A_680 : memref<32x192xf32, #tpu.memory_space<vmem>>) dst(%dma_wait3A_676 : memref<32x192xf32, #tpu.memory_space<hbm>>)
      } else {
      }
      %add3A_311 = arith.constant 4 : i32
      %add3A_312 = arith.addi %add3A_264, %add3A_311 : i32
      %lt3A_313 = arith.constant 32 : i32
      %lt3A_314 = arith.cmpi slt, %add3A_312, %lt3A_313 : i32
      %convert_element_type3A_315 = arith.extui %lt3A_314 : i1 to i32
      %cond3A_316 = arith.constant 0 : i32
      %cond3A_317 = arith.cmpi ne, %convert_element_type3A_315, %cond3A_316 : i32
      scf.if %cond3A_317 {
        %add3A_660 = arith.constant 4 : i32
        %add3A_661 = arith.addi %add3A_264, %add3A_660 : i32
        %eq3A_662 = vector.broadcast %add3A_661 : i32 to vector<16xi32>
        %eq3A_663 = arith.cmpi eq, %iota3A, %eq3A_662 : vector<16xi32>
        %jit3A_664 = arith.constant 0 : i32
        %broadcast_in_dim3A_665 = vector.broadcast %jit3A_664 : i32 to vector<16xi32>
        %select_n3A_666 = arith.select %eq3A_663, %get3A_12, %broadcast_in_dim3A_665 : vector<16xi1>, vector<16xi32>
        %reduce_sum3A_667 = arith.constant true
        %reduce_sum3A_668 = vector.broadcast %reduce_sum3A_667 : i1 to vector<16xi1>
        %reduce_sum3A_669 = tpu.scan <sum>, %select_n3A_666 masked %reduce_sum3A_668 : vector<16xi32>, vector<16xi1> -> vector<16xi32>
        %reduce_sum3A_670 = vector.extract %reduce_sum3A_669[15] : i32 from vector<16xi32>
        %sub3A = arith.constant 16 : i32
        %sub3A_671 = arith.subi %add3A_661, %sub3A : i32
        %eq3A_672 = vector.broadcast %sub3A_671 : i32 to vector<16xi32>
        %eq3A_673 = arith.cmpi eq, %iota3A, %eq3A_672 : vector<16xi32>
        %jit3A_674 = arith.constant 0 : i32
        %broadcast_in_dim3A_675 = vector.broadcast %jit3A_674 : i32 to vector<16xi32>
        %select_n3A_676 = arith.select %eq3A_673, %get3A_16, %broadcast_in_dim3A_675 : vector<16xi1>, vector<16xi32>
        %reduce_sum3A_677 = arith.constant true
        %reduce_sum3A_678 = vector.broadcast %reduce_sum3A_677 : i1 to vector<16xi1>
        %reduce_sum3A_679 = tpu.scan <sum>, %select_n3A_676 masked %reduce_sum3A_678 : vector<16xi32>, vector<16xi1> -> vector<16xi32>
        %reduce_sum3A_680 = vector.extract %reduce_sum3A_679[15] : i32 from vector<16xi32>
        %add3A_681 = arith.addi %reduce_sum3A_670, %reduce_sum3A_680 : i32
        %scan3A_682 = arith.constant 0 : i32
        %scan3A_683 = arith.constant 0 : i32
        %scan3A_684 = arith.constant 32 : i32
        %scan3A_685 = arith.addi %scan3A_683, %scan3A_684 : i32
        %scan3A_686 = arith.constant 1 : i32
        scf.for %scan3A_688 = %scan3A_683 to %scan3A_685 step %scan3A_686  : i32 {
          %eq3A_689 = vector.broadcast %scan3A_688 : i32 to vector<16xi32>
          %eq3A_690 = arith.cmpi eq, %iota3A, %eq3A_689 : vector<16xi32>
          %jit3A_691 = arith.constant 0 : i32
          %broadcast_in_dim3A_692 = vector.broadcast %jit3A_691 : i32 to vector<16xi32>
          %select_n3A_693 = arith.select %eq3A_690, %get3A_4, %broadcast_in_dim3A_692 : vector<16xi1>, vector<16xi32>
          %reduce_sum3A_694 = arith.constant true
          %reduce_sum3A_695 = vector.broadcast %reduce_sum3A_694 : i1 to vector<16xi1>
          %reduce_sum3A_696 = tpu.scan <sum>, %select_n3A_693 masked %reduce_sum3A_695 : vector<16xi32>, vector<16xi1> -> vector<16xi32>
          %reduce_sum3A_697 = vector.extract %reduce_sum3A_696[15] : i32 from vector<16xi32>
          %sub3A_698 = arith.constant 16 : i32
          %sub3A_699 = arith.subi %scan3A_688, %sub3A_698 : i32
          %eq3A_700 = vector.broadcast %sub3A_699 : i32 to vector<16xi32>
          %eq3A_701 = arith.cmpi eq, %iota3A, %eq3A_700 : vector<16xi32>
          %jit3A_702 = arith.constant 0 : i32
          %broadcast_in_dim3A_703 = vector.broadcast %jit3A_702 : i32 to vector<16xi32>
          %select_n3A_704 = arith.select %eq3A_701, %get3A_8, %broadcast_in_dim3A_703 : vector<16xi1>, vector<16xi32>
          %reduce_sum3A_705 = arith.constant true
          %reduce_sum3A_706 = vector.broadcast %reduce_sum3A_705 : i1 to vector<16xi1>
          %reduce_sum3A_707 = tpu.scan <sum>, %select_n3A_704 masked %reduce_sum3A_706 : vector<16xi32>, vector<16xi1> -> vector<16xi32>
          %reduce_sum3A_708 = vector.extract %reduce_sum3A_707[15] : i32 from vector<16xi32>
          %add3A_709 = arith.addi %reduce_sum3A_697, %reduce_sum3A_708 : i32
          %dma_start3A_710 = arith.constant 5 : i32
          %dma_start3A_711 = arith.constant 5 : i32
          %dma_start3A_712 = arith.constant 0 : i32
          %dma_start3A_713 = tpu.memref_slice %arg7[%dma_start3A_710, %scan3A_688, %dma_start3A_712] : memref<8x32x192xf32, #tpu.memory_space<vmem>> -> memref<1x1x192xf32, #tpu.memory_space<vmem>>
          %dma_start3A_714 = tpu.memref_squeeze %dma_start3A_713 : memref<1x1x192xf32, #tpu.memory_space<vmem>> -> memref<192xf32, #tpu.memory_space<vmem>>
          %dma_start3A_715 = arith.constant 0 : i32
          %dma_start3A_716 = tpu.memref_slice %arg2[%add3A, %add3A_681, %add3A_709, %dma_start3A_715] : memref<32x64x64x192xf32, #tpu.memory_space<hbm>> -> memref<1x1x1x192xf32, #tpu.memory_space<hbm>>
          %dma_start3A_717 = tpu.memref_squeeze %dma_start3A_716 : memref<1x1x1x192xf32, #tpu.memory_space<hbm>> -> memref<192xf32, #tpu.memory_space<hbm>>
          %dma_start3A_718 = tpu.memref_slice %arg8[%dma_start3A_711] : memref<8x!tpu.dma_semaphore, #tpu.memory_space<semaphore_mem>> -> memref<1x!tpu.dma_semaphore, #tpu.memory_space<semaphore_mem>>
          %dma_start3A_719 = tpu.memref_squeeze %dma_start3A_718 : memref<1x!tpu.dma_semaphore, #tpu.memory_space<semaphore_mem>> -> memref<!tpu.dma_semaphore, #tpu.memory_space<semaphore_mem>>
          %dma_start3A_720 = arith.constant 0 : i32
          %dma_start3A_721 = tpu.memref_slice %arg7[%dma_start3A_710, %scan3A_688, %dma_start3A_720] : memref<8x32x192xf32, #tpu.memory_space<vmem>> -> memref<1x1x192xf32, #tpu.memory_space<vmem>>
          %dma_start3A_722 = tpu.memref_squeeze %dma_start3A_721 : memref<1x1x192xf32, #tpu.memory_space<vmem>> -> memref<192xf32, #tpu.memory_space<vmem>>
          %dma_start3A_723 = arith.constant 0 : i32
          %dma_start3A_724 = tpu.memref_slice %arg2[%add3A, %add3A_681, %add3A_709, %dma_start3A_723] : memref<32x64x64x192xf32, #tpu.memory_space<hbm>> -> memref<1x1x1x192xf32, #tpu.memory_space<hbm>>
          %dma_start3A_725 = tpu.memref_squeeze %dma_start3A_724 : memref<1x1x1x192xf32, #tpu.memory_space<hbm>> -> memref<192xf32, #tpu.memory_space<hbm>>
          tpu.enqueue_dma source(%dma_start3A_725 : memref<192xf32, #tpu.memory_space<hbm>>) target(%dma_start3A_722 : memref<192xf32, #tpu.memory_space<vmem>>) target_semaphore(%dma_start3A_719 : memref<!tpu.dma_semaphore, #tpu.memory_space<semaphore_mem>>)
        }
        %scan3A_687 = arith.constant 32 : i32
      } else {
      }
      %mul3A_318 = arith.constant 8 : i32
      %mul3A_319 = arith.muli %scan3A_208, %mul3A_318 : i32
      %add3A_320 = arith.constant 2 : i32
      %add3A_321 = arith.addi %mul3A_319, %add3A_320 : i32
      %dma_wait3A_322 = arith.constant 0 : i32
      %dma_wait3A_323 = arith.constant 2 : i32
      %dma_wait3A_324 = arith.constant 2 : i32
      %dma_wait3A_325 = arith.constant 0 : i32
      %dma_wait3A_326 = arith.constant 0 : i32
      %dma_wait3A_327 = tpu.memref_slice %arg7[%dma_wait3A_323, %dma_wait3A_325, %dma_wait3A_326] : memref<8x32x192xf32, #tpu.memory_space<vmem>> -> memref<1x32x192xf32, #tpu.memory_space<vmem>>
      %dma_wait3A_328 = tpu.memref_squeeze %dma_wait3A_327 : memref<1x32x192xf32, #tpu.memory_space<vmem>> -> memref<32x192xf32, #tpu.memory_space<vmem>>
      %dma_wait3A_329 = arith.constant 0 : i32
      %dma_wait3A_330 = arith.constant 0 : i32
      %dma_wait3A_331 = tpu.memref_slice %arg2[%add3A, %dma_wait3A_322, %dma_wait3A_329, %dma_wait3A_330] : memref<32x64x64x192xf32, #tpu.memory_space<hbm>> -> memref<1x1x32x192xf32, #tpu.memory_space<hbm>>
      %dma_wait3A_332 = tpu.memref_squeeze %dma_wait3A_331 : memref<1x1x32x192xf32, #tpu.memory_space<hbm>> -> memref<32x192xf32, #tpu.memory_space<hbm>>
      %dma_wait3A_333 = tpu.memref_slice %arg8[%dma_wait3A_324] : memref<8x!tpu.dma_semaphore, #tpu.memory_space<semaphore_mem>> -> memref<1x!tpu.dma_semaphore, #tpu.memory_space<semaphore_mem>>
      %dma_wait3A_334 = tpu.memref_squeeze %dma_wait3A_333 : memref<1x!tpu.dma_semaphore, #tpu.memory_space<semaphore_mem>> -> memref<!tpu.dma_semaphore, #tpu.memory_space<semaphore_mem>>
      %dma_wait3A_335 = arith.constant 0 : i32
      %dma_wait3A_336 = arith.constant 0 : i32
      %dma_wait3A_337 = tpu.memref_slice %arg7[%dma_wait3A_323, %dma_wait3A_335, %dma_wait3A_336] : memref<8x32x192xf32, #tpu.memory_space<vmem>> -> memref<1x32x192xf32, #tpu.memory_space<vmem>>
      %dma_wait3A_338 = tpu.memref_squeeze %dma_wait3A_337 : memref<1x32x192xf32, #tpu.memory_space<vmem>> -> memref<32x192xf32, #tpu.memory_space<vmem>>
      %dma_wait3A_339 = arith.constant 0 : i32
      %dma_wait3A_340 = arith.constant 0 : i32
      %dma_wait3A_341 = tpu.memref_slice %arg2[%add3A, %dma_wait3A_322, %dma_wait3A_339, %dma_wait3A_340] : memref<32x64x64x192xf32, #tpu.memory_space<hbm>> -> memref<1x1x32x192xf32, #tpu.memory_space<hbm>>
      %dma_wait3A_342 = tpu.memref_squeeze %dma_wait3A_341 : memref<1x1x32x192xf32, #tpu.memory_space<hbm>> -> memref<32x192xf32, #tpu.memory_space<hbm>>
      tpu.wait_dma2 semaphore(%dma_wait3A_334 : memref<!tpu.dma_semaphore, #tpu.memory_space<semaphore_mem>>) src(%dma_wait3A_342 : memref<32x192xf32, #tpu.memory_space<hbm>>) dst(%dma_wait3A_338 : memref<32x192xf32, #tpu.memory_space<vmem>>)
      %dma_start3A_343 = arith.constant 2 : i32
      %dma_start3A_344 = arith.constant 2 : i32
      %dma_start3A_345 = arith.constant 0 : i32
      %dma_start3A_346 = arith.constant 0 : i32
      %dma_start3A_347 = tpu.memref_slice %arg7[%dma_start3A_343, %dma_start3A_345, %dma_start3A_346] : memref<8x32x192xf32, #tpu.memory_space<vmem>> -> memref<1x32x192xf32, #tpu.memory_space<vmem>>
      %dma_start3A_348 = tpu.memref_squeeze %dma_start3A_347 : memref<1x32x192xf32, #tpu.memory_space<vmem>> -> memref<32x192xf32, #tpu.memory_space<vmem>>
      %dma_start3A_349 = arith.constant 0 : i32
      %dma_start3A_350 = arith.constant 0 : i32
      %dma_start3A_351 = tpu.memref_slice %arg5[%add3A, %add3A_321, %dma_start3A_349, %dma_start3A_350] : memref<32x32x32x192xf32, #tpu.memory_space<hbm>> -> memref<1x1x32x192xf32, #tpu.memory_space<hbm>>
      %dma_start3A_352 = tpu.memref_squeeze %dma_start3A_351 : memref<1x1x32x192xf32, #tpu.memory_space<hbm>> -> memref<32x192xf32, #tpu.memory_space<hbm>>
      %dma_start3A_353 = tpu.memref_slice %arg9[%dma_start3A_344] : memref<8x!tpu.dma_semaphore, #tpu.memory_space<semaphore_mem>> -> memref<1x!tpu.dma_semaphore, #tpu.memory_space<semaphore_mem>>
      %dma_start3A_354 = tpu.memref_squeeze %dma_start3A_353 : memref<1x!tpu.dma_semaphore, #tpu.memory_space<semaphore_mem>> -> memref<!tpu.dma_semaphore, #tpu.memory_space<semaphore_mem>>
      %dma_start3A_355 = arith.constant 0 : i32
      %dma_start3A_356 = arith.constant 0 : i32
      %dma_start3A_357 = tpu.memref_slice %arg5[%add3A, %add3A_321, %dma_start3A_355, %dma_start3A_356] : memref<32x32x32x192xf32, #tpu.memory_space<hbm>> -> memref<1x1x32x192xf32, #tpu.memory_space<hbm>>
      %dma_start3A_358 = tpu.memref_squeeze %dma_start3A_357 : memref<1x1x32x192xf32, #tpu.memory_space<hbm>> -> memref<32x192xf32, #tpu.memory_space<hbm>>
      %dma_start3A_359 = arith.constant 0 : i32
      %dma_start3A_360 = arith.constant 0 : i32
      %dma_start3A_361 = tpu.memref_slice %arg7[%dma_start3A_343, %dma_start3A_359, %dma_start3A_360] : memref<8x32x192xf32, #tpu.memory_space<vmem>> -> memref<1x32x192xf32, #tpu.memory_space<vmem>>
      %dma_start3A_362 = tpu.memref_squeeze %dma_start3A_361 : memref<1x32x192xf32, #tpu.memory_space<vmem>> -> memref<32x192xf32, #tpu.memory_space<vmem>>
      tpu.enqueue_dma source(%dma_start3A_362 : memref<32x192xf32, #tpu.memory_space<vmem>>) target(%dma_start3A_358 : memref<32x192xf32, #tpu.memory_space<hbm>>) target_semaphore(%dma_start3A_354 : memref<!tpu.dma_semaphore, #tpu.memory_space<semaphore_mem>>)
      %ge3A_363 = arith.constant 4 : i32
      %ge3A_364 = arith.cmpi sge, %add3A_321, %ge3A_363 : i32
      %convert_element_type3A_365 = arith.extui %ge3A_364 : i1 to i32
      %cond3A_366 = arith.constant 0 : i32
      %cond3A_367 = arith.cmpi ne, %convert_element_type3A_365, %cond3A_366 : i32
      scf.if %cond3A_367 {
        %sub3A = arith.constant 4 : i32
        %sub3A_660 = arith.subi %add3A_321, %sub3A : i32
        %dma_wait3A_661 = arith.constant 6 : i32
        %dma_wait3A_662 = arith.constant 6 : i32
        %dma_wait3A_663 = arith.constant 0 : i32
        %dma_wait3A_664 = arith.constant 0 : i32
        %dma_wait3A_665 = tpu.memref_slice %arg7[%dma_wait3A_661, %dma_wait3A_663, %dma_wait3A_664] : memref<8x32x192xf32, #tpu.memory_space<vmem>> -> memref<1x32x192xf32, #tpu.memory_space<vmem>>
        %dma_wait3A_666 = tpu.memref_squeeze %dma_wait3A_665 : memref<1x32x192xf32, #tpu.memory_space<vmem>> -> memref<32x192xf32, #tpu.memory_space<vmem>>
        %dma_wait3A_667 = arith.constant 0 : i32
        %dma_wait3A_668 = arith.constant 0 : i32
        %dma_wait3A_669 = tpu.memref_slice %arg5[%add3A, %sub3A_660, %dma_wait3A_667, %dma_wait3A_668] : memref<32x32x32x192xf32, #tpu.memory_space<hbm>> -> memref<1x1x32x192xf32, #tpu.memory_space<hbm>>
        %dma_wait3A_670 = tpu.memref_squeeze %dma_wait3A_669 : memref<1x1x32x192xf32, #tpu.memory_space<hbm>> -> memref<32x192xf32, #tpu.memory_space<hbm>>
        %dma_wait3A_671 = tpu.memref_slice %arg9[%dma_wait3A_662] : memref<8x!tpu.dma_semaphore, #tpu.memory_space<semaphore_mem>> -> memref<1x!tpu.dma_semaphore, #tpu.memory_space<semaphore_mem>>
        %dma_wait3A_672 = tpu.memref_squeeze %dma_wait3A_671 : memref<1x!tpu.dma_semaphore, #tpu.memory_space<semaphore_mem>> -> memref<!tpu.dma_semaphore, #tpu.memory_space<semaphore_mem>>
        %dma_wait3A_673 = arith.constant 0 : i32
        %dma_wait3A_674 = arith.constant 0 : i32
        %dma_wait3A_675 = tpu.memref_slice %arg5[%add3A, %sub3A_660, %dma_wait3A_673, %dma_wait3A_674] : memref<32x32x32x192xf32, #tpu.memory_space<hbm>> -> memref<1x1x32x192xf32, #tpu.memory_space<hbm>>
        %dma_wait3A_676 = tpu.memref_squeeze %dma_wait3A_675 : memref<1x1x32x192xf32, #tpu.memory_space<hbm>> -> memref<32x192xf32, #tpu.memory_space<hbm>>
        %dma_wait3A_677 = arith.constant 0 : i32
        %dma_wait3A_678 = arith.constant 0 : i32
        %dma_wait3A_679 = tpu.memref_slice %arg7[%dma_wait3A_661, %dma_wait3A_677, %dma_wait3A_678] : memref<8x32x192xf32, #tpu.memory_space<vmem>> -> memref<1x32x192xf32, #tpu.memory_space<vmem>>
        %dma_wait3A_680 = tpu.memref_squeeze %dma_wait3A_679 : memref<1x32x192xf32, #tpu.memory_space<vmem>> -> memref<32x192xf32, #tpu.memory_space<vmem>>
        tpu.wait_dma2 semaphore(%dma_wait3A_672 : memref<!tpu.dma_semaphore, #tpu.memory_space<semaphore_mem>>) src(%dma_wait3A_680 : memref<32x192xf32, #tpu.memory_space<vmem>>) dst(%dma_wait3A_676 : memref<32x192xf32, #tpu.memory_space<hbm>>)
      } else {
      }
      %add3A_368 = arith.constant 4 : i32
      %add3A_369 = arith.addi %add3A_321, %add3A_368 : i32
      %lt3A_370 = arith.constant 32 : i32
      %lt3A_371 = arith.cmpi slt, %add3A_369, %lt3A_370 : i32
      %convert_element_type3A_372 = arith.extui %lt3A_371 : i1 to i32
      %cond3A_373 = arith.constant 0 : i32
      %cond3A_374 = arith.cmpi ne, %convert_element_type3A_372, %cond3A_373 : i32
      scf.if %cond3A_374 {
        %add3A_660 = arith.constant 4 : i32
        %add3A_661 = arith.addi %add3A_321, %add3A_660 : i32
        %eq3A_662 = vector.broadcast %add3A_661 : i32 to vector<16xi32>
        %eq3A_663 = arith.cmpi eq, %iota3A, %eq3A_662 : vector<16xi32>
        %jit3A_664 = arith.constant 0 : i32
        %broadcast_in_dim3A_665 = vector.broadcast %jit3A_664 : i32 to vector<16xi32>
        %select_n3A_666 = arith.select %eq3A_663, %get3A_12, %broadcast_in_dim3A_665 : vector<16xi1>, vector<16xi32>
        %reduce_sum3A_667 = arith.constant true
        %reduce_sum3A_668 = vector.broadcast %reduce_sum3A_667 : i1 to vector<16xi1>
        %reduce_sum3A_669 = tpu.scan <sum>, %select_n3A_666 masked %reduce_sum3A_668 : vector<16xi32>, vector<16xi1> -> vector<16xi32>
        %reduce_sum3A_670 = vector.extract %reduce_sum3A_669[15] : i32 from vector<16xi32>
        %sub3A = arith.constant 16 : i32
        %sub3A_671 = arith.subi %add3A_661, %sub3A : i32
        %eq3A_672 = vector.broadcast %sub3A_671 : i32 to vector<16xi32>
        %eq3A_673 = arith.cmpi eq, %iota3A, %eq3A_672 : vector<16xi32>
        %jit3A_674 = arith.constant 0 : i32
        %broadcast_in_dim3A_675 = vector.broadcast %jit3A_674 : i32 to vector<16xi32>
        %select_n3A_676 = arith.select %eq3A_673, %get3A_16, %broadcast_in_dim3A_675 : vector<16xi1>, vector<16xi32>
        %reduce_sum3A_677 = arith.constant true
        %reduce_sum3A_678 = vector.broadcast %reduce_sum3A_677 : i1 to vector<16xi1>
        %reduce_sum3A_679 = tpu.scan <sum>, %select_n3A_676 masked %reduce_sum3A_678 : vector<16xi32>, vector<16xi1> -> vector<16xi32>
        %reduce_sum3A_680 = vector.extract %reduce_sum3A_679[15] : i32 from vector<16xi32>
        %add3A_681 = arith.addi %reduce_sum3A_670, %reduce_sum3A_680 : i32
        %scan3A_682 = arith.constant 0 : i32
        %scan3A_683 = arith.constant 0 : i32
        %scan3A_684 = arith.constant 32 : i32
        %scan3A_685 = arith.addi %scan3A_683, %scan3A_684 : i32
        %scan3A_686 = arith.constant 1 : i32
        scf.for %scan3A_688 = %scan3A_683 to %scan3A_685 step %scan3A_686  : i32 {
          %eq3A_689 = vector.broadcast %scan3A_688 : i32 to vector<16xi32>
          %eq3A_690 = arith.cmpi eq, %iota3A, %eq3A_689 : vector<16xi32>
          %jit3A_691 = arith.constant 0 : i32
          %broadcast_in_dim3A_692 = vector.broadcast %jit3A_691 : i32 to vector<16xi32>
          %select_n3A_693 = arith.select %eq3A_690, %get3A_4, %broadcast_in_dim3A_692 : vector<16xi1>, vector<16xi32>
          %reduce_sum3A_694 = arith.constant true
          %reduce_sum3A_695 = vector.broadcast %reduce_sum3A_694 : i1 to vector<16xi1>
          %reduce_sum3A_696 = tpu.scan <sum>, %select_n3A_693 masked %reduce_sum3A_695 : vector<16xi32>, vector<16xi1> -> vector<16xi32>
          %reduce_sum3A_697 = vector.extract %reduce_sum3A_696[15] : i32 from vector<16xi32>
          %sub3A_698 = arith.constant 16 : i32
          %sub3A_699 = arith.subi %scan3A_688, %sub3A_698 : i32
          %eq3A_700 = vector.broadcast %sub3A_699 : i32 to vector<16xi32>
          %eq3A_701 = arith.cmpi eq, %iota3A, %eq3A_700 : vector<16xi32>
          %jit3A_702 = arith.constant 0 : i32
          %broadcast_in_dim3A_703 = vector.broadcast %jit3A_702 : i32 to vector<16xi32>
          %select_n3A_704 = arith.select %eq3A_701, %get3A_8, %broadcast_in_dim3A_703 : vector<16xi1>, vector<16xi32>
          %reduce_sum3A_705 = arith.constant true
          %reduce_sum3A_706 = vector.broadcast %reduce_sum3A_705 : i1 to vector<16xi1>
          %reduce_sum3A_707 = tpu.scan <sum>, %select_n3A_704 masked %reduce_sum3A_706 : vector<16xi32>, vector<16xi1> -> vector<16xi32>
          %reduce_sum3A_708 = vector.extract %reduce_sum3A_707[15] : i32 from vector<16xi32>
          %add3A_709 = arith.addi %reduce_sum3A_697, %reduce_sum3A_708 : i32
          %dma_start3A_710 = arith.constant 6 : i32
          %dma_start3A_711 = arith.constant 6 : i32
          %dma_start3A_712 = arith.constant 0 : i32
          %dma_start3A_713 = tpu.memref_slice %arg7[%dma_start3A_710, %scan3A_688, %dma_start3A_712] : memref<8x32x192xf32, #tpu.memory_space<vmem>> -> memref<1x1x192xf32, #tpu.memory_space<vmem>>
          %dma_start3A_714 = tpu.memref_squeeze %dma_start3A_713 : memref<1x1x192xf32, #tpu.memory_space<vmem>> -> memref<192xf32, #tpu.memory_space<vmem>>
          %dma_start3A_715 = arith.constant 0 : i32
          %dma_start3A_716 = tpu.memref_slice %arg2[%add3A, %add3A_681, %add3A_709, %dma_start3A_715] : memref<32x64x64x192xf32, #tpu.memory_space<hbm>> -> memref<1x1x1x192xf32, #tpu.memory_space<hbm>>
          %dma_start3A_717 = tpu.memref_squeeze %dma_start3A_716 : memref<1x1x1x192xf32, #tpu.memory_space<hbm>> -> memref<192xf32, #tpu.memory_space<hbm>>
          %dma_start3A_718 = tpu.memref_slice %arg8[%dma_start3A_711] : memref<8x!tpu.dma_semaphore, #tpu.memory_space<semaphore_mem>> -> memref<1x!tpu.dma_semaphore, #tpu.memory_space<semaphore_mem>>
          %dma_start3A_719 = tpu.memref_squeeze %dma_start3A_718 : memref<1x!tpu.dma_semaphore, #tpu.memory_space<semaphore_mem>> -> memref<!tpu.dma_semaphore, #tpu.memory_space<semaphore_mem>>
          %dma_start3A_720 = arith.constant 0 : i32
          %dma_start3A_721 = tpu.memref_slice %arg7[%dma_start3A_710, %scan3A_688, %dma_start3A_720] : memref<8x32x192xf32, #tpu.memory_space<vmem>> -> memref<1x1x192xf32, #tpu.memory_space<vmem>>
          %dma_start3A_722 = tpu.memref_squeeze %dma_start3A_721 : memref<1x1x192xf32, #tpu.memory_space<vmem>> -> memref<192xf32, #tpu.memory_space<vmem>>
          %dma_start3A_723 = arith.constant 0 : i32
          %dma_start3A_724 = tpu.memref_slice %arg2[%add3A, %add3A_681, %add3A_709, %dma_start3A_723] : memref<32x64x64x192xf32, #tpu.memory_space<hbm>> -> memref<1x1x1x192xf32, #tpu.memory_space<hbm>>
          %dma_start3A_725 = tpu.memref_squeeze %dma_start3A_724 : memref<1x1x1x192xf32, #tpu.memory_space<hbm>> -> memref<192xf32, #tpu.memory_space<hbm>>
          tpu.enqueue_dma source(%dma_start3A_725 : memref<192xf32, #tpu.memory_space<hbm>>) target(%dma_start3A_722 : memref<192xf32, #tpu.memory_space<vmem>>) target_semaphore(%dma_start3A_719 : memref<!tpu.dma_semaphore, #tpu.memory_space<semaphore_mem>>)
        }
        %scan3A_687 = arith.constant 32 : i32
      } else {
      }
      %mul3A_375 = arith.constant 8 : i32
      %mul3A_376 = arith.muli %scan3A_208, %mul3A_375 : i32
      %add3A_377 = arith.constant 3 : i32
      %add3A_378 = arith.addi %mul3A_376, %add3A_377 : i32
      %dma_wait3A_379 = arith.constant 0 : i32
      %dma_wait3A_380 = arith.constant 3 : i32
      %dma_wait3A_381 = arith.constant 3 : i32
      %dma_wait3A_382 = arith.constant 0 : i32
      %dma_wait3A_383 = arith.constant 0 : i32
      %dma_wait3A_384 = tpu.memref_slice %arg7[%dma_wait3A_380, %dma_wait3A_382, %dma_wait3A_383] : memref<8x32x192xf32, #tpu.memory_space<vmem>> -> memref<1x32x192xf32, #tpu.memory_space<vmem>>
      %dma_wait3A_385 = tpu.memref_squeeze %dma_wait3A_384 : memref<1x32x192xf32, #tpu.memory_space<vmem>> -> memref<32x192xf32, #tpu.memory_space<vmem>>
      %dma_wait3A_386 = arith.constant 0 : i32
      %dma_wait3A_387 = arith.constant 0 : i32
      %dma_wait3A_388 = tpu.memref_slice %arg2[%add3A, %dma_wait3A_379, %dma_wait3A_386, %dma_wait3A_387] : memref<32x64x64x192xf32, #tpu.memory_space<hbm>> -> memref<1x1x32x192xf32, #tpu.memory_space<hbm>>
      %dma_wait3A_389 = tpu.memref_squeeze %dma_wait3A_388 : memref<1x1x32x192xf32, #tpu.memory_space<hbm>> -> memref<32x192xf32, #tpu.memory_space<hbm>>
      %dma_wait3A_390 = tpu.memref_slice %arg8[%dma_wait3A_381] : memref<8x!tpu.dma_semaphore, #tpu.memory_space<semaphore_mem>> -> memref<1x!tpu.dma_semaphore, #tpu.memory_space<semaphore_mem>>
      %dma_wait3A_391 = tpu.memref_squeeze %dma_wait3A_390 : memref<1x!tpu.dma_semaphore, #tpu.memory_space<semaphore_mem>> -> memref<!tpu.dma_semaphore, #tpu.memory_space<semaphore_mem>>
      %dma_wait3A_392 = arith.constant 0 : i32
      %dma_wait3A_393 = arith.constant 0 : i32
      %dma_wait3A_394 = tpu.memref_slice %arg7[%dma_wait3A_380, %dma_wait3A_392, %dma_wait3A_393] : memref<8x32x192xf32, #tpu.memory_space<vmem>> -> memref<1x32x192xf32, #tpu.memory_space<vmem>>
      %dma_wait3A_395 = tpu.memref_squeeze %dma_wait3A_394 : memref<1x32x192xf32, #tpu.memory_space<vmem>> -> memref<32x192xf32, #tpu.memory_space<vmem>>
      %dma_wait3A_396 = arith.constant 0 : i32
      %dma_wait3A_397 = arith.constant 0 : i32
      %dma_wait3A_398 = tpu.memref_slice %arg2[%add3A, %dma_wait3A_379, %dma_wait3A_396, %dma_wait3A_397] : memref<32x64x64x192xf32, #tpu.memory_space<hbm>> -> memref<1x1x32x192xf32, #tpu.memory_space<hbm>>
      %dma_wait3A_399 = tpu.memref_squeeze %dma_wait3A_398 : memref<1x1x32x192xf32, #tpu.memory_space<hbm>> -> memref<32x192xf32, #tpu.memory_space<hbm>>
      tpu.wait_dma2 semaphore(%dma_wait3A_391 : memref<!tpu.dma_semaphore, #tpu.memory_space<semaphore_mem>>) src(%dma_wait3A_399 : memref<32x192xf32, #tpu.memory_space<hbm>>) dst(%dma_wait3A_395 : memref<32x192xf32, #tpu.memory_space<vmem>>)
      %dma_start3A_400 = arith.constant 3 : i32
      %dma_start3A_401 = arith.constant 3 : i32
      %dma_start3A_402 = arith.constant 0 : i32
      %dma_start3A_403 = arith.constant 0 : i32
      %dma_start3A_404 = tpu.memref_slice %arg7[%dma_start3A_400, %dma_start3A_402, %dma_start3A_403] : memref<8x32x192xf32, #tpu.memory_space<vmem>> -> memref<1x32x192xf32, #tpu.memory_space<vmem>>
      %dma_start3A_405 = tpu.memref_squeeze %dma_start3A_404 : memref<1x32x192xf32, #tpu.memory_space<vmem>> -> memref<32x192xf32, #tpu.memory_space<vmem>>
      %dma_start3A_406 = arith.constant 0 : i32
      %dma_start3A_407 = arith.constant 0 : i32
      %dma_start3A_408 = tpu.memref_slice %arg5[%add3A, %add3A_378, %dma_start3A_406, %dma_start3A_407] : memref<32x32x32x192xf32, #tpu.memory_space<hbm>> -> memref<1x1x32x192xf32, #tpu.memory_space<hbm>>
      %dma_start3A_409 = tpu.memref_squeeze %dma_start3A_408 : memref<1x1x32x192xf32, #tpu.memory_space<hbm>> -> memref<32x192xf32, #tpu.memory_space<hbm>>
      %dma_start3A_410 = tpu.memref_slice %arg9[%dma_start3A_401] : memref<8x!tpu.dma_semaphore, #tpu.memory_space<semaphore_mem>> -> memref<1x!tpu.dma_semaphore, #tpu.memory_space<semaphore_mem>>
      %dma_start3A_411 = tpu.memref_squeeze %dma_start3A_410 : memref<1x!tpu.dma_semaphore, #tpu.memory_space<semaphore_mem>> -> memref<!tpu.dma_semaphore, #tpu.memory_space<semaphore_mem>>
      %dma_start3A_412 = arith.constant 0 : i32
      %dma_start3A_413 = arith.constant 0 : i32
      %dma_start3A_414 = tpu.memref_slice %arg5[%add3A, %add3A_378, %dma_start3A_412, %dma_start3A_413] : memref<32x32x32x192xf32, #tpu.memory_space<hbm>> -> memref<1x1x32x192xf32, #tpu.memory_space<hbm>>
      %dma_start3A_415 = tpu.memref_squeeze %dma_start3A_414 : memref<1x1x32x192xf32, #tpu.memory_space<hbm>> -> memref<32x192xf32, #tpu.memory_space<hbm>>
      %dma_start3A_416 = arith.constant 0 : i32
      %dma_start3A_417 = arith.constant 0 : i32
      %dma_start3A_418 = tpu.memref_slice %arg7[%dma_start3A_400, %dma_start3A_416, %dma_start3A_417] : memref<8x32x192xf32, #tpu.memory_space<vmem>> -> memref<1x32x192xf32, #tpu.memory_space<vmem>>
      %dma_start3A_419 = tpu.memref_squeeze %dma_start3A_418 : memref<1x32x192xf32, #tpu.memory_space<vmem>> -> memref<32x192xf32, #tpu.memory_space<vmem>>
      tpu.enqueue_dma source(%dma_start3A_419 : memref<32x192xf32, #tpu.memory_space<vmem>>) target(%dma_start3A_415 : memref<32x192xf32, #tpu.memory_space<hbm>>) target_semaphore(%dma_start3A_411 : memref<!tpu.dma_semaphore, #tpu.memory_space<semaphore_mem>>)
      %ge3A_420 = arith.constant 4 : i32
      %ge3A_421 = arith.cmpi sge, %add3A_378, %ge3A_420 : i32
      %convert_element_type3A_422 = arith.extui %ge3A_421 : i1 to i32
      %cond3A_423 = arith.constant 0 : i32
      %cond3A_424 = arith.cmpi ne, %convert_element_type3A_422, %cond3A_423 : i32
      scf.if %cond3A_424 {
        %sub3A = arith.constant 4 : i32
        %sub3A_660 = arith.subi %add3A_378, %sub3A : i32
        %dma_wait3A_661 = arith.constant 7 : i32
        %dma_wait3A_662 = arith.constant 7 : i32
        %dma_wait3A_663 = arith.constant 0 : i32
        %dma_wait3A_664 = arith.constant 0 : i32
        %dma_wait3A_665 = tpu.memref_slice %arg7[%dma_wait3A_661, %dma_wait3A_663, %dma_wait3A_664] : memref<8x32x192xf32, #tpu.memory_space<vmem>> -> memref<1x32x192xf32, #tpu.memory_space<vmem>>
        %dma_wait3A_666 = tpu.memref_squeeze %dma_wait3A_665 : memref<1x32x192xf32, #tpu.memory_space<vmem>> -> memref<32x192xf32, #tpu.memory_space<vmem>>
        %dma_wait3A_667 = arith.constant 0 : i32
        %dma_wait3A_668 = arith.constant 0 : i32
        %dma_wait3A_669 = tpu.memref_slice %arg5[%add3A, %sub3A_660, %dma_wait3A_667, %dma_wait3A_668] : memref<32x32x32x192xf32, #tpu.memory_space<hbm>> -> memref<1x1x32x192xf32, #tpu.memory_space<hbm>>
        %dma_wait3A_670 = tpu.memref_squeeze %dma_wait3A_669 : memref<1x1x32x192xf32, #tpu.memory_space<hbm>> -> memref<32x192xf32, #tpu.memory_space<hbm>>
        %dma_wait3A_671 = tpu.memref_slice %arg9[%dma_wait3A_662] : memref<8x!tpu.dma_semaphore, #tpu.memory_space<semaphore_mem>> -> memref<1x!tpu.dma_semaphore, #tpu.memory_space<semaphore_mem>>
        %dma_wait3A_672 = tpu.memref_squeeze %dma_wait3A_671 : memref<1x!tpu.dma_semaphore, #tpu.memory_space<semaphore_mem>> -> memref<!tpu.dma_semaphore, #tpu.memory_space<semaphore_mem>>
        %dma_wait3A_673 = arith.constant 0 : i32
        %dma_wait3A_674 = arith.constant 0 : i32
        %dma_wait3A_675 = tpu.memref_slice %arg5[%add3A, %sub3A_660, %dma_wait3A_673, %dma_wait3A_674] : memref<32x32x32x192xf32, #tpu.memory_space<hbm>> -> memref<1x1x32x192xf32, #tpu.memory_space<hbm>>
        %dma_wait3A_676 = tpu.memref_squeeze %dma_wait3A_675 : memref<1x1x32x192xf32, #tpu.memory_space<hbm>> -> memref<32x192xf32, #tpu.memory_space<hbm>>
        %dma_wait3A_677 = arith.constant 0 : i32
        %dma_wait3A_678 = arith.constant 0 : i32
        %dma_wait3A_679 = tpu.memref_slice %arg7[%dma_wait3A_661, %dma_wait3A_677, %dma_wait3A_678] : memref<8x32x192xf32, #tpu.memory_space<vmem>> -> memref<1x32x192xf32, #tpu.memory_space<vmem>>
        %dma_wait3A_680 = tpu.memref_squeeze %dma_wait3A_679 : memref<1x32x192xf32, #tpu.memory_space<vmem>> -> memref<32x192xf32, #tpu.memory_space<vmem>>
        tpu.wait_dma2 semaphore(%dma_wait3A_672 : memref<!tpu.dma_semaphore, #tpu.memory_space<semaphore_mem>>) src(%dma_wait3A_680 : memref<32x192xf32, #tpu.memory_space<vmem>>) dst(%dma_wait3A_676 : memref<32x192xf32, #tpu.memory_space<hbm>>)
      } else {
      }
      %add3A_425 = arith.constant 4 : i32
      %add3A_426 = arith.addi %add3A_378, %add3A_425 : i32
      %lt3A_427 = arith.constant 32 : i32
      %lt3A_428 = arith.cmpi slt, %add3A_426, %lt3A_427 : i32
      %convert_element_type3A_429 = arith.extui %lt3A_428 : i1 to i32
      %cond3A_430 = arith.constant 0 : i32
      %cond3A_431 = arith.cmpi ne, %convert_element_type3A_429, %cond3A_430 : i32
      scf.if %cond3A_431 {
        %add3A_660 = arith.constant 4 : i32
        %add3A_661 = arith.addi %add3A_378, %add3A_660 : i32
        %eq3A_662 = vector.broadcast %add3A_661 : i32 to vector<16xi32>
        %eq3A_663 = arith.cmpi eq, %iota3A, %eq3A_662 : vector<16xi32>
        %jit3A_664 = arith.constant 0 : i32
        %broadcast_in_dim3A_665 = vector.broadcast %jit3A_664 : i32 to vector<16xi32>
        %select_n3A_666 = arith.select %eq3A_663, %get3A_12, %broadcast_in_dim3A_665 : vector<16xi1>, vector<16xi32>
        %reduce_sum3A_667 = arith.constant true
        %reduce_sum3A_668 = vector.broadcast %reduce_sum3A_667 : i1 to vector<16xi1>
        %reduce_sum3A_669 = tpu.scan <sum>, %select_n3A_666 masked %reduce_sum3A_668 : vector<16xi32>, vector<16xi1> -> vector<16xi32>
        %reduce_sum3A_670 = vector.extract %reduce_sum3A_669[15] : i32 from vector<16xi32>
        %sub3A = arith.constant 16 : i32
        %sub3A_671 = arith.subi %add3A_661, %sub3A : i32
        %eq3A_672 = vector.broadcast %sub3A_671 : i32 to vector<16xi32>
        %eq3A_673 = arith.cmpi eq, %iota3A, %eq3A_672 : vector<16xi32>
        %jit3A_674 = arith.constant 0 : i32
        %broadcast_in_dim3A_675 = vector.broadcast %jit3A_674 : i32 to vector<16xi32>
        %select_n3A_676 = arith.select %eq3A_673, %get3A_16, %broadcast_in_dim3A_675 : vector<16xi1>, vector<16xi32>
        %reduce_sum3A_677 = arith.constant true
        %reduce_sum3A_678 = vector.broadcast %reduce_sum3A_677 : i1 to vector<16xi1>
        %reduce_sum3A_679 = tpu.scan <sum>, %select_n3A_676 masked %reduce_sum3A_678 : vector<16xi32>, vector<16xi1> -> vector<16xi32>
        %reduce_sum3A_680 = vector.extract %reduce_sum3A_679[15] : i32 from vector<16xi32>
        %add3A_681 = arith.addi %reduce_sum3A_670, %reduce_sum3A_680 : i32
        %scan3A_682 = arith.constant 0 : i32
        %scan3A_683 = arith.constant 0 : i32
        %scan3A_684 = arith.constant 32 : i32
        %scan3A_685 = arith.addi %scan3A_683, %scan3A_684 : i32
        %scan3A_686 = arith.constant 1 : i32
        scf.for %scan3A_688 = %scan3A_683 to %scan3A_685 step %scan3A_686  : i32 {
          %eq3A_689 = vector.broadcast %scan3A_688 : i32 to vector<16xi32>
          %eq3A_690 = arith.cmpi eq, %iota3A, %eq3A_689 : vector<16xi32>
          %jit3A_691 = arith.constant 0 : i32
          %broadcast_in_dim3A_692 = vector.broadcast %jit3A_691 : i32 to vector<16xi32>
          %select_n3A_693 = arith.select %eq3A_690, %get3A_4, %broadcast_in_dim3A_692 : vector<16xi1>, vector<16xi32>
          %reduce_sum3A_694 = arith.constant true
          %reduce_sum3A_695 = vector.broadcast %reduce_sum3A_694 : i1 to vector<16xi1>
          %reduce_sum3A_696 = tpu.scan <sum>, %select_n3A_693 masked %reduce_sum3A_695 : vector<16xi32>, vector<16xi1> -> vector<16xi32>
          %reduce_sum3A_697 = vector.extract %reduce_sum3A_696[15] : i32 from vector<16xi32>
          %sub3A_698 = arith.constant 16 : i32
          %sub3A_699 = arith.subi %scan3A_688, %sub3A_698 : i32
          %eq3A_700 = vector.broadcast %sub3A_699 : i32 to vector<16xi32>
          %eq3A_701 = arith.cmpi eq, %iota3A, %eq3A_700 : vector<16xi32>
          %jit3A_702 = arith.constant 0 : i32
          %broadcast_in_dim3A_703 = vector.broadcast %jit3A_702 : i32 to vector<16xi32>
          %select_n3A_704 = arith.select %eq3A_701, %get3A_8, %broadcast_in_dim3A_703 : vector<16xi1>, vector<16xi32>
          %reduce_sum3A_705 = arith.constant true
          %reduce_sum3A_706 = vector.broadcast %reduce_sum3A_705 : i1 to vector<16xi1>
          %reduce_sum3A_707 = tpu.scan <sum>, %select_n3A_704 masked %reduce_sum3A_706 : vector<16xi32>, vector<16xi1> -> vector<16xi32>
          %reduce_sum3A_708 = vector.extract %reduce_sum3A_707[15] : i32 from vector<16xi32>
          %add3A_709 = arith.addi %reduce_sum3A_697, %reduce_sum3A_708 : i32
          %dma_start3A_710 = arith.constant 7 : i32
          %dma_start3A_711 = arith.constant 7 : i32
          %dma_start3A_712 = arith.constant 0 : i32
          %dma_start3A_713 = tpu.memref_slice %arg7[%dma_start3A_710, %scan3A_688, %dma_start3A_712] : memref<8x32x192xf32, #tpu.memory_space<vmem>> -> memref<1x1x192xf32, #tpu.memory_space<vmem>>
          %dma_start3A_714 = tpu.memref_squeeze %dma_start3A_713 : memref<1x1x192xf32, #tpu.memory_space<vmem>> -> memref<192xf32, #tpu.memory_space<vmem>>
          %dma_start3A_715 = arith.constant 0 : i32
          %dma_start3A_716 = tpu.memref_slice %arg2[%add3A, %add3A_681, %add3A_709, %dma_start3A_715] : memref<32x64x64x192xf32, #tpu.memory_space<hbm>> -> memref<1x1x1x192xf32, #tpu.memory_space<hbm>>
          %dma_start3A_717 = tpu.memref_squeeze %dma_start3A_716 : memref<1x1x1x192xf32, #tpu.memory_space<hbm>> -> memref<192xf32, #tpu.memory_space<hbm>>
          %dma_start3A_718 = tpu.memref_slice %arg8[%dma_start3A_711] : memref<8x!tpu.dma_semaphore, #tpu.memory_space<semaphore_mem>> -> memref<1x!tpu.dma_semaphore, #tpu.memory_space<semaphore_mem>>
          %dma_start3A_719 = tpu.memref_squeeze %dma_start3A_718 : memref<1x!tpu.dma_semaphore, #tpu.memory_space<semaphore_mem>> -> memref<!tpu.dma_semaphore, #tpu.memory_space<semaphore_mem>>
          %dma_start3A_720 = arith.constant 0 : i32
          %dma_start3A_721 = tpu.memref_slice %arg7[%dma_start3A_710, %scan3A_688, %dma_start3A_720] : memref<8x32x192xf32, #tpu.memory_space<vmem>> -> memref<1x1x192xf32, #tpu.memory_space<vmem>>
          %dma_start3A_722 = tpu.memref_squeeze %dma_start3A_721 : memref<1x1x192xf32, #tpu.memory_space<vmem>> -> memref<192xf32, #tpu.memory_space<vmem>>
          %dma_start3A_723 = arith.constant 0 : i32
          %dma_start3A_724 = tpu.memref_slice %arg2[%add3A, %add3A_681, %add3A_709, %dma_start3A_723] : memref<32x64x64x192xf32, #tpu.memory_space<hbm>> -> memref<1x1x1x192xf32, #tpu.memory_space<hbm>>
          %dma_start3A_725 = tpu.memref_squeeze %dma_start3A_724 : memref<1x1x1x192xf32, #tpu.memory_space<hbm>> -> memref<192xf32, #tpu.memory_space<hbm>>
          tpu.enqueue_dma source(%dma_start3A_725 : memref<192xf32, #tpu.memory_space<hbm>>) target(%dma_start3A_722 : memref<192xf32, #tpu.memory_space<vmem>>) target_semaphore(%dma_start3A_719 : memref<!tpu.dma_semaphore, #tpu.memory_space<semaphore_mem>>)
        }
        %scan3A_687 = arith.constant 32 : i32
      } else {
      }
      %mul3A_432 = arith.constant 8 : i32
      %mul3A_433 = arith.muli %scan3A_208, %mul3A_432 : i32
      %add3A_434 = arith.constant 4 : i32
      %add3A_435 = arith.addi %mul3A_433, %add3A_434 : i32
      %dma_wait3A_436 = arith.constant 0 : i32
      %dma_wait3A_437 = arith.constant 4 : i32
      %dma_wait3A_438 = arith.constant 4 : i32
      %dma_wait3A_439 = arith.constant 0 : i32
      %dma_wait3A_440 = arith.constant 0 : i32
      %dma_wait3A_441 = tpu.memref_slice %arg7[%dma_wait3A_437, %dma_wait3A_439, %dma_wait3A_440] : memref<8x32x192xf32, #tpu.memory_space<vmem>> -> memref<1x32x192xf32, #tpu.memory_space<vmem>>
      %dma_wait3A_442 = tpu.memref_squeeze %dma_wait3A_441 : memref<1x32x192xf32, #tpu.memory_space<vmem>> -> memref<32x192xf32, #tpu.memory_space<vmem>>
      %dma_wait3A_443 = arith.constant 0 : i32
      %dma_wait3A_444 = arith.constant 0 : i32
      %dma_wait3A_445 = tpu.memref_slice %arg2[%add3A, %dma_wait3A_436, %dma_wait3A_443, %dma_wait3A_444] : memref<32x64x64x192xf32, #tpu.memory_space<hbm>> -> memref<1x1x32x192xf32, #tpu.memory_space<hbm>>
      %dma_wait3A_446 = tpu.memref_squeeze %dma_wait3A_445 : memref<1x1x32x192xf32, #tpu.memory_space<hbm>> -> memref<32x192xf32, #tpu.memory_space<hbm>>
      %dma_wait3A_447 = tpu.memref_slice %arg8[%dma_wait3A_438] : memref<8x!tpu.dma_semaphore, #tpu.memory_space<semaphore_mem>> -> memref<1x!tpu.dma_semaphore, #tpu.memory_space<semaphore_mem>>
      %dma_wait3A_448 = tpu.memref_squeeze %dma_wait3A_447 : memref<1x!tpu.dma_semaphore, #tpu.memory_space<semaphore_mem>> -> memref<!tpu.dma_semaphore, #tpu.memory_space<semaphore_mem>>
      %dma_wait3A_449 = arith.constant 0 : i32
      %dma_wait3A_450 = arith.constant 0 : i32
      %dma_wait3A_451 = tpu.memref_slice %arg7[%dma_wait3A_437, %dma_wait3A_449, %dma_wait3A_450] : memref<8x32x192xf32, #tpu.memory_space<vmem>> -> memref<1x32x192xf32, #tpu.memory_space<vmem>>
      %dma_wait3A_452 = tpu.memref_squeeze %dma_wait3A_451 : memref<1x32x192xf32, #tpu.memory_space<vmem>> -> memref<32x192xf32, #tpu.memory_space<vmem>>
      %dma_wait3A_453 = arith.constant 0 : i32
      %dma_wait3A_454 = arith.constant 0 : i32
      %dma_wait3A_455 = tpu.memref_slice %arg2[%add3A, %dma_wait3A_436, %dma_wait3A_453, %dma_wait3A_454] : memref<32x64x64x192xf32, #tpu.memory_space<hbm>> -> memref<1x1x32x192xf32, #tpu.memory_space<hbm>>
      %dma_wait3A_456 = tpu.memref_squeeze %dma_wait3A_455 : memref<1x1x32x192xf32, #tpu.memory_space<hbm>> -> memref<32x192xf32, #tpu.memory_space<hbm>>
      tpu.wait_dma2 semaphore(%dma_wait3A_448 : memref<!tpu.dma_semaphore, #tpu.memory_space<semaphore_mem>>) src(%dma_wait3A_456 : memref<32x192xf32, #tpu.memory_space<hbm>>) dst(%dma_wait3A_452 : memref<32x192xf32, #tpu.memory_space<vmem>>)
      %dma_start3A_457 = arith.constant 4 : i32
      %dma_start3A_458 = arith.constant 4 : i32
      %dma_start3A_459 = arith.constant 0 : i32
      %dma_start3A_460 = arith.constant 0 : i32
      %dma_start3A_461 = tpu.memref_slice %arg7[%dma_start3A_457, %dma_start3A_459, %dma_start3A_460] : memref<8x32x192xf32, #tpu.memory_space<vmem>> -> memref<1x32x192xf32, #tpu.memory_space<vmem>>
      %dma_start3A_462 = tpu.memref_squeeze %dma_start3A_461 : memref<1x32x192xf32, #tpu.memory_space<vmem>> -> memref<32x192xf32, #tpu.memory_space<vmem>>
      %dma_start3A_463 = arith.constant 0 : i32
      %dma_start3A_464 = arith.constant 0 : i32
      %dma_start3A_465 = tpu.memref_slice %arg5[%add3A, %add3A_435, %dma_start3A_463, %dma_start3A_464] : memref<32x32x32x192xf32, #tpu.memory_space<hbm>> -> memref<1x1x32x192xf32, #tpu.memory_space<hbm>>
      %dma_start3A_466 = tpu.memref_squeeze %dma_start3A_465 : memref<1x1x32x192xf32, #tpu.memory_space<hbm>> -> memref<32x192xf32, #tpu.memory_space<hbm>>
      %dma_start3A_467 = tpu.memref_slice %arg9[%dma_start3A_458] : memref<8x!tpu.dma_semaphore, #tpu.memory_space<semaphore_mem>> -> memref<1x!tpu.dma_semaphore, #tpu.memory_space<semaphore_mem>>
      %dma_start3A_468 = tpu.memref_squeeze %dma_start3A_467 : memref<1x!tpu.dma_semaphore, #tpu.memory_space<semaphore_mem>> -> memref<!tpu.dma_semaphore, #tpu.memory_space<semaphore_mem>>
      %dma_start3A_469 = arith.constant 0 : i32
      %dma_start3A_470 = arith.constant 0 : i32
      %dma_start3A_471 = tpu.memref_slice %arg5[%add3A, %add3A_435, %dma_start3A_469, %dma_start3A_470] : memref<32x32x32x192xf32, #tpu.memory_space<hbm>> -> memref<1x1x32x192xf32, #tpu.memory_space<hbm>>
      %dma_start3A_472 = tpu.memref_squeeze %dma_start3A_471 : memref<1x1x32x192xf32, #tpu.memory_space<hbm>> -> memref<32x192xf32, #tpu.memory_space<hbm>>
      %dma_start3A_473 = arith.constant 0 : i32
      %dma_start3A_474 = arith.constant 0 : i32
      %dma_start3A_475 = tpu.memref_slice %arg7[%dma_start3A_457, %dma_start3A_473, %dma_start3A_474] : memref<8x32x192xf32, #tpu.memory_space<vmem>> -> memref<1x32x192xf32, #tpu.memory_space<vmem>>
      %dma_start3A_476 = tpu.memref_squeeze %dma_start3A_475 : memref<1x32x192xf32, #tpu.memory_space<vmem>> -> memref<32x192xf32, #tpu.memory_space<vmem>>
      tpu.enqueue_dma source(%dma_start3A_476 : memref<32x192xf32, #tpu.memory_space<vmem>>) target(%dma_start3A_472 : memref<32x192xf32, #tpu.memory_space<hbm>>) target_semaphore(%dma_start3A_468 : memref<!tpu.dma_semaphore, #tpu.memory_space<semaphore_mem>>)
      %ge3A_477 = arith.constant 4 : i32
      %ge3A_478 = arith.cmpi sge, %add3A_435, %ge3A_477 : i32
      %convert_element_type3A_479 = arith.extui %ge3A_478 : i1 to i32
      %cond3A_480 = arith.constant 0 : i32
      %cond3A_481 = arith.cmpi ne, %convert_element_type3A_479, %cond3A_480 : i32
      scf.if %cond3A_481 {
        %sub3A = arith.constant 4 : i32
        %sub3A_660 = arith.subi %add3A_435, %sub3A : i32
        %dma_wait3A_661 = arith.constant 0 : i32
        %dma_wait3A_662 = arith.constant 0 : i32
        %dma_wait3A_663 = arith.constant 0 : i32
        %dma_wait3A_664 = arith.constant 0 : i32
        %dma_wait3A_665 = tpu.memref_slice %arg7[%dma_wait3A_661, %dma_wait3A_663, %dma_wait3A_664] : memref<8x32x192xf32, #tpu.memory_space<vmem>> -> memref<1x32x192xf32, #tpu.memory_space<vmem>>
        %dma_wait3A_666 = tpu.memref_squeeze %dma_wait3A_665 : memref<1x32x192xf32, #tpu.memory_space<vmem>> -> memref<32x192xf32, #tpu.memory_space<vmem>>
        %dma_wait3A_667 = arith.constant 0 : i32
        %dma_wait3A_668 = arith.constant 0 : i32
        %dma_wait3A_669 = tpu.memref_slice %arg5[%add3A, %sub3A_660, %dma_wait3A_667, %dma_wait3A_668] : memref<32x32x32x192xf32, #tpu.memory_space<hbm>> -> memref<1x1x32x192xf32, #tpu.memory_space<hbm>>
        %dma_wait3A_670 = tpu.memref_squeeze %dma_wait3A_669 : memref<1x1x32x192xf32, #tpu.memory_space<hbm>> -> memref<32x192xf32, #tpu.memory_space<hbm>>
        %dma_wait3A_671 = tpu.memref_slice %arg9[%dma_wait3A_662] : memref<8x!tpu.dma_semaphore, #tpu.memory_space<semaphore_mem>> -> memref<1x!tpu.dma_semaphore, #tpu.memory_space<semaphore_mem>>
        %dma_wait3A_672 = tpu.memref_squeeze %dma_wait3A_671 : memref<1x!tpu.dma_semaphore, #tpu.memory_space<semaphore_mem>> -> memref<!tpu.dma_semaphore, #tpu.memory_space<semaphore_mem>>
        %dma_wait3A_673 = arith.constant 0 : i32
        %dma_wait3A_674 = arith.constant 0 : i32
        %dma_wait3A_675 = tpu.memref_slice %arg5[%add3A, %sub3A_660, %dma_wait3A_673, %dma_wait3A_674] : memref<32x32x32x192xf32, #tpu.memory_space<hbm>> -> memref<1x1x32x192xf32, #tpu.memory_space<hbm>>
        %dma_wait3A_676 = tpu.memref_squeeze %dma_wait3A_675 : memref<1x1x32x192xf32, #tpu.memory_space<hbm>> -> memref<32x192xf32, #tpu.memory_space<hbm>>
        %dma_wait3A_677 = arith.constant 0 : i32
        %dma_wait3A_678 = arith.constant 0 : i32
        %dma_wait3A_679 = tpu.memref_slice %arg7[%dma_wait3A_661, %dma_wait3A_677, %dma_wait3A_678] : memref<8x32x192xf32, #tpu.memory_space<vmem>> -> memref<1x32x192xf32, #tpu.memory_space<vmem>>
        %dma_wait3A_680 = tpu.memref_squeeze %dma_wait3A_679 : memref<1x32x192xf32, #tpu.memory_space<vmem>> -> memref<32x192xf32, #tpu.memory_space<vmem>>
        tpu.wait_dma2 semaphore(%dma_wait3A_672 : memref<!tpu.dma_semaphore, #tpu.memory_space<semaphore_mem>>) src(%dma_wait3A_680 : memref<32x192xf32, #tpu.memory_space<vmem>>) dst(%dma_wait3A_676 : memref<32x192xf32, #tpu.memory_space<hbm>>)
      } else {
      }
      %add3A_482 = arith.constant 4 : i32
      %add3A_483 = arith.addi %add3A_435, %add3A_482 : i32
      %lt3A_484 = arith.constant 32 : i32
      %lt3A_485 = arith.cmpi slt, %add3A_483, %lt3A_484 : i32
      %convert_element_type3A_486 = arith.extui %lt3A_485 : i1 to i32
      %cond3A_487 = arith.constant 0 : i32
      %cond3A_488 = arith.cmpi ne, %convert_element_type3A_486, %cond3A_487 : i32
      scf.if %cond3A_488 {
        %add3A_660 = arith.constant 4 : i32
        %add3A_661 = arith.addi %add3A_435, %add3A_660 : i32
        %eq3A_662 = vector.broadcast %add3A_661 : i32 to vector<16xi32>
        %eq3A_663 = arith.cmpi eq, %iota3A, %eq3A_662 : vector<16xi32>
        %jit3A_664 = arith.constant 0 : i32
        %broadcast_in_dim3A_665 = vector.broadcast %jit3A_664 : i32 to vector<16xi32>
        %select_n3A_666 = arith.select %eq3A_663, %get3A_12, %broadcast_in_dim3A_665 : vector<16xi1>, vector<16xi32>
        %reduce_sum3A_667 = arith.constant true
        %reduce_sum3A_668 = vector.broadcast %reduce_sum3A_667 : i1 to vector<16xi1>
        %reduce_sum3A_669 = tpu.scan <sum>, %select_n3A_666 masked %reduce_sum3A_668 : vector<16xi32>, vector<16xi1> -> vector<16xi32>
        %reduce_sum3A_670 = vector.extract %reduce_sum3A_669[15] : i32 from vector<16xi32>
        %sub3A = arith.constant 16 : i32
        %sub3A_671 = arith.subi %add3A_661, %sub3A : i32
        %eq3A_672 = vector.broadcast %sub3A_671 : i32 to vector<16xi32>
        %eq3A_673 = arith.cmpi eq, %iota3A, %eq3A_672 : vector<16xi32>
        %jit3A_674 = arith.constant 0 : i32
        %broadcast_in_dim3A_675 = vector.broadcast %jit3A_674 : i32 to vector<16xi32>
        %select_n3A_676 = arith.select %eq3A_673, %get3A_16, %broadcast_in_dim3A_675 : vector<16xi1>, vector<16xi32>
        %reduce_sum3A_677 = arith.constant true
        %reduce_sum3A_678 = vector.broadcast %reduce_sum3A_677 : i1 to vector<16xi1>
        %reduce_sum3A_679 = tpu.scan <sum>, %select_n3A_676 masked %reduce_sum3A_678 : vector<16xi32>, vector<16xi1> -> vector<16xi32>
        %reduce_sum3A_680 = vector.extract %reduce_sum3A_679[15] : i32 from vector<16xi32>
        %add3A_681 = arith.addi %reduce_sum3A_670, %reduce_sum3A_680 : i32
        %scan3A_682 = arith.constant 0 : i32
        %scan3A_683 = arith.constant 0 : i32
        %scan3A_684 = arith.constant 32 : i32
        %scan3A_685 = arith.addi %scan3A_683, %scan3A_684 : i32
        %scan3A_686 = arith.constant 1 : i32
        scf.for %scan3A_688 = %scan3A_683 to %scan3A_685 step %scan3A_686  : i32 {
          %eq3A_689 = vector.broadcast %scan3A_688 : i32 to vector<16xi32>
          %eq3A_690 = arith.cmpi eq, %iota3A, %eq3A_689 : vector<16xi32>
          %jit3A_691 = arith.constant 0 : i32
          %broadcast_in_dim3A_692 = vector.broadcast %jit3A_691 : i32 to vector<16xi32>
          %select_n3A_693 = arith.select %eq3A_690, %get3A_4, %broadcast_in_dim3A_692 : vector<16xi1>, vector<16xi32>
          %reduce_sum3A_694 = arith.constant true
          %reduce_sum3A_695 = vector.broadcast %reduce_sum3A_694 : i1 to vector<16xi1>
          %reduce_sum3A_696 = tpu.scan <sum>, %select_n3A_693 masked %reduce_sum3A_695 : vector<16xi32>, vector<16xi1> -> vector<16xi32>
          %reduce_sum3A_697 = vector.extract %reduce_sum3A_696[15] : i32 from vector<16xi32>
          %sub3A_698 = arith.constant 16 : i32
          %sub3A_699 = arith.subi %scan3A_688, %sub3A_698 : i32
          %eq3A_700 = vector.broadcast %sub3A_699 : i32 to vector<16xi32>
          %eq3A_701 = arith.cmpi eq, %iota3A, %eq3A_700 : vector<16xi32>
          %jit3A_702 = arith.constant 0 : i32
          %broadcast_in_dim3A_703 = vector.broadcast %jit3A_702 : i32 to vector<16xi32>
          %select_n3A_704 = arith.select %eq3A_701, %get3A_8, %broadcast_in_dim3A_703 : vector<16xi1>, vector<16xi32>
          %reduce_sum3A_705 = arith.constant true
          %reduce_sum3A_706 = vector.broadcast %reduce_sum3A_705 : i1 to vector<16xi1>
          %reduce_sum3A_707 = tpu.scan <sum>, %select_n3A_704 masked %reduce_sum3A_706 : vector<16xi32>, vector<16xi1> -> vector<16xi32>
          %reduce_sum3A_708 = vector.extract %reduce_sum3A_707[15] : i32 from vector<16xi32>
          %add3A_709 = arith.addi %reduce_sum3A_697, %reduce_sum3A_708 : i32
          %dma_start3A_710 = arith.constant 0 : i32
          %dma_start3A_711 = arith.constant 0 : i32
          %dma_start3A_712 = arith.constant 0 : i32
          %dma_start3A_713 = tpu.memref_slice %arg7[%dma_start3A_710, %scan3A_688, %dma_start3A_712] : memref<8x32x192xf32, #tpu.memory_space<vmem>> -> memref<1x1x192xf32, #tpu.memory_space<vmem>>
          %dma_start3A_714 = tpu.memref_squeeze %dma_start3A_713 : memref<1x1x192xf32, #tpu.memory_space<vmem>> -> memref<192xf32, #tpu.memory_space<vmem>>
          %dma_start3A_715 = arith.constant 0 : i32
          %dma_start3A_716 = tpu.memref_slice %arg2[%add3A, %add3A_681, %add3A_709, %dma_start3A_715] : memref<32x64x64x192xf32, #tpu.memory_space<hbm>> -> memref<1x1x1x192xf32, #tpu.memory_space<hbm>>
          %dma_start3A_717 = tpu.memref_squeeze %dma_start3A_716 : memref<1x1x1x192xf32, #tpu.memory_space<hbm>> -> memref<192xf32, #tpu.memory_space<hbm>>
          %dma_start3A_718 = tpu.memref_slice %arg8[%dma_start3A_711] : memref<8x!tpu.dma_semaphore, #tpu.memory_space<semaphore_mem>> -> memref<1x!tpu.dma_semaphore, #tpu.memory_space<semaphore_mem>>
          %dma_start3A_719 = tpu.memref_squeeze %dma_start3A_718 : memref<1x!tpu.dma_semaphore, #tpu.memory_space<semaphore_mem>> -> memref<!tpu.dma_semaphore, #tpu.memory_space<semaphore_mem>>
          %dma_start3A_720 = arith.constant 0 : i32
          %dma_start3A_721 = tpu.memref_slice %arg7[%dma_start3A_710, %scan3A_688, %dma_start3A_720] : memref<8x32x192xf32, #tpu.memory_space<vmem>> -> memref<1x1x192xf32, #tpu.memory_space<vmem>>
          %dma_start3A_722 = tpu.memref_squeeze %dma_start3A_721 : memref<1x1x192xf32, #tpu.memory_space<vmem>> -> memref<192xf32, #tpu.memory_space<vmem>>
          %dma_start3A_723 = arith.constant 0 : i32
          %dma_start3A_724 = tpu.memref_slice %arg2[%add3A, %add3A_681, %add3A_709, %dma_start3A_723] : memref<32x64x64x192xf32, #tpu.memory_space<hbm>> -> memref<1x1x1x192xf32, #tpu.memory_space<hbm>>
          %dma_start3A_725 = tpu.memref_squeeze %dma_start3A_724 : memref<1x1x1x192xf32, #tpu.memory_space<hbm>> -> memref<192xf32, #tpu.memory_space<hbm>>
          tpu.enqueue_dma source(%dma_start3A_725 : memref<192xf32, #tpu.memory_space<hbm>>) target(%dma_start3A_722 : memref<192xf32, #tpu.memory_space<vmem>>) target_semaphore(%dma_start3A_719 : memref<!tpu.dma_semaphore, #tpu.memory_space<semaphore_mem>>)
        }
        %scan3A_687 = arith.constant 32 : i32
      } else {
      }
      %mul3A_489 = arith.constant 8 : i32
      %mul3A_490 = arith.muli %scan3A_208, %mul3A_489 : i32
      %add3A_491 = arith.constant 5 : i32
      %add3A_492 = arith.addi %mul3A_490, %add3A_491 : i32
      %dma_wait3A_493 = arith.constant 0 : i32
      %dma_wait3A_494 = arith.constant 5 : i32
      %dma_wait3A_495 = arith.constant 5 : i32
      %dma_wait3A_496 = arith.constant 0 : i32
      %dma_wait3A_497 = arith.constant 0 : i32
      %dma_wait3A_498 = tpu.memref_slice %arg7[%dma_wait3A_494, %dma_wait3A_496, %dma_wait3A_497] : memref<8x32x192xf32, #tpu.memory_space<vmem>> -> memref<1x32x192xf32, #tpu.memory_space<vmem>>
      %dma_wait3A_499 = tpu.memref_squeeze %dma_wait3A_498 : memref<1x32x192xf32, #tpu.memory_space<vmem>> -> memref<32x192xf32, #tpu.memory_space<vmem>>
      %dma_wait3A_500 = arith.constant 0 : i32
      %dma_wait3A_501 = arith.constant 0 : i32
      %dma_wait3A_502 = tpu.memref_slice %arg2[%add3A, %dma_wait3A_493, %dma_wait3A_500, %dma_wait3A_501] : memref<32x64x64x192xf32, #tpu.memory_space<hbm>> -> memref<1x1x32x192xf32, #tpu.memory_space<hbm>>
      %dma_wait3A_503 = tpu.memref_squeeze %dma_wait3A_502 : memref<1x1x32x192xf32, #tpu.memory_space<hbm>> -> memref<32x192xf32, #tpu.memory_space<hbm>>
      %dma_wait3A_504 = tpu.memref_slice %arg8[%dma_wait3A_495] : memref<8x!tpu.dma_semaphore, #tpu.memory_space<semaphore_mem>> -> memref<1x!tpu.dma_semaphore, #tpu.memory_space<semaphore_mem>>
      %dma_wait3A_505 = tpu.memref_squeeze %dma_wait3A_504 : memref<1x!tpu.dma_semaphore, #tpu.memory_space<semaphore_mem>> -> memref<!tpu.dma_semaphore, #tpu.memory_space<semaphore_mem>>
      %dma_wait3A_506 = arith.constant 0 : i32
      %dma_wait3A_507 = arith.constant 0 : i32
      %dma_wait3A_508 = tpu.memref_slice %arg7[%dma_wait3A_494, %dma_wait3A_506, %dma_wait3A_507] : memref<8x32x192xf32, #tpu.memory_space<vmem>> -> memref<1x32x192xf32, #tpu.memory_space<vmem>>
      %dma_wait3A_509 = tpu.memref_squeeze %dma_wait3A_508 : memref<1x32x192xf32, #tpu.memory_space<vmem>> -> memref<32x192xf32, #tpu.memory_space<vmem>>
      %dma_wait3A_510 = arith.constant 0 : i32
      %dma_wait3A_511 = arith.constant 0 : i32
      %dma_wait3A_512 = tpu.memref_slice %arg2[%add3A, %dma_wait3A_493, %dma_wait3A_510, %dma_wait3A_511] : memref<32x64x64x192xf32, #tpu.memory_space<hbm>> -> memref<1x1x32x192xf32, #tpu.memory_space<hbm>>
      %dma_wait3A_513 = tpu.memref_squeeze %dma_wait3A_512 : memref<1x1x32x192xf32, #tpu.memory_space<hbm>> -> memref<32x192xf32, #tpu.memory_space<hbm>>
      tpu.wait_dma2 semaphore(%dma_wait3A_505 : memref<!tpu.dma_semaphore, #tpu.memory_space<semaphore_mem>>) src(%dma_wait3A_513 : memref<32x192xf32, #tpu.memory_space<hbm>>) dst(%dma_wait3A_509 : memref<32x192xf32, #tpu.memory_space<vmem>>)
      %dma_start3A_514 = arith.constant 5 : i32
      %dma_start3A_515 = arith.constant 5 : i32
      %dma_start3A_516 = arith.constant 0 : i32
      %dma_start3A_517 = arith.constant 0 : i32
      %dma_start3A_518 = tpu.memref_slice %arg7[%dma_start3A_514, %dma_start3A_516, %dma_start3A_517] : memref<8x32x192xf32, #tpu.memory_space<vmem>> -> memref<1x32x192xf32, #tpu.memory_space<vmem>>
      %dma_start3A_519 = tpu.memref_squeeze %dma_start3A_518 : memref<1x32x192xf32, #tpu.memory_space<vmem>> -> memref<32x192xf32, #tpu.memory_space<vmem>>
      %dma_start3A_520 = arith.constant 0 : i32
      %dma_start3A_521 = arith.constant 0 : i32
      %dma_start3A_522 = tpu.memref_slice %arg5[%add3A, %add3A_492, %dma_start3A_520, %dma_start3A_521] : memref<32x32x32x192xf32, #tpu.memory_space<hbm>> -> memref<1x1x32x192xf32, #tpu.memory_space<hbm>>
      %dma_start3A_523 = tpu.memref_squeeze %dma_start3A_522 : memref<1x1x32x192xf32, #tpu.memory_space<hbm>> -> memref<32x192xf32, #tpu.memory_space<hbm>>
      %dma_start3A_524 = tpu.memref_slice %arg9[%dma_start3A_515] : memref<8x!tpu.dma_semaphore, #tpu.memory_space<semaphore_mem>> -> memref<1x!tpu.dma_semaphore, #tpu.memory_space<semaphore_mem>>
      %dma_start3A_525 = tpu.memref_squeeze %dma_start3A_524 : memref<1x!tpu.dma_semaphore, #tpu.memory_space<semaphore_mem>> -> memref<!tpu.dma_semaphore, #tpu.memory_space<semaphore_mem>>
      %dma_start3A_526 = arith.constant 0 : i32
      %dma_start3A_527 = arith.constant 0 : i32
      %dma_start3A_528 = tpu.memref_slice %arg5[%add3A, %add3A_492, %dma_start3A_526, %dma_start3A_527] : memref<32x32x32x192xf32, #tpu.memory_space<hbm>> -> memref<1x1x32x192xf32, #tpu.memory_space<hbm>>
      %dma_start3A_529 = tpu.memref_squeeze %dma_start3A_528 : memref<1x1x32x192xf32, #tpu.memory_space<hbm>> -> memref<32x192xf32, #tpu.memory_space<hbm>>
      %dma_start3A_530 = arith.constant 0 : i32
      %dma_start3A_531 = arith.constant 0 : i32
      %dma_start3A_532 = tpu.memref_slice %arg7[%dma_start3A_514, %dma_start3A_530, %dma_start3A_531] : memref<8x32x192xf32, #tpu.memory_space<vmem>> -> memref<1x32x192xf32, #tpu.memory_space<vmem>>
      %dma_start3A_533 = tpu.memref_squeeze %dma_start3A_532 : memref<1x32x192xf32, #tpu.memory_space<vmem>> -> memref<32x192xf32, #tpu.memory_space<vmem>>
      tpu.enqueue_dma source(%dma_start3A_533 : memref<32x192xf32, #tpu.memory_space<vmem>>) target(%dma_start3A_529 : memref<32x192xf32, #tpu.memory_space<hbm>>) target_semaphore(%dma_start3A_525 : memref<!tpu.dma_semaphore, #tpu.memory_space<semaphore_mem>>)
      %ge3A_534 = arith.constant 4 : i32
      %ge3A_535 = arith.cmpi sge, %add3A_492, %ge3A_534 : i32
      %convert_element_type3A_536 = arith.extui %ge3A_535 : i1 to i32
      %cond3A_537 = arith.constant 0 : i32
      %cond3A_538 = arith.cmpi ne, %convert_element_type3A_536, %cond3A_537 : i32
      scf.if %cond3A_538 {
        %sub3A = arith.constant 4 : i32
        %sub3A_660 = arith.subi %add3A_492, %sub3A : i32
        %dma_wait3A_661 = arith.constant 1 : i32
        %dma_wait3A_662 = arith.constant 1 : i32
        %dma_wait3A_663 = arith.constant 0 : i32
        %dma_wait3A_664 = arith.constant 0 : i32
        %dma_wait3A_665 = tpu.memref_slice %arg7[%dma_wait3A_661, %dma_wait3A_663, %dma_wait3A_664] : memref<8x32x192xf32, #tpu.memory_space<vmem>> -> memref<1x32x192xf32, #tpu.memory_space<vmem>>
        %dma_wait3A_666 = tpu.memref_squeeze %dma_wait3A_665 : memref<1x32x192xf32, #tpu.memory_space<vmem>> -> memref<32x192xf32, #tpu.memory_space<vmem>>
        %dma_wait3A_667 = arith.constant 0 : i32
        %dma_wait3A_668 = arith.constant 0 : i32
        %dma_wait3A_669 = tpu.memref_slice %arg5[%add3A, %sub3A_660, %dma_wait3A_667, %dma_wait3A_668] : memref<32x32x32x192xf32, #tpu.memory_space<hbm>> -> memref<1x1x32x192xf32, #tpu.memory_space<hbm>>
        %dma_wait3A_670 = tpu.memref_squeeze %dma_wait3A_669 : memref<1x1x32x192xf32, #tpu.memory_space<hbm>> -> memref<32x192xf32, #tpu.memory_space<hbm>>
        %dma_wait3A_671 = tpu.memref_slice %arg9[%dma_wait3A_662] : memref<8x!tpu.dma_semaphore, #tpu.memory_space<semaphore_mem>> -> memref<1x!tpu.dma_semaphore, #tpu.memory_space<semaphore_mem>>
        %dma_wait3A_672 = tpu.memref_squeeze %dma_wait3A_671 : memref<1x!tpu.dma_semaphore, #tpu.memory_space<semaphore_mem>> -> memref<!tpu.dma_semaphore, #tpu.memory_space<semaphore_mem>>
        %dma_wait3A_673 = arith.constant 0 : i32
        %dma_wait3A_674 = arith.constant 0 : i32
        %dma_wait3A_675 = tpu.memref_slice %arg5[%add3A, %sub3A_660, %dma_wait3A_673, %dma_wait3A_674] : memref<32x32x32x192xf32, #tpu.memory_space<hbm>> -> memref<1x1x32x192xf32, #tpu.memory_space<hbm>>
        %dma_wait3A_676 = tpu.memref_squeeze %dma_wait3A_675 : memref<1x1x32x192xf32, #tpu.memory_space<hbm>> -> memref<32x192xf32, #tpu.memory_space<hbm>>
        %dma_wait3A_677 = arith.constant 0 : i32
        %dma_wait3A_678 = arith.constant 0 : i32
        %dma_wait3A_679 = tpu.memref_slice %arg7[%dma_wait3A_661, %dma_wait3A_677, %dma_wait3A_678] : memref<8x32x192xf32, #tpu.memory_space<vmem>> -> memref<1x32x192xf32, #tpu.memory_space<vmem>>
        %dma_wait3A_680 = tpu.memref_squeeze %dma_wait3A_679 : memref<1x32x192xf32, #tpu.memory_space<vmem>> -> memref<32x192xf32, #tpu.memory_space<vmem>>
        tpu.wait_dma2 semaphore(%dma_wait3A_672 : memref<!tpu.dma_semaphore, #tpu.memory_space<semaphore_mem>>) src(%dma_wait3A_680 : memref<32x192xf32, #tpu.memory_space<vmem>>) dst(%dma_wait3A_676 : memref<32x192xf32, #tpu.memory_space<hbm>>)
      } else {
      }
      %add3A_539 = arith.constant 4 : i32
      %add3A_540 = arith.addi %add3A_492, %add3A_539 : i32
      %lt3A_541 = arith.constant 32 : i32
      %lt3A_542 = arith.cmpi slt, %add3A_540, %lt3A_541 : i32
      %convert_element_type3A_543 = arith.extui %lt3A_542 : i1 to i32
      %cond3A_544 = arith.constant 0 : i32
      %cond3A_545 = arith.cmpi ne, %convert_element_type3A_543, %cond3A_544 : i32
      scf.if %cond3A_545 {
        %add3A_660 = arith.constant 4 : i32
        %add3A_661 = arith.addi %add3A_492, %add3A_660 : i32
        %eq3A_662 = vector.broadcast %add3A_661 : i32 to vector<16xi32>
        %eq3A_663 = arith.cmpi eq, %iota3A, %eq3A_662 : vector<16xi32>
        %jit3A_664 = arith.constant 0 : i32
        %broadcast_in_dim3A_665 = vector.broadcast %jit3A_664 : i32 to vector<16xi32>
        %select_n3A_666 = arith.select %eq3A_663, %get3A_12, %broadcast_in_dim3A_665 : vector<16xi1>, vector<16xi32>
        %reduce_sum3A_667 = arith.constant true
        %reduce_sum3A_668 = vector.broadcast %reduce_sum3A_667 : i1 to vector<16xi1>
        %reduce_sum3A_669 = tpu.scan <sum>, %select_n3A_666 masked %reduce_sum3A_668 : vector<16xi32>, vector<16xi1> -> vector<16xi32>
        %reduce_sum3A_670 = vector.extract %reduce_sum3A_669[15] : i32 from vector<16xi32>
        %sub3A = arith.constant 16 : i32
        %sub3A_671 = arith.subi %add3A_661, %sub3A : i32
        %eq3A_672 = vector.broadcast %sub3A_671 : i32 to vector<16xi32>
        %eq3A_673 = arith.cmpi eq, %iota3A, %eq3A_672 : vector<16xi32>
        %jit3A_674 = arith.constant 0 : i32
        %broadcast_in_dim3A_675 = vector.broadcast %jit3A_674 : i32 to vector<16xi32>
        %select_n3A_676 = arith.select %eq3A_673, %get3A_16, %broadcast_in_dim3A_675 : vector<16xi1>, vector<16xi32>
        %reduce_sum3A_677 = arith.constant true
        %reduce_sum3A_678 = vector.broadcast %reduce_sum3A_677 : i1 to vector<16xi1>
        %reduce_sum3A_679 = tpu.scan <sum>, %select_n3A_676 masked %reduce_sum3A_678 : vector<16xi32>, vector<16xi1> -> vector<16xi32>
        %reduce_sum3A_680 = vector.extract %reduce_sum3A_679[15] : i32 from vector<16xi32>
        %add3A_681 = arith.addi %reduce_sum3A_670, %reduce_sum3A_680 : i32
        %scan3A_682 = arith.constant 0 : i32
        %scan3A_683 = arith.constant 0 : i32
        %scan3A_684 = arith.constant 32 : i32
        %scan3A_685 = arith.addi %scan3A_683, %scan3A_684 : i32
        %scan3A_686 = arith.constant 1 : i32
        scf.for %scan3A_688 = %scan3A_683 to %scan3A_685 step %scan3A_686  : i32 {
          %eq3A_689 = vector.broadcast %scan3A_688 : i32 to vector<16xi32>
          %eq3A_690 = arith.cmpi eq, %iota3A, %eq3A_689 : vector<16xi32>
          %jit3A_691 = arith.constant 0 : i32
          %broadcast_in_dim3A_692 = vector.broadcast %jit3A_691 : i32 to vector<16xi32>
          %select_n3A_693 = arith.select %eq3A_690, %get3A_4, %broadcast_in_dim3A_692 : vector<16xi1>, vector<16xi32>
          %reduce_sum3A_694 = arith.constant true
          %reduce_sum3A_695 = vector.broadcast %reduce_sum3A_694 : i1 to vector<16xi1>
          %reduce_sum3A_696 = tpu.scan <sum>, %select_n3A_693 masked %reduce_sum3A_695 : vector<16xi32>, vector<16xi1> -> vector<16xi32>
          %reduce_sum3A_697 = vector.extract %reduce_sum3A_696[15] : i32 from vector<16xi32>
          %sub3A_698 = arith.constant 16 : i32
          %sub3A_699 = arith.subi %scan3A_688, %sub3A_698 : i32
          %eq3A_700 = vector.broadcast %sub3A_699 : i32 to vector<16xi32>
          %eq3A_701 = arith.cmpi eq, %iota3A, %eq3A_700 : vector<16xi32>
          %jit3A_702 = arith.constant 0 : i32
          %broadcast_in_dim3A_703 = vector.broadcast %jit3A_702 : i32 to vector<16xi32>
          %select_n3A_704 = arith.select %eq3A_701, %get3A_8, %broadcast_in_dim3A_703 : vector<16xi1>, vector<16xi32>
          %reduce_sum3A_705 = arith.constant true
          %reduce_sum3A_706 = vector.broadcast %reduce_sum3A_705 : i1 to vector<16xi1>
          %reduce_sum3A_707 = tpu.scan <sum>, %select_n3A_704 masked %reduce_sum3A_706 : vector<16xi32>, vector<16xi1> -> vector<16xi32>
          %reduce_sum3A_708 = vector.extract %reduce_sum3A_707[15] : i32 from vector<16xi32>
          %add3A_709 = arith.addi %reduce_sum3A_697, %reduce_sum3A_708 : i32
          %dma_start3A_710 = arith.constant 1 : i32
          %dma_start3A_711 = arith.constant 1 : i32
          %dma_start3A_712 = arith.constant 0 : i32
          %dma_start3A_713 = tpu.memref_slice %arg7[%dma_start3A_710, %scan3A_688, %dma_start3A_712] : memref<8x32x192xf32, #tpu.memory_space<vmem>> -> memref<1x1x192xf32, #tpu.memory_space<vmem>>
          %dma_start3A_714 = tpu.memref_squeeze %dma_start3A_713 : memref<1x1x192xf32, #tpu.memory_space<vmem>> -> memref<192xf32, #tpu.memory_space<vmem>>
          %dma_start3A_715 = arith.constant 0 : i32
          %dma_start3A_716 = tpu.memref_slice %arg2[%add3A, %add3A_681, %add3A_709, %dma_start3A_715] : memref<32x64x64x192xf32, #tpu.memory_space<hbm>> -> memref<1x1x1x192xf32, #tpu.memory_space<hbm>>
          %dma_start3A_717 = tpu.memref_squeeze %dma_start3A_716 : memref<1x1x1x192xf32, #tpu.memory_space<hbm>> -> memref<192xf32, #tpu.memory_space<hbm>>
          %dma_start3A_718 = tpu.memref_slice %arg8[%dma_start3A_711] : memref<8x!tpu.dma_semaphore, #tpu.memory_space<semaphore_mem>> -> memref<1x!tpu.dma_semaphore, #tpu.memory_space<semaphore_mem>>
          %dma_start3A_719 = tpu.memref_squeeze %dma_start3A_718 : memref<1x!tpu.dma_semaphore, #tpu.memory_space<semaphore_mem>> -> memref<!tpu.dma_semaphore, #tpu.memory_space<semaphore_mem>>
          %dma_start3A_720 = arith.constant 0 : i32
          %dma_start3A_721 = tpu.memref_slice %arg7[%dma_start3A_710, %scan3A_688, %dma_start3A_720] : memref<8x32x192xf32, #tpu.memory_space<vmem>> -> memref<1x1x192xf32, #tpu.memory_space<vmem>>
          %dma_start3A_722 = tpu.memref_squeeze %dma_start3A_721 : memref<1x1x192xf32, #tpu.memory_space<vmem>> -> memref<192xf32, #tpu.memory_space<vmem>>
          %dma_start3A_723 = arith.constant 0 : i32
          %dma_start3A_724 = tpu.memref_slice %arg2[%add3A, %add3A_681, %add3A_709, %dma_start3A_723] : memref<32x64x64x192xf32, #tpu.memory_space<hbm>> -> memref<1x1x1x192xf32, #tpu.memory_space<hbm>>
          %dma_start3A_725 = tpu.memref_squeeze %dma_start3A_724 : memref<1x1x1x192xf32, #tpu.memory_space<hbm>> -> memref<192xf32, #tpu.memory_space<hbm>>
          tpu.enqueue_dma source(%dma_start3A_725 : memref<192xf32, #tpu.memory_space<hbm>>) target(%dma_start3A_722 : memref<192xf32, #tpu.memory_space<vmem>>) target_semaphore(%dma_start3A_719 : memref<!tpu.dma_semaphore, #tpu.memory_space<semaphore_mem>>)
        }
        %scan3A_687 = arith.constant 32 : i32
      } else {
      }
      %mul3A_546 = arith.constant 8 : i32
      %mul3A_547 = arith.muli %scan3A_208, %mul3A_546 : i32
      %add3A_548 = arith.constant 6 : i32
      %add3A_549 = arith.addi %mul3A_547, %add3A_548 : i32
      %dma_wait3A_550 = arith.constant 0 : i32
      %dma_wait3A_551 = arith.constant 6 : i32
      %dma_wait3A_552 = arith.constant 6 : i32
      %dma_wait3A_553 = arith.constant 0 : i32
      %dma_wait3A_554 = arith.constant 0 : i32
      %dma_wait3A_555 = tpu.memref_slice %arg7[%dma_wait3A_551, %dma_wait3A_553, %dma_wait3A_554] : memref<8x32x192xf32, #tpu.memory_space<vmem>> -> memref<1x32x192xf32, #tpu.memory_space<vmem>>
      %dma_wait3A_556 = tpu.memref_squeeze %dma_wait3A_555 : memref<1x32x192xf32, #tpu.memory_space<vmem>> -> memref<32x192xf32, #tpu.memory_space<vmem>>
      %dma_wait3A_557 = arith.constant 0 : i32
      %dma_wait3A_558 = arith.constant 0 : i32
      %dma_wait3A_559 = tpu.memref_slice %arg2[%add3A, %dma_wait3A_550, %dma_wait3A_557, %dma_wait3A_558] : memref<32x64x64x192xf32, #tpu.memory_space<hbm>> -> memref<1x1x32x192xf32, #tpu.memory_space<hbm>>
      %dma_wait3A_560 = tpu.memref_squeeze %dma_wait3A_559 : memref<1x1x32x192xf32, #tpu.memory_space<hbm>> -> memref<32x192xf32, #tpu.memory_space<hbm>>
      %dma_wait3A_561 = tpu.memref_slice %arg8[%dma_wait3A_552] : memref<8x!tpu.dma_semaphore, #tpu.memory_space<semaphore_mem>> -> memref<1x!tpu.dma_semaphore, #tpu.memory_space<semaphore_mem>>
      %dma_wait3A_562 = tpu.memref_squeeze %dma_wait3A_561 : memref<1x!tpu.dma_semaphore, #tpu.memory_space<semaphore_mem>> -> memref<!tpu.dma_semaphore, #tpu.memory_space<semaphore_mem>>
      %dma_wait3A_563 = arith.constant 0 : i32
      %dma_wait3A_564 = arith.constant 0 : i32
      %dma_wait3A_565 = tpu.memref_slice %arg7[%dma_wait3A_551, %dma_wait3A_563, %dma_wait3A_564] : memref<8x32x192xf32, #tpu.memory_space<vmem>> -> memref<1x32x192xf32, #tpu.memory_space<vmem>>
      %dma_wait3A_566 = tpu.memref_squeeze %dma_wait3A_565 : memref<1x32x192xf32, #tpu.memory_space<vmem>> -> memref<32x192xf32, #tpu.memory_space<vmem>>
      %dma_wait3A_567 = arith.constant 0 : i32
      %dma_wait3A_568 = arith.constant 0 : i32
      %dma_wait3A_569 = tpu.memref_slice %arg2[%add3A, %dma_wait3A_550, %dma_wait3A_567, %dma_wait3A_568] : memref<32x64x64x192xf32, #tpu.memory_space<hbm>> -> memref<1x1x32x192xf32, #tpu.memory_space<hbm>>
      %dma_wait3A_570 = tpu.memref_squeeze %dma_wait3A_569 : memref<1x1x32x192xf32, #tpu.memory_space<hbm>> -> memref<32x192xf32, #tpu.memory_space<hbm>>
      tpu.wait_dma2 semaphore(%dma_wait3A_562 : memref<!tpu.dma_semaphore, #tpu.memory_space<semaphore_mem>>) src(%dma_wait3A_570 : memref<32x192xf32, #tpu.memory_space<hbm>>) dst(%dma_wait3A_566 : memref<32x192xf32, #tpu.memory_space<vmem>>)
      %dma_start3A_571 = arith.constant 6 : i32
      %dma_start3A_572 = arith.constant 6 : i32
      %dma_start3A_573 = arith.constant 0 : i32
      %dma_start3A_574 = arith.constant 0 : i32
      %dma_start3A_575 = tpu.memref_slice %arg7[%dma_start3A_571, %dma_start3A_573, %dma_start3A_574] : memref<8x32x192xf32, #tpu.memory_space<vmem>> -> memref<1x32x192xf32, #tpu.memory_space<vmem>>
      %dma_start3A_576 = tpu.memref_squeeze %dma_start3A_575 : memref<1x32x192xf32, #tpu.memory_space<vmem>> -> memref<32x192xf32, #tpu.memory_space<vmem>>
      %dma_start3A_577 = arith.constant 0 : i32
      %dma_start3A_578 = arith.constant 0 : i32
      %dma_start3A_579 = tpu.memref_slice %arg5[%add3A, %add3A_549, %dma_start3A_577, %dma_start3A_578] : memref<32x32x32x192xf32, #tpu.memory_space<hbm>> -> memref<1x1x32x192xf32, #tpu.memory_space<hbm>>
      %dma_start3A_580 = tpu.memref_squeeze %dma_start3A_579 : memref<1x1x32x192xf32, #tpu.memory_space<hbm>> -> memref<32x192xf32, #tpu.memory_space<hbm>>
      %dma_start3A_581 = tpu.memref_slice %arg9[%dma_start3A_572] : memref<8x!tpu.dma_semaphore, #tpu.memory_space<semaphore_mem>> -> memref<1x!tpu.dma_semaphore, #tpu.memory_space<semaphore_mem>>
      %dma_start3A_582 = tpu.memref_squeeze %dma_start3A_581 : memref<1x!tpu.dma_semaphore, #tpu.memory_space<semaphore_mem>> -> memref<!tpu.dma_semaphore, #tpu.memory_space<semaphore_mem>>
      %dma_start3A_583 = arith.constant 0 : i32
      %dma_start3A_584 = arith.constant 0 : i32
      %dma_start3A_585 = tpu.memref_slice %arg5[%add3A, %add3A_549, %dma_start3A_583, %dma_start3A_584] : memref<32x32x32x192xf32, #tpu.memory_space<hbm>> -> memref<1x1x32x192xf32, #tpu.memory_space<hbm>>
      %dma_start3A_586 = tpu.memref_squeeze %dma_start3A_585 : memref<1x1x32x192xf32, #tpu.memory_space<hbm>> -> memref<32x192xf32, #tpu.memory_space<hbm>>
      %dma_start3A_587 = arith.constant 0 : i32
      %dma_start3A_588 = arith.constant 0 : i32
      %dma_start3A_589 = tpu.memref_slice %arg7[%dma_start3A_571, %dma_start3A_587, %dma_start3A_588] : memref<8x32x192xf32, #tpu.memory_space<vmem>> -> memref<1x32x192xf32, #tpu.memory_space<vmem>>
      %dma_start3A_590 = tpu.memref_squeeze %dma_start3A_589 : memref<1x32x192xf32, #tpu.memory_space<vmem>> -> memref<32x192xf32, #tpu.memory_space<vmem>>
      tpu.enqueue_dma source(%dma_start3A_590 : memref<32x192xf32, #tpu.memory_space<vmem>>) target(%dma_start3A_586 : memref<32x192xf32, #tpu.memory_space<hbm>>) target_semaphore(%dma_start3A_582 : memref<!tpu.dma_semaphore, #tpu.memory_space<semaphore_mem>>)
      %ge3A_591 = arith.constant 4 : i32
      %ge3A_592 = arith.cmpi sge, %add3A_549, %ge3A_591 : i32
      %convert_element_type3A_593 = arith.extui %ge3A_592 : i1 to i32
      %cond3A_594 = arith.constant 0 : i32
      %cond3A_595 = arith.cmpi ne, %convert_element_type3A_593, %cond3A_594 : i32
      scf.if %cond3A_595 {
        %sub3A = arith.constant 4 : i32
        %sub3A_660 = arith.subi %add3A_549, %sub3A : i32
        %dma_wait3A_661 = arith.constant 2 : i32
        %dma_wait3A_662 = arith.constant 2 : i32
        %dma_wait3A_663 = arith.constant 0 : i32
        %dma_wait3A_664 = arith.constant 0 : i32
        %dma_wait3A_665 = tpu.memref_slice %arg7[%dma_wait3A_661, %dma_wait3A_663, %dma_wait3A_664] : memref<8x32x192xf32, #tpu.memory_space<vmem>> -> memref<1x32x192xf32, #tpu.memory_space<vmem>>
        %dma_wait3A_666 = tpu.memref_squeeze %dma_wait3A_665 : memref<1x32x192xf32, #tpu.memory_space<vmem>> -> memref<32x192xf32, #tpu.memory_space<vmem>>
        %dma_wait3A_667 = arith.constant 0 : i32
        %dma_wait3A_668 = arith.constant 0 : i32
        %dma_wait3A_669 = tpu.memref_slice %arg5[%add3A, %sub3A_660, %dma_wait3A_667, %dma_wait3A_668] : memref<32x32x32x192xf32, #tpu.memory_space<hbm>> -> memref<1x1x32x192xf32, #tpu.memory_space<hbm>>
        %dma_wait3A_670 = tpu.memref_squeeze %dma_wait3A_669 : memref<1x1x32x192xf32, #tpu.memory_space<hbm>> -> memref<32x192xf32, #tpu.memory_space<hbm>>
        %dma_wait3A_671 = tpu.memref_slice %arg9[%dma_wait3A_662] : memref<8x!tpu.dma_semaphore, #tpu.memory_space<semaphore_mem>> -> memref<1x!tpu.dma_semaphore, #tpu.memory_space<semaphore_mem>>
        %dma_wait3A_672 = tpu.memref_squeeze %dma_wait3A_671 : memref<1x!tpu.dma_semaphore, #tpu.memory_space<semaphore_mem>> -> memref<!tpu.dma_semaphore, #tpu.memory_space<semaphore_mem>>
        %dma_wait3A_673 = arith.constant 0 : i32
        %dma_wait3A_674 = arith.constant 0 : i32
        %dma_wait3A_675 = tpu.memref_slice %arg5[%add3A, %sub3A_660, %dma_wait3A_673, %dma_wait3A_674] : memref<32x32x32x192xf32, #tpu.memory_space<hbm>> -> memref<1x1x32x192xf32, #tpu.memory_space<hbm>>
        %dma_wait3A_676 = tpu.memref_squeeze %dma_wait3A_675 : memref<1x1x32x192xf32, #tpu.memory_space<hbm>> -> memref<32x192xf32, #tpu.memory_space<hbm>>
        %dma_wait3A_677 = arith.constant 0 : i32
        %dma_wait3A_678 = arith.constant 0 : i32
        %dma_wait3A_679 = tpu.memref_slice %arg7[%dma_wait3A_661, %dma_wait3A_677, %dma_wait3A_678] : memref<8x32x192xf32, #tpu.memory_space<vmem>> -> memref<1x32x192xf32, #tpu.memory_space<vmem>>
        %dma_wait3A_680 = tpu.memref_squeeze %dma_wait3A_679 : memref<1x32x192xf32, #tpu.memory_space<vmem>> -> memref<32x192xf32, #tpu.memory_space<vmem>>
        tpu.wait_dma2 semaphore(%dma_wait3A_672 : memref<!tpu.dma_semaphore, #tpu.memory_space<semaphore_mem>>) src(%dma_wait3A_680 : memref<32x192xf32, #tpu.memory_space<vmem>>) dst(%dma_wait3A_676 : memref<32x192xf32, #tpu.memory_space<hbm>>)
      } else {
      }
      %add3A_596 = arith.constant 4 : i32
      %add3A_597 = arith.addi %add3A_549, %add3A_596 : i32
      %lt3A_598 = arith.constant 32 : i32
      %lt3A_599 = arith.cmpi slt, %add3A_597, %lt3A_598 : i32
      %convert_element_type3A_600 = arith.extui %lt3A_599 : i1 to i32
      %cond3A_601 = arith.constant 0 : i32
      %cond3A_602 = arith.cmpi ne, %convert_element_type3A_600, %cond3A_601 : i32
      scf.if %cond3A_602 {
        %add3A_660 = arith.constant 4 : i32
        %add3A_661 = arith.addi %add3A_549, %add3A_660 : i32
        %eq3A_662 = vector.broadcast %add3A_661 : i32 to vector<16xi32>
        %eq3A_663 = arith.cmpi eq, %iota3A, %eq3A_662 : vector<16xi32>
        %jit3A_664 = arith.constant 0 : i32
        %broadcast_in_dim3A_665 = vector.broadcast %jit3A_664 : i32 to vector<16xi32>
        %select_n3A_666 = arith.select %eq3A_663, %get3A_12, %broadcast_in_dim3A_665 : vector<16xi1>, vector<16xi32>
        %reduce_sum3A_667 = arith.constant true
        %reduce_sum3A_668 = vector.broadcast %reduce_sum3A_667 : i1 to vector<16xi1>
        %reduce_sum3A_669 = tpu.scan <sum>, %select_n3A_666 masked %reduce_sum3A_668 : vector<16xi32>, vector<16xi1> -> vector<16xi32>
        %reduce_sum3A_670 = vector.extract %reduce_sum3A_669[15] : i32 from vector<16xi32>
        %sub3A = arith.constant 16 : i32
        %sub3A_671 = arith.subi %add3A_661, %sub3A : i32
        %eq3A_672 = vector.broadcast %sub3A_671 : i32 to vector<16xi32>
        %eq3A_673 = arith.cmpi eq, %iota3A, %eq3A_672 : vector<16xi32>
        %jit3A_674 = arith.constant 0 : i32
        %broadcast_in_dim3A_675 = vector.broadcast %jit3A_674 : i32 to vector<16xi32>
        %select_n3A_676 = arith.select %eq3A_673, %get3A_16, %broadcast_in_dim3A_675 : vector<16xi1>, vector<16xi32>
        %reduce_sum3A_677 = arith.constant true
        %reduce_sum3A_678 = vector.broadcast %reduce_sum3A_677 : i1 to vector<16xi1>
        %reduce_sum3A_679 = tpu.scan <sum>, %select_n3A_676 masked %reduce_sum3A_678 : vector<16xi32>, vector<16xi1> -> vector<16xi32>
        %reduce_sum3A_680 = vector.extract %reduce_sum3A_679[15] : i32 from vector<16xi32>
        %add3A_681 = arith.addi %reduce_sum3A_670, %reduce_sum3A_680 : i32
        %scan3A_682 = arith.constant 0 : i32
        %scan3A_683 = arith.constant 0 : i32
        %scan3A_684 = arith.constant 32 : i32
        %scan3A_685 = arith.addi %scan3A_683, %scan3A_684 : i32
        %scan3A_686 = arith.constant 1 : i32
        scf.for %scan3A_688 = %scan3A_683 to %scan3A_685 step %scan3A_686  : i32 {
          %eq3A_689 = vector.broadcast %scan3A_688 : i32 to vector<16xi32>
          %eq3A_690 = arith.cmpi eq, %iota3A, %eq3A_689 : vector<16xi32>
          %jit3A_691 = arith.constant 0 : i32
          %broadcast_in_dim3A_692 = vector.broadcast %jit3A_691 : i32 to vector<16xi32>
          %select_n3A_693 = arith.select %eq3A_690, %get3A_4, %broadcast_in_dim3A_692 : vector<16xi1>, vector<16xi32>
          %reduce_sum3A_694 = arith.constant true
          %reduce_sum3A_695 = vector.broadcast %reduce_sum3A_694 : i1 to vector<16xi1>
          %reduce_sum3A_696 = tpu.scan <sum>, %select_n3A_693 masked %reduce_sum3A_695 : vector<16xi32>, vector<16xi1> -> vector<16xi32>
          %reduce_sum3A_697 = vector.extract %reduce_sum3A_696[15] : i32 from vector<16xi32>
          %sub3A_698 = arith.constant 16 : i32
          %sub3A_699 = arith.subi %scan3A_688, %sub3A_698 : i32
          %eq3A_700 = vector.broadcast %sub3A_699 : i32 to vector<16xi32>
          %eq3A_701 = arith.cmpi eq, %iota3A, %eq3A_700 : vector<16xi32>
          %jit3A_702 = arith.constant 0 : i32
          %broadcast_in_dim3A_703 = vector.broadcast %jit3A_702 : i32 to vector<16xi32>
          %select_n3A_704 = arith.select %eq3A_701, %get3A_8, %broadcast_in_dim3A_703 : vector<16xi1>, vector<16xi32>
          %reduce_sum3A_705 = arith.constant true
          %reduce_sum3A_706 = vector.broadcast %reduce_sum3A_705 : i1 to vector<16xi1>
          %reduce_sum3A_707 = tpu.scan <sum>, %select_n3A_704 masked %reduce_sum3A_706 : vector<16xi32>, vector<16xi1> -> vector<16xi32>
          %reduce_sum3A_708 = vector.extract %reduce_sum3A_707[15] : i32 from vector<16xi32>
          %add3A_709 = arith.addi %reduce_sum3A_697, %reduce_sum3A_708 : i32
          %dma_start3A_710 = arith.constant 2 : i32
          %dma_start3A_711 = arith.constant 2 : i32
          %dma_start3A_712 = arith.constant 0 : i32
          %dma_start3A_713 = tpu.memref_slice %arg7[%dma_start3A_710, %scan3A_688, %dma_start3A_712] : memref<8x32x192xf32, #tpu.memory_space<vmem>> -> memref<1x1x192xf32, #tpu.memory_space<vmem>>
          %dma_start3A_714 = tpu.memref_squeeze %dma_start3A_713 : memref<1x1x192xf32, #tpu.memory_space<vmem>> -> memref<192xf32, #tpu.memory_space<vmem>>
          %dma_start3A_715 = arith.constant 0 : i32
          %dma_start3A_716 = tpu.memref_slice %arg2[%add3A, %add3A_681, %add3A_709, %dma_start3A_715] : memref<32x64x64x192xf32, #tpu.memory_space<hbm>> -> memref<1x1x1x192xf32, #tpu.memory_space<hbm>>
          %dma_start3A_717 = tpu.memref_squeeze %dma_start3A_716 : memref<1x1x1x192xf32, #tpu.memory_space<hbm>> -> memref<192xf32, #tpu.memory_space<hbm>>
          %dma_start3A_718 = tpu.memref_slice %arg8[%dma_start3A_711] : memref<8x!tpu.dma_semaphore, #tpu.memory_space<semaphore_mem>> -> memref<1x!tpu.dma_semaphore, #tpu.memory_space<semaphore_mem>>
          %dma_start3A_719 = tpu.memref_squeeze %dma_start3A_718 : memref<1x!tpu.dma_semaphore, #tpu.memory_space<semaphore_mem>> -> memref<!tpu.dma_semaphore, #tpu.memory_space<semaphore_mem>>
          %dma_start3A_720 = arith.constant 0 : i32
          %dma_start3A_721 = tpu.memref_slice %arg7[%dma_start3A_710, %scan3A_688, %dma_start3A_720] : memref<8x32x192xf32, #tpu.memory_space<vmem>> -> memref<1x1x192xf32, #tpu.memory_space<vmem>>
          %dma_start3A_722 = tpu.memref_squeeze %dma_start3A_721 : memref<1x1x192xf32, #tpu.memory_space<vmem>> -> memref<192xf32, #tpu.memory_space<vmem>>
          %dma_start3A_723 = arith.constant 0 : i32
          %dma_start3A_724 = tpu.memref_slice %arg2[%add3A, %add3A_681, %add3A_709, %dma_start3A_723] : memref<32x64x64x192xf32, #tpu.memory_space<hbm>> -> memref<1x1x1x192xf32, #tpu.memory_space<hbm>>
          %dma_start3A_725 = tpu.memref_squeeze %dma_start3A_724 : memref<1x1x1x192xf32, #tpu.memory_space<hbm>> -> memref<192xf32, #tpu.memory_space<hbm>>
          tpu.enqueue_dma source(%dma_start3A_725 : memref<192xf32, #tpu.memory_space<hbm>>) target(%dma_start3A_722 : memref<192xf32, #tpu.memory_space<vmem>>) target_semaphore(%dma_start3A_719 : memref<!tpu.dma_semaphore, #tpu.memory_space<semaphore_mem>>)
        }
        %scan3A_687 = arith.constant 32 : i32
      } else {
      }
      %mul3A_603 = arith.constant 8 : i32
      %mul3A_604 = arith.muli %scan3A_208, %mul3A_603 : i32
      %add3A_605 = arith.constant 7 : i32
      %add3A_606 = arith.addi %mul3A_604, %add3A_605 : i32
      %dma_wait3A_607 = arith.constant 0 : i32
      %dma_wait3A_608 = arith.constant 7 : i32
      %dma_wait3A_609 = arith.constant 7 : i32
      %dma_wait3A_610 = arith.constant 0 : i32
      %dma_wait3A_611 = arith.constant 0 : i32
      %dma_wait3A_612 = tpu.memref_slice %arg7[%dma_wait3A_608, %dma_wait3A_610, %dma_wait3A_611] : memref<8x32x192xf32, #tpu.memory_space<vmem>> -> memref<1x32x192xf32, #tpu.memory_space<vmem>>
      %dma_wait3A_613 = tpu.memref_squeeze %dma_wait3A_612 : memref<1x32x192xf32, #tpu.memory_space<vmem>> -> memref<32x192xf32, #tpu.memory_space<vmem>>
      %dma_wait3A_614 = arith.constant 0 : i32
      %dma_wait3A_615 = arith.constant 0 : i32
      %dma_wait3A_616 = tpu.memref_slice %arg2[%add3A, %dma_wait3A_607, %dma_wait3A_614, %dma_wait3A_615] : memref<32x64x64x192xf32, #tpu.memory_space<hbm>> -> memref<1x1x32x192xf32, #tpu.memory_space<hbm>>
      %dma_wait3A_617 = tpu.memref_squeeze %dma_wait3A_616 : memref<1x1x32x192xf32, #tpu.memory_space<hbm>> -> memref<32x192xf32, #tpu.memory_space<hbm>>
      %dma_wait3A_618 = tpu.memref_slice %arg8[%dma_wait3A_609] : memref<8x!tpu.dma_semaphore, #tpu.memory_space<semaphore_mem>> -> memref<1x!tpu.dma_semaphore, #tpu.memory_space<semaphore_mem>>
      %dma_wait3A_619 = tpu.memref_squeeze %dma_wait3A_618 : memref<1x!tpu.dma_semaphore, #tpu.memory_space<semaphore_mem>> -> memref<!tpu.dma_semaphore, #tpu.memory_space<semaphore_mem>>
      %dma_wait3A_620 = arith.constant 0 : i32
      %dma_wait3A_621 = arith.constant 0 : i32
      %dma_wait3A_622 = tpu.memref_slice %arg7[%dma_wait3A_608, %dma_wait3A_620, %dma_wait3A_621] : memref<8x32x192xf32, #tpu.memory_space<vmem>> -> memref<1x32x192xf32, #tpu.memory_space<vmem>>
      %dma_wait3A_623 = tpu.memref_squeeze %dma_wait3A_622 : memref<1x32x192xf32, #tpu.memory_space<vmem>> -> memref<32x192xf32, #tpu.memory_space<vmem>>
      %dma_wait3A_624 = arith.constant 0 : i32
      %dma_wait3A_625 = arith.constant 0 : i32
      %dma_wait3A_626 = tpu.memref_slice %arg2[%add3A, %dma_wait3A_607, %dma_wait3A_624, %dma_wait3A_625] : memref<32x64x64x192xf32, #tpu.memory_space<hbm>> -> memref<1x1x32x192xf32, #tpu.memory_space<hbm>>
      %dma_wait3A_627 = tpu.memref_squeeze %dma_wait3A_626 : memref<1x1x32x192xf32, #tpu.memory_space<hbm>> -> memref<32x192xf32, #tpu.memory_space<hbm>>
      tpu.wait_dma2 semaphore(%dma_wait3A_619 : memref<!tpu.dma_semaphore, #tpu.memory_space<semaphore_mem>>) src(%dma_wait3A_627 : memref<32x192xf32, #tpu.memory_space<hbm>>) dst(%dma_wait3A_623 : memref<32x192xf32, #tpu.memory_space<vmem>>)
      %dma_start3A_628 = arith.constant 7 : i32
      %dma_start3A_629 = arith.constant 7 : i32
      %dma_start3A_630 = arith.constant 0 : i32
      %dma_start3A_631 = arith.constant 0 : i32
      %dma_start3A_632 = tpu.memref_slice %arg7[%dma_start3A_628, %dma_start3A_630, %dma_start3A_631] : memref<8x32x192xf32, #tpu.memory_space<vmem>> -> memref<1x32x192xf32, #tpu.memory_space<vmem>>
      %dma_start3A_633 = tpu.memref_squeeze %dma_start3A_632 : memref<1x32x192xf32, #tpu.memory_space<vmem>> -> memref<32x192xf32, #tpu.memory_space<vmem>>
      %dma_start3A_634 = arith.constant 0 : i32
      %dma_start3A_635 = arith.constant 0 : i32
      %dma_start3A_636 = tpu.memref_slice %arg5[%add3A, %add3A_606, %dma_start3A_634, %dma_start3A_635] : memref<32x32x32x192xf32, #tpu.memory_space<hbm>> -> memref<1x1x32x192xf32, #tpu.memory_space<hbm>>
      %dma_start3A_637 = tpu.memref_squeeze %dma_start3A_636 : memref<1x1x32x192xf32, #tpu.memory_space<hbm>> -> memref<32x192xf32, #tpu.memory_space<hbm>>
      %dma_start3A_638 = tpu.memref_slice %arg9[%dma_start3A_629] : memref<8x!tpu.dma_semaphore, #tpu.memory_space<semaphore_mem>> -> memref<1x!tpu.dma_semaphore, #tpu.memory_space<semaphore_mem>>
      %dma_start3A_639 = tpu.memref_squeeze %dma_start3A_638 : memref<1x!tpu.dma_semaphore, #tpu.memory_space<semaphore_mem>> -> memref<!tpu.dma_semaphore, #tpu.memory_space<semaphore_mem>>
      %dma_start3A_640 = arith.constant 0 : i32
      %dma_start3A_641 = arith.constant 0 : i32
      %dma_start3A_642 = tpu.memref_slice %arg5[%add3A, %add3A_606, %dma_start3A_640, %dma_start3A_641] : memref<32x32x32x192xf32, #tpu.memory_space<hbm>> -> memref<1x1x32x192xf32, #tpu.memory_space<hbm>>
      %dma_start3A_643 = tpu.memref_squeeze %dma_start3A_642 : memref<1x1x32x192xf32, #tpu.memory_space<hbm>> -> memref<32x192xf32, #tpu.memory_space<hbm>>
      %dma_start3A_644 = arith.constant 0 : i32
      %dma_start3A_645 = arith.constant 0 : i32
      %dma_start3A_646 = tpu.memref_slice %arg7[%dma_start3A_628, %dma_start3A_644, %dma_start3A_645] : memref<8x32x192xf32, #tpu.memory_space<vmem>> -> memref<1x32x192xf32, #tpu.memory_space<vmem>>
      %dma_start3A_647 = tpu.memref_squeeze %dma_start3A_646 : memref<1x32x192xf32, #tpu.memory_space<vmem>> -> memref<32x192xf32, #tpu.memory_space<vmem>>
      tpu.enqueue_dma source(%dma_start3A_647 : memref<32x192xf32, #tpu.memory_space<vmem>>) target(%dma_start3A_643 : memref<32x192xf32, #tpu.memory_space<hbm>>) target_semaphore(%dma_start3A_639 : memref<!tpu.dma_semaphore, #tpu.memory_space<semaphore_mem>>)
      %ge3A_648 = arith.constant 4 : i32
      %ge3A_649 = arith.cmpi sge, %add3A_606, %ge3A_648 : i32
      %convert_element_type3A_650 = arith.extui %ge3A_649 : i1 to i32
      %cond3A_651 = arith.constant 0 : i32
      %cond3A_652 = arith.cmpi ne, %convert_element_type3A_650, %cond3A_651 : i32
      scf.if %cond3A_652 {
        %sub3A = arith.constant 4 : i32
        %sub3A_660 = arith.subi %add3A_606, %sub3A : i32
        %dma_wait3A_661 = arith.constant 3 : i32
        %dma_wait3A_662 = arith.constant 3 : i32
        %dma_wait3A_663 = arith.constant 0 : i32
        %dma_wait3A_664 = arith.constant 0 : i32
        %dma_wait3A_665 = tpu.memref_slice %arg7[%dma_wait3A_661, %dma_wait3A_663, %dma_wait3A_664] : memref<8x32x192xf32, #tpu.memory_space<vmem>> -> memref<1x32x192xf32, #tpu.memory_space<vmem>>
        %dma_wait3A_666 = tpu.memref_squeeze %dma_wait3A_665 : memref<1x32x192xf32, #tpu.memory_space<vmem>> -> memref<32x192xf32, #tpu.memory_space<vmem>>
        %dma_wait3A_667 = arith.constant 0 : i32
        %dma_wait3A_668 = arith.constant 0 : i32
        %dma_wait3A_669 = tpu.memref_slice %arg5[%add3A, %sub3A_660, %dma_wait3A_667, %dma_wait3A_668] : memref<32x32x32x192xf32, #tpu.memory_space<hbm>> -> memref<1x1x32x192xf32, #tpu.memory_space<hbm>>
        %dma_wait3A_670 = tpu.memref_squeeze %dma_wait3A_669 : memref<1x1x32x192xf32, #tpu.memory_space<hbm>> -> memref<32x192xf32, #tpu.memory_space<hbm>>
        %dma_wait3A_671 = tpu.memref_slice %arg9[%dma_wait3A_662] : memref<8x!tpu.dma_semaphore, #tpu.memory_space<semaphore_mem>> -> memref<1x!tpu.dma_semaphore, #tpu.memory_space<semaphore_mem>>
        %dma_wait3A_672 = tpu.memref_squeeze %dma_wait3A_671 : memref<1x!tpu.dma_semaphore, #tpu.memory_space<semaphore_mem>> -> memref<!tpu.dma_semaphore, #tpu.memory_space<semaphore_mem>>
        %dma_wait3A_673 = arith.constant 0 : i32
        %dma_wait3A_674 = arith.constant 0 : i32
        %dma_wait3A_675 = tpu.memref_slice %arg5[%add3A, %sub3A_660, %dma_wait3A_673, %dma_wait3A_674] : memref<32x32x32x192xf32, #tpu.memory_space<hbm>> -> memref<1x1x32x192xf32, #tpu.memory_space<hbm>>
        %dma_wait3A_676 = tpu.memref_squeeze %dma_wait3A_675 : memref<1x1x32x192xf32, #tpu.memory_space<hbm>> -> memref<32x192xf32, #tpu.memory_space<hbm>>
        %dma_wait3A_677 = arith.constant 0 : i32
        %dma_wait3A_678 = arith.constant 0 : i32
        %dma_wait3A_679 = tpu.memref_slice %arg7[%dma_wait3A_661, %dma_wait3A_677, %dma_wait3A_678] : memref<8x32x192xf32, #tpu.memory_space<vmem>> -> memref<1x32x192xf32, #tpu.memory_space<vmem>>
        %dma_wait3A_680 = tpu.memref_squeeze %dma_wait3A_679 : memref<1x32x192xf32, #tpu.memory_space<vmem>> -> memref<32x192xf32, #tpu.memory_space<vmem>>
        tpu.wait_dma2 semaphore(%dma_wait3A_672 : memref<!tpu.dma_semaphore, #tpu.memory_space<semaphore_mem>>) src(%dma_wait3A_680 : memref<32x192xf32, #tpu.memory_space<vmem>>) dst(%dma_wait3A_676 : memref<32x192xf32, #tpu.memory_space<hbm>>)
      } else {
      }
      %add3A_653 = arith.constant 4 : i32
      %add3A_654 = arith.addi %add3A_606, %add3A_653 : i32
      %lt3A_655 = arith.constant 32 : i32
      %lt3A_656 = arith.cmpi slt, %add3A_654, %lt3A_655 : i32
      %convert_element_type3A_657 = arith.extui %lt3A_656 : i1 to i32
      %cond3A_658 = arith.constant 0 : i32
      %cond3A_659 = arith.cmpi ne, %convert_element_type3A_657, %cond3A_658 : i32
      scf.if %cond3A_659 {
        %add3A_660 = arith.constant 4 : i32
        %add3A_661 = arith.addi %add3A_606, %add3A_660 : i32
        %eq3A_662 = vector.broadcast %add3A_661 : i32 to vector<16xi32>
        %eq3A_663 = arith.cmpi eq, %iota3A, %eq3A_662 : vector<16xi32>
        %jit3A_664 = arith.constant 0 : i32
        %broadcast_in_dim3A_665 = vector.broadcast %jit3A_664 : i32 to vector<16xi32>
        %select_n3A_666 = arith.select %eq3A_663, %get3A_12, %broadcast_in_dim3A_665 : vector<16xi1>, vector<16xi32>
        %reduce_sum3A_667 = arith.constant true
        %reduce_sum3A_668 = vector.broadcast %reduce_sum3A_667 : i1 to vector<16xi1>
        %reduce_sum3A_669 = tpu.scan <sum>, %select_n3A_666 masked %reduce_sum3A_668 : vector<16xi32>, vector<16xi1> -> vector<16xi32>
        %reduce_sum3A_670 = vector.extract %reduce_sum3A_669[15] : i32 from vector<16xi32>
        %sub3A = arith.constant 16 : i32
        %sub3A_671 = arith.subi %add3A_661, %sub3A : i32
        %eq3A_672 = vector.broadcast %sub3A_671 : i32 to vector<16xi32>
        %eq3A_673 = arith.cmpi eq, %iota3A, %eq3A_672 : vector<16xi32>
        %jit3A_674 = arith.constant 0 : i32
        %broadcast_in_dim3A_675 = vector.broadcast %jit3A_674 : i32 to vector<16xi32>
        %select_n3A_676 = arith.select %eq3A_673, %get3A_16, %broadcast_in_dim3A_675 : vector<16xi1>, vector<16xi32>
        %reduce_sum3A_677 = arith.constant true
        %reduce_sum3A_678 = vector.broadcast %reduce_sum3A_677 : i1 to vector<16xi1>
        %reduce_sum3A_679 = tpu.scan <sum>, %select_n3A_676 masked %reduce_sum3A_678 : vector<16xi32>, vector<16xi1> -> vector<16xi32>
        %reduce_sum3A_680 = vector.extract %reduce_sum3A_679[15] : i32 from vector<16xi32>
        %add3A_681 = arith.addi %reduce_sum3A_670, %reduce_sum3A_680 : i32
        %scan3A_682 = arith.constant 0 : i32
        %scan3A_683 = arith.constant 0 : i32
        %scan3A_684 = arith.constant 32 : i32
        %scan3A_685 = arith.addi %scan3A_683, %scan3A_684 : i32
        %scan3A_686 = arith.constant 1 : i32
        scf.for %scan3A_688 = %scan3A_683 to %scan3A_685 step %scan3A_686  : i32 {
          %eq3A_689 = vector.broadcast %scan3A_688 : i32 to vector<16xi32>
          %eq3A_690 = arith.cmpi eq, %iota3A, %eq3A_689 : vector<16xi32>
          %jit3A_691 = arith.constant 0 : i32
          %broadcast_in_dim3A_692 = vector.broadcast %jit3A_691 : i32 to vector<16xi32>
          %select_n3A_693 = arith.select %eq3A_690, %get3A_4, %broadcast_in_dim3A_692 : vector<16xi1>, vector<16xi32>
          %reduce_sum3A_694 = arith.constant true
          %reduce_sum3A_695 = vector.broadcast %reduce_sum3A_694 : i1 to vector<16xi1>
          %reduce_sum3A_696 = tpu.scan <sum>, %select_n3A_693 masked %reduce_sum3A_695 : vector<16xi32>, vector<16xi1> -> vector<16xi32>
          %reduce_sum3A_697 = vector.extract %reduce_sum3A_696[15] : i32 from vector<16xi32>
          %sub3A_698 = arith.constant 16 : i32
          %sub3A_699 = arith.subi %scan3A_688, %sub3A_698 : i32
          %eq3A_700 = vector.broadcast %sub3A_699 : i32 to vector<16xi32>
          %eq3A_701 = arith.cmpi eq, %iota3A, %eq3A_700 : vector<16xi32>
          %jit3A_702 = arith.constant 0 : i32
          %broadcast_in_dim3A_703 = vector.broadcast %jit3A_702 : i32 to vector<16xi32>
          %select_n3A_704 = arith.select %eq3A_701, %get3A_8, %broadcast_in_dim3A_703 : vector<16xi1>, vector<16xi32>
          %reduce_sum3A_705 = arith.constant true
          %reduce_sum3A_706 = vector.broadcast %reduce_sum3A_705 : i1 to vector<16xi1>
          %reduce_sum3A_707 = tpu.scan <sum>, %select_n3A_704 masked %reduce_sum3A_706 : vector<16xi32>, vector<16xi1> -> vector<16xi32>
          %reduce_sum3A_708 = vector.extract %reduce_sum3A_707[15] : i32 from vector<16xi32>
          %add3A_709 = arith.addi %reduce_sum3A_697, %reduce_sum3A_708 : i32
          %dma_start3A_710 = arith.constant 3 : i32
          %dma_start3A_711 = arith.constant 3 : i32
          %dma_start3A_712 = arith.constant 0 : i32
          %dma_start3A_713 = tpu.memref_slice %arg7[%dma_start3A_710, %scan3A_688, %dma_start3A_712] : memref<8x32x192xf32, #tpu.memory_space<vmem>> -> memref<1x1x192xf32, #tpu.memory_space<vmem>>
          %dma_start3A_714 = tpu.memref_squeeze %dma_start3A_713 : memref<1x1x192xf32, #tpu.memory_space<vmem>> -> memref<192xf32, #tpu.memory_space<vmem>>
          %dma_start3A_715 = arith.constant 0 : i32
          %dma_start3A_716 = tpu.memref_slice %arg2[%add3A, %add3A_681, %add3A_709, %dma_start3A_715] : memref<32x64x64x192xf32, #tpu.memory_space<hbm>> -> memref<1x1x1x192xf32, #tpu.memory_space<hbm>>
          %dma_start3A_717 = tpu.memref_squeeze %dma_start3A_716 : memref<1x1x1x192xf32, #tpu.memory_space<hbm>> -> memref<192xf32, #tpu.memory_space<hbm>>
          %dma_start3A_718 = tpu.memref_slice %arg8[%dma_start3A_711] : memref<8x!tpu.dma_semaphore, #tpu.memory_space<semaphore_mem>> -> memref<1x!tpu.dma_semaphore, #tpu.memory_space<semaphore_mem>>
          %dma_start3A_719 = tpu.memref_squeeze %dma_start3A_718 : memref<1x!tpu.dma_semaphore, #tpu.memory_space<semaphore_mem>> -> memref<!tpu.dma_semaphore, #tpu.memory_space<semaphore_mem>>
          %dma_start3A_720 = arith.constant 0 : i32
          %dma_start3A_721 = tpu.memref_slice %arg7[%dma_start3A_710, %scan3A_688, %dma_start3A_720] : memref<8x32x192xf32, #tpu.memory_space<vmem>> -> memref<1x1x192xf32, #tpu.memory_space<vmem>>
          %dma_start3A_722 = tpu.memref_squeeze %dma_start3A_721 : memref<1x1x192xf32, #tpu.memory_space<vmem>> -> memref<192xf32, #tpu.memory_space<vmem>>
          %dma_start3A_723 = arith.constant 0 : i32
          %dma_start3A_724 = tpu.memref_slice %arg2[%add3A, %add3A_681, %add3A_709, %dma_start3A_723] : memref<32x64x64x192xf32, #tpu.memory_space<hbm>> -> memref<1x1x1x192xf32, #tpu.memory_space<hbm>>
          %dma_start3A_725 = tpu.memref_squeeze %dma_start3A_724 : memref<1x1x1x192xf32, #tpu.memory_space<hbm>> -> memref<192xf32, #tpu.memory_space<hbm>>
          tpu.enqueue_dma source(%dma_start3A_725 : memref<192xf32, #tpu.memory_space<hbm>>) target(%dma_start3A_722 : memref<192xf32, #tpu.memory_space<vmem>>) target_semaphore(%dma_start3A_719 : memref<!tpu.dma_semaphore, #tpu.memory_space<semaphore_mem>>)
        }
        %scan3A_687 = arith.constant 32 : i32
      } else {
      }
    }
    %scan3A_124 = arith.constant 4 : i32
    %dma_wait3A = arith.constant 4 : i32
    %dma_wait3A_125 = arith.constant 28 : i32
    %dma_wait3A_126 = arith.constant 4 : i32
    %dma_wait3A_127 = arith.constant 0 : i32
    %dma_wait3A_128 = arith.constant 0 : i32
    %dma_wait3A_129 = tpu.memref_slice %arg7[%dma_wait3A, %dma_wait3A_127, %dma_wait3A_128] : memref<8x32x192xf32, #tpu.memory_space<vmem>> -> memref<1x32x192xf32, #tpu.memory_space<vmem>>
    %dma_wait3A_130 = tpu.memref_squeeze %dma_wait3A_129 : memref<1x32x192xf32, #tpu.memory_space<vmem>> -> memref<32x192xf32, #tpu.memory_space<vmem>>
    %dma_wait3A_131 = arith.constant 0 : i32
    %dma_wait3A_132 = arith.constant 0 : i32
    %dma_wait3A_133 = tpu.memref_slice %arg5[%add3A, %dma_wait3A_125, %dma_wait3A_131, %dma_wait3A_132] : memref<32x32x32x192xf32, #tpu.memory_space<hbm>> -> memref<1x1x32x192xf32, #tpu.memory_space<hbm>>
    %dma_wait3A_134 = tpu.memref_squeeze %dma_wait3A_133 : memref<1x1x32x192xf32, #tpu.memory_space<hbm>> -> memref<32x192xf32, #tpu.memory_space<hbm>>
    %dma_wait3A_135 = tpu.memref_slice %arg9[%dma_wait3A_126] : memref<8x!tpu.dma_semaphore, #tpu.memory_space<semaphore_mem>> -> memref<1x!tpu.dma_semaphore, #tpu.memory_space<semaphore_mem>>
    %dma_wait3A_136 = tpu.memref_squeeze %dma_wait3A_135 : memref<1x!tpu.dma_semaphore, #tpu.memory_space<semaphore_mem>> -> memref<!tpu.dma_semaphore, #tpu.memory_space<semaphore_mem>>
    %dma_wait3A_137 = arith.constant 0 : i32
    %dma_wait3A_138 = arith.constant 0 : i32
    %dma_wait3A_139 = tpu.memref_slice %arg5[%add3A, %dma_wait3A_125, %dma_wait3A_137, %dma_wait3A_138] : memref<32x32x32x192xf32, #tpu.memory_space<hbm>> -> memref<1x1x32x192xf32, #tpu.memory_space<hbm>>
    %dma_wait3A_140 = tpu.memref_squeeze %dma_wait3A_139 : memref<1x1x32x192xf32, #tpu.memory_space<hbm>> -> memref<32x192xf32, #tpu.memory_space<hbm>>
    %dma_wait3A_141 = arith.constant 0 : i32
    %dma_wait3A_142 = arith.constant 0 : i32
    %dma_wait3A_143 = tpu.memref_slice %arg7[%dma_wait3A, %dma_wait3A_141, %dma_wait3A_142] : memref<8x32x192xf32, #tpu.memory_space<vmem>> -> memref<1x32x192xf32, #tpu.memory_space<vmem>>
    %dma_wait3A_144 = tpu.memref_squeeze %dma_wait3A_143 : memref<1x32x192xf32, #tpu.memory_space<vmem>> -> memref<32x192xf32, #tpu.memory_space<vmem>>
    tpu.wait_dma2 semaphore(%dma_wait3A_136 : memref<!tpu.dma_semaphore, #tpu.memory_space<semaphore_mem>>) src(%dma_wait3A_144 : memref<32x192xf32, #tpu.memory_space<vmem>>) dst(%dma_wait3A_140 : memref<32x192xf32, #tpu.memory_space<hbm>>)
    %dma_wait3A_145 = arith.constant 5 : i32
    %dma_wait3A_146 = arith.constant 29 : i32
    %dma_wait3A_147 = arith.constant 5 : i32
    %dma_wait3A_148 = arith.constant 0 : i32
    %dma_wait3A_149 = arith.constant 0 : i32
    %dma_wait3A_150 = tpu.memref_slice %arg7[%dma_wait3A_145, %dma_wait3A_148, %dma_wait3A_149] : memref<8x32x192xf32, #tpu.memory_space<vmem>> -> memref<1x32x192xf32, #tpu.memory_space<vmem>>
    %dma_wait3A_151 = tpu.memref_squeeze %dma_wait3A_150 : memref<1x32x192xf32, #tpu.memory_space<vmem>> -> memref<32x192xf32, #tpu.memory_space<vmem>>
    %dma_wait3A_152 = arith.constant 0 : i32
    %dma_wait3A_153 = arith.constant 0 : i32
    %dma_wait3A_154 = tpu.memref_slice %arg5[%add3A, %dma_wait3A_146, %dma_wait3A_152, %dma_wait3A_153] : memref<32x32x32x192xf32, #tpu.memory_space<hbm>> -> memref<1x1x32x192xf32, #tpu.memory_space<hbm>>
    %dma_wait3A_155 = tpu.memref_squeeze %dma_wait3A_154 : memref<1x1x32x192xf32, #tpu.memory_space<hbm>> -> memref<32x192xf32, #tpu.memory_space<hbm>>
    %dma_wait3A_156 = tpu.memref_slice %arg9[%dma_wait3A_147] : memref<8x!tpu.dma_semaphore, #tpu.memory_space<semaphore_mem>> -> memref<1x!tpu.dma_semaphore, #tpu.memory_space<semaphore_mem>>
    %dma_wait3A_157 = tpu.memref_squeeze %dma_wait3A_156 : memref<1x!tpu.dma_semaphore, #tpu.memory_space<semaphore_mem>> -> memref<!tpu.dma_semaphore, #tpu.memory_space<semaphore_mem>>
    %dma_wait3A_158 = arith.constant 0 : i32
    %dma_wait3A_159 = arith.constant 0 : i32
    %dma_wait3A_160 = tpu.memref_slice %arg5[%add3A, %dma_wait3A_146, %dma_wait3A_158, %dma_wait3A_159] : memref<32x32x32x192xf32, #tpu.memory_space<hbm>> -> memref<1x1x32x192xf32, #tpu.memory_space<hbm>>
    %dma_wait3A_161 = tpu.memref_squeeze %dma_wait3A_160 : memref<1x1x32x192xf32, #tpu.memory_space<hbm>> -> memref<32x192xf32, #tpu.memory_space<hbm>>
    %dma_wait3A_162 = arith.constant 0 : i32
    %dma_wait3A_163 = arith.constant 0 : i32
    %dma_wait3A_164 = tpu.memref_slice %arg7[%dma_wait3A_145, %dma_wait3A_162, %dma_wait3A_163] : memref<8x32x192xf32, #tpu.memory_space<vmem>> -> memref<1x32x192xf32, #tpu.memory_space<vmem>>
    %dma_wait3A_165 = tpu.memref_squeeze %dma_wait3A_164 : memref<1x32x192xf32, #tpu.memory_space<vmem>> -> memref<32x192xf32, #tpu.memory_space<vmem>>
    tpu.wait_dma2 semaphore(%dma_wait3A_157 : memref<!tpu.dma_semaphore, #tpu.memory_space<semaphore_mem>>) src(%dma_wait3A_165 : memref<32x192xf32, #tpu.memory_space<vmem>>) dst(%dma_wait3A_161 : memref<32x192xf32, #tpu.memory_space<hbm>>)
    %dma_wait3A_166 = arith.constant 6 : i32
    %dma_wait3A_167 = arith.constant 30 : i32
    %dma_wait3A_168 = arith.constant 6 : i32
    %dma_wait3A_169 = arith.constant 0 : i32
    %dma_wait3A_170 = arith.constant 0 : i32
    %dma_wait3A_171 = tpu.memref_slice %arg7[%dma_wait3A_166, %dma_wait3A_169, %dma_wait3A_170] : memref<8x32x192xf32, #tpu.memory_space<vmem>> -> memref<1x32x192xf32, #tpu.memory_space<vmem>>
    %dma_wait3A_172 = tpu.memref_squeeze %dma_wait3A_171 : memref<1x32x192xf32, #tpu.memory_space<vmem>> -> memref<32x192xf32, #tpu.memory_space<vmem>>
    %dma_wait3A_173 = arith.constant 0 : i32
    %dma_wait3A_174 = arith.constant 0 : i32
    %dma_wait3A_175 = tpu.memref_slice %arg5[%add3A, %dma_wait3A_167, %dma_wait3A_173, %dma_wait3A_174] : memref<32x32x32x192xf32, #tpu.memory_space<hbm>> -> memref<1x1x32x192xf32, #tpu.memory_space<hbm>>
    %dma_wait3A_176 = tpu.memref_squeeze %dma_wait3A_175 : memref<1x1x32x192xf32, #tpu.memory_space<hbm>> -> memref<32x192xf32, #tpu.memory_space<hbm>>
    %dma_wait3A_177 = tpu.memref_slice %arg9[%dma_wait3A_168] : memref<8x!tpu.dma_semaphore, #tpu.memory_space<semaphore_mem>> -> memref<1x!tpu.dma_semaphore, #tpu.memory_space<semaphore_mem>>
    %dma_wait3A_178 = tpu.memref_squeeze %dma_wait3A_177 : memref<1x!tpu.dma_semaphore, #tpu.memory_space<semaphore_mem>> -> memref<!tpu.dma_semaphore, #tpu.memory_space<semaphore_mem>>
    %dma_wait3A_179 = arith.constant 0 : i32
    %dma_wait3A_180 = arith.constant 0 : i32
    %dma_wait3A_181 = tpu.memref_slice %arg5[%add3A, %dma_wait3A_167, %dma_wait3A_179, %dma_wait3A_180] : memref<32x32x32x192xf32, #tpu.memory_space<hbm>> -> memref<1x1x32x192xf32, #tpu.memory_space<hbm>>
    %dma_wait3A_182 = tpu.memref_squeeze %dma_wait3A_181 : memref<1x1x32x192xf32, #tpu.memory_space<hbm>> -> memref<32x192xf32, #tpu.memory_space<hbm>>
    %dma_wait3A_183 = arith.constant 0 : i32
    %dma_wait3A_184 = arith.constant 0 : i32
    %dma_wait3A_185 = tpu.memref_slice %arg7[%dma_wait3A_166, %dma_wait3A_183, %dma_wait3A_184] : memref<8x32x192xf32, #tpu.memory_space<vmem>> -> memref<1x32x192xf32, #tpu.memory_space<vmem>>
    %dma_wait3A_186 = tpu.memref_squeeze %dma_wait3A_185 : memref<1x32x192xf32, #tpu.memory_space<vmem>> -> memref<32x192xf32, #tpu.memory_space<vmem>>
    tpu.wait_dma2 semaphore(%dma_wait3A_178 : memref<!tpu.dma_semaphore, #tpu.memory_space<semaphore_mem>>) src(%dma_wait3A_186 : memref<32x192xf32, #tpu.memory_space<vmem>>) dst(%dma_wait3A_182 : memref<32x192xf32, #tpu.memory_space<hbm>>)
    %dma_wait3A_187 = arith.constant 7 : i32
    %dma_wait3A_188 = arith.constant 31 : i32
    %dma_wait3A_189 = arith.constant 7 : i32
    %dma_wait3A_190 = arith.constant 0 : i32
    %dma_wait3A_191 = arith.constant 0 : i32
    %dma_wait3A_192 = tpu.memref_slice %arg7[%dma_wait3A_187, %dma_wait3A_190, %dma_wait3A_191] : memref<8x32x192xf32, #tpu.memory_space<vmem>> -> memref<1x32x192xf32, #tpu.memory_space<vmem>>
    %dma_wait3A_193 = tpu.memref_squeeze %dma_wait3A_192 : memref<1x32x192xf32, #tpu.memory_space<vmem>> -> memref<32x192xf32, #tpu.memory_space<vmem>>
    %dma_wait3A_194 = arith.constant 0 : i32
    %dma_wait3A_195 = arith.constant 0 : i32
    %dma_wait3A_196 = tpu.memref_slice %arg5[%add3A, %dma_wait3A_188, %dma_wait3A_194, %dma_wait3A_195] : memref<32x32x32x192xf32, #tpu.memory_space<hbm>> -> memref<1x1x32x192xf32, #tpu.memory_space<hbm>>
    %dma_wait3A_197 = tpu.memref_squeeze %dma_wait3A_196 : memref<1x1x32x192xf32, #tpu.memory_space<hbm>> -> memref<32x192xf32, #tpu.memory_space<hbm>>
    %dma_wait3A_198 = tpu.memref_slice %arg9[%dma_wait3A_189] : memref<8x!tpu.dma_semaphore, #tpu.memory_space<semaphore_mem>> -> memref<1x!tpu.dma_semaphore, #tpu.memory_space<semaphore_mem>>
    %dma_wait3A_199 = tpu.memref_squeeze %dma_wait3A_198 : memref<1x!tpu.dma_semaphore, #tpu.memory_space<semaphore_mem>> -> memref<!tpu.dma_semaphore, #tpu.memory_space<semaphore_mem>>
    %dma_wait3A_200 = arith.constant 0 : i32
    %dma_wait3A_201 = arith.constant 0 : i32
    %dma_wait3A_202 = tpu.memref_slice %arg5[%add3A, %dma_wait3A_188, %dma_wait3A_200, %dma_wait3A_201] : memref<32x32x32x192xf32, #tpu.memory_space<hbm>> -> memref<1x1x32x192xf32, #tpu.memory_space<hbm>>
    %dma_wait3A_203 = tpu.memref_squeeze %dma_wait3A_202 : memref<1x1x32x192xf32, #tpu.memory_space<hbm>> -> memref<32x192xf32, #tpu.memory_space<hbm>>
    %dma_wait3A_204 = arith.constant 0 : i32
    %dma_wait3A_205 = arith.constant 0 : i32
    %dma_wait3A_206 = tpu.memref_slice %arg7[%dma_wait3A_187, %dma_wait3A_204, %dma_wait3A_205] : memref<8x32x192xf32, #tpu.memory_space<vmem>> -> memref<1x32x192xf32, #tpu.memory_space<vmem>>
    %dma_wait3A_207 = tpu.memref_squeeze %dma_wait3A_206 : memref<1x32x192xf32, #tpu.memory_space<vmem>> -> memref<32x192xf32, #tpu.memory_space<vmem>>
    tpu.wait_dma2 semaphore(%dma_wait3A_199 : memref<!tpu.dma_semaphore, #tpu.memory_space<semaphore_mem>>) src(%dma_wait3A_207 : memref<32x192xf32, #tpu.memory_space<vmem>>) dst(%dma_wait3A_203 : memref<32x192xf32, #tpu.memory_space<hbm>>)
    return
  }
}

</mosaic_0001>

<sc_bundles>
// kernel: kernel.3.cloned.1.call-start
scs
__scs_entry_jumppad:
0x0: {  	(pc) =	sbr.rel $0x88, $3  }
0x1: {  	(tag) =	ssettag $0x0;
	lr =	simm.s32 $0x1  }
0x2: {  	[smem:$0x3F9E] =	sst lr;
	_ =	strace $0xD0000000  }
0x3: {  	_ = 	snop  }
0x4: {  	_ = 	snop  }
0x5: {  	_ = 	snop  }
0x6: {  	_ = 	snop  }
0x7: {  	_ = 	snop  }
__scs_overlays_trampoline_lowered:
0x8: {  	[smem:$0x3FAD] =	sst s0  }
0x9: {  	[smem:$0x3FAE] =	sst s1  }
0xa: {  	[smem:$0x3FAF] =	sst s2  }
0xb: {  	[smem:$0x3FB0] =	sst s3  }
0xc: {  	[smem:$0x3FB1] =	sst s4  }
0xd: {  	[smem:$0x3FB2] =	sst s5  }
0xe: {  	[smem:$0x3FB3] =	sst s6  }
0xf: {  	[smem:$0x3FB4] =	sst s7  }
0x10: {  	[smem:$0x3FB5] =	sst s8  }
0x11: {  	[smem:$0x3FB6] =	sst s9;
	s0 =	simm.s32 @!p0 $0x0  }
0x12: {  	s1 =	sld [smem:$0x3F9C];
	s0 =	simm.s32 @p0 $0x1  }
0x13: {  	[smem:$0x3FB7] =	sst s0;
	s0 =	simm.s32 @!p1 $0x0  }
0x14: {  	s2 =	sld [smem:$0x3F9B];
	s0 =	simm.s32 @p1 $0x1  }
0x15: {  	[smem:$0x3FB8] =	sst s0;
	s0 =	simm.s32 @!p2 $0x0  }
0x16: {  	s3 =	sld [smem:$0x3FDB];
	s0 =	simm.s32 @p2 $0x1  }
0x17: {  	s4 =	simm.s32 $0x1BF5;
	[smem:$0x3FBA] =	sst s0  }
0x18: {  	s0 =	sld [smem:$0x3F9D];
	_ =	swait.ge [sflag:s4], $0x0  }
0x19: {  	s7 =	sld [smem:$0x3F9E]  }
0x1a: {  	s8 =	sadd.s32 $0xFFFFE003, lr  }
0x1b: {  	s9 =	sadd.s32 $0xFFFFFEF7, lr;
	s5 =	simm.s32 $0xFFFFFFFF;
	p2 =	slt.u32 s8, $0xFFFFF086  }
0x1c: {  	p1 =	slt.u32 s9, $0xF7A;
	s5 =	simm.s32 @!p2 $0x0  }
0x1d: {  	s5 =	simm.s32 @p1 $0x1;
	p0 =	seq.s32 s7, s2  }
0x1e: {  	s7 =	smul.u32 @!p0 $0xF7A, s2;
	p2 =	seq.s32 @!p0 s5, $0x0  }
0x1f: {  	s9 =	smul.u32 $0xF7A, s1;
	s8 =	simm.s32 @!p0 $0x1BF5;
	p2 =	por !p2, p0  }
0x20: {  	[sflag:s8] =	ssyncset.s32 @!p0 $0xFFFFF086;
	s6 =	sadd.s32 @!p0 s3, s7;
	s7 =	simm.s32 @!p0 $0x108  }
0x21: {  	s3 =	sadd.s32 s3, s9;
	s6 =	sadd.s32 @!p0 $0x88, s6;
	s7 =	simm.s32 @p2 $0x1082  }
0x22: {  	[simem:s7], [sflag:s8] =	dma.local @!p0 [hbm:s6], $0xF7A  }
0x23: {  	s9 =	sor.u32 $0xD0000000, s2;
	s6 =	simm.s32 $0x108;
	_ =	swait.ge @!p0 [sflag:s8], $0x0  }
0x24: {  	s3 =	sadd.s32 $0x88, s3;
	s6 =	simm.s32 @!p1 $0x1082;
	[sflag:s4] =	ssyncset.s32 $0xFFFFF086  }
0x25: {  	[simem:s6], [sflag:s4] =	dma.local [hbm:s3], $0xF7A  }
0x26: {  	[smem:$0x3F9E] =	sst s1;
	(tag) =	ssettag s2;
	_ =	strace s9  }
0x27: {  	s1 =	sld [smem:$0x3FAE]  }
0x28: {  	s2 =	sld [smem:$0x3FAF]  }
0x29: {  	s4 =	sld [smem:$0x3FB1]  }
0x2a: {  	p0 =	seq.s32 s5, $0x0;
	s5 =	sld [smem:$0x3FB2]  }
0x2b: {  	s6 =	sld [smem:$0x3FB3]  }
0x2c: {  	s7 =	sld [smem:$0x3FB4]  }
0x2d: {  	s3 =	simm.s32 $0x108;
	s8 =	sld [smem:$0x3FB5]  }
0x2e: {  	s3 =	simm.s32 @!p0 $0x1082;
	s9 =	sld [smem:$0x3FB6]  }
0x2f: {  	lr =	sadd.s32 s0, s3;
	s0 =	sld [smem:$0x3FAD]  }
0x30: {  	s3 =	sld [smem:$0x3FB0]  }
0x31: {  	[smem:$0x3FB9] =	sst s10  }
0x32: {  	s10 =	sld [smem:$0x3FB7];
	_ =	sdelay $0x3  }
0x33: {  	p0 =	seq.s32 s10, $0x1;
	s10 =	sld [smem:$0x3FB9];
	_ =	sdelay $0x3  }
0x34: {  	[smem:$0x3FB9] =	sst s10  }
0x35: {  	s10 =	sld [smem:$0x3FB8];
	_ =	sdelay $0x3  }
0x36: {  	p1 =	seq.s32 s10, $0x1;
	s10 =	sld [smem:$0x3FB9];
	_ =	sdelay $0x3  }
0x37: {  	[smem:$0x3FB9] =	sst s10  }
0x38: {  	s10 =	sld [smem:$0x3FBA]  }
0x39: {  	_ = 	snop;
	(pc) =	sbr.ind lr, $3  }
0x3a: {  	_ = 	snop  }
0x3b: {  	_ = 	snop  }
0x3c: {  	p2 =	seq.s32 s10, $0x1;
	s10 =	sld [smem:$0x3FB9]  }
0x3d: {  	_ =	shalt  }
0x3e: {  	_ =	shalt  }
0x3f: {  	_ =	shalt  }
0x40: {  	_ =	shalt  }
0x41: {  	_ =	shalt  }
0x42: {  	_ =	shalt  }
0x43: {  	_ =	shalt  }
0x44: {  	_ =	shalt  }
0x45: {  	_ =	shalt  }
0x46: {  	_ =	shalt  }
0x47: {  	_ =	shalt  }
0x48: {  	_ =	shalt  }
0x49: {  	_ =	shalt  }
0x4a: {  	_ =	shalt  }
0x4b: {  	_ =	shalt  }
0x4c: {  	_ =	shalt  }
0x4d: {  	_ =	shalt  }
0x4e: {  	_ =	shalt  }
0x4f: {  	_ =	shalt  }
0x50: {  	_ =	shalt  }
0x51: {  	_ =	shalt  }
0x52: {  	_ =	shalt  }
0x53: {  	_ =	shalt  }
0x54: {  	_ =	shalt  }
0x55: {  	_ =	shalt  }
0x56: {  	_ =	shalt  }
0x57: {  	_ =	shalt  }
0x58: {  	_ =	shalt  }
0x59: {  	_ =	shalt  }
0x5a: {  	_ =	shalt  }
0x5b: {  	_ =	shalt  }
0x5c: {  	_ =	shalt  }
0x5d: {  	_ =	shalt  }
0x5e: {  	_ =	shalt  }
0x5f: {  	_ =	shalt  }
0x60: {  	_ =	shalt  }
0x61: {  	_ =	shalt  }
0x62: {  	_ =	shalt  }
0x63: {  	_ =	shalt  }
0x64: {  	_ =	shalt  }
0x65: {  	_ =	shalt  }
0x66: {  	_ =	shalt  }
0x67: {  	_ =	shalt  }
0x68: {  	_ =	shalt  }
0x69: {  	_ =	shalt  }
0x6a: {  	_ =	shalt  }
0x6b: {  	_ =	shalt  }
0x6c: {  	_ =	shalt  }
0x6d: {  	_ =	shalt  }
0x6e: {  	_ =	shalt  }
0x6f: {  	_ =	shalt  }
0x70: {  	_ =	shalt  }
0x71: {  	_ =	shalt  }
0x72: {  	_ =	shalt  }
0x73: {  	_ =	shalt  }
0x74: {  	_ =	shalt  }
0x75: {  	_ =	shalt  }
0x76: {  	_ =	shalt  }
0x77: {  	_ =	shalt  }
0x78: {  	_ =	shalt  }
0x79: {  	_ =	shalt  }
0x7a: {  	_ =	shalt  }
0x7b: {  	_ =	shalt  }
0x7c: {  	_ =	shalt  }
0x7d: {  	_ =	shalt  }
0x7e: {  	_ =	shalt  }
0x7f: {  	_ =	shalt  }
0x80: {  	_ =	shalt  }
0x81: {  	_ =	shalt  }
0x82: {  	_ =	shalt  }
0x83: {  	_ =	shalt  }
0x84: {  	_ =	shalt  }
0x85: {  	_ =	shalt  }
0x86: {  	_ =	shalt  }
0x87: {  	_ =	shalt  }
.Lfunc_end0:
.L_simem_size_0:
called_computation_lowered:
.L_overlay_start_0:
0x88: {  	s2 =	sld [smem:$0x3FD9]  }
0x89: {  	s3 =	sld [smem:$0x3FFE];
	_ =	sdelay $0x1  }
0x8a: {  	s1 =	srdreg.scid  }
0x8b: {  	s0 =	sand.u32 $0x1, s1  }
0x8c: {  	s18 =	sshll.u32 s0, $0xA;
	s2 =	sadd.s32 s3, s2  }
0x8d: {  	s2 =	sadd.s32 s2, s18  }
0x8e: {  	[smem:$0x3FC5] =	sst s2  }
0x8f: {  	_ = 	snop  }
0x90: {  	s2 =	sld [smem:$0x3FC9]  }
0x91: {  	s19 =	sld [smem:$0x3FC8]  }
0x92: {  	s4 =	sld [smem:$0x3FC7]  }
0x93: {  	s5 =	sld [smem:$0x3FD0];
	(tm) =	ssettm $0x1  }
0x94: {  	s6 =	sld [smem:$0x3FFB];
	_ =	sdelay $0x3  }
0x95: {  	_ =	strace s6  }
0x96: {  	s6 =	sld [smem:$0x3FFC];
	_ =	sdelay $0x3  }
0x97: {  	_ =	strace s6  }
0x98: {  	s6 =	sld [smem:$0x3FFD];
	_ =	sdelay $0x3  }
0x99: {  	_ =	strace s6  }
0x9a: {  	_ =	strace $0x8FFFFFFF  }
0x9b: {  	s20 =	sld [smem:$0x3FDB];
	_ =	sdelay $0x1  }
0x9c: {  	s7 =	simm.s32 $_scs_section_size  }
0x9d: {  	s8 =	simm.s32 $_size__tile_overlayer_lowered;
	s9 =	simm.s32 $_tile_overlayer_lowered  }
0x9e: {  	s23 =	simm.s32 $0x1BFF;
	s22 =	sshll.u32 s9, $0x1;
	s6 =	sadd.s32 s7, s20  }
0x9f: {  	s10 =	simm.s32 $0x0;
	s21 =	sshll.u32 s8, $0x1;
	s8 =	sadd.s32 s22, s6  }
0xa0: {  	[timem:s10], [sflag:s23] =	dma.local [hbm:s8], s21  }
0xa1: {  	_ =	swait.ge [sflag:s23], s21  }
0xa2: {  	s7 =	ssub.s32 $0x0, s21;
	[sflag:s23] =	ssyncset.done $0x0  }
0xa3: {  	[sflag:s23] =	ssyncadd.s32 s7;
	_ =	sdelay $0x1  }
0xa4: {  	s24 =	simm.s32 $0x1B8B  }
0xa5: {  	_ =	swait.ge [sflag:s24], $0x1  }
0xa6: {  	[sflag:s24] =	ssyncset.done $0x0  }
0xa7: {  	s25 =	simm.s32 $0x1B8E;
	[sflag:s24] =	ssyncadd.s32 $0xFFFFFFFF  }
0xa8: {  	s26 =	simm.s32 $execute0_lowered;
	[smem:$0x3FD2] =	sst s25  }
0xa9: {  	s7 =	sshll.u32 s26, $0x1;
	_ =	strace $0x80000046;
	[dreg:$0x1] =	wrdreg $0xFFFFFFFF  }
0xaa: {  	s28 =	simm.s32 $_size_execute0_lowered;
	s6 =	sadd.s32 s6, s7;
	[dreg:$0x0] =	wrdreg $0x0  }
0xab: {  	s7 =	sshll.u32 s28, $0x1;
	[dreg:$0x2] =	wrdreg s6  }
0xac: {  	[dreg:$0x3] =	wrdreg s7  }
0xad: {  	[dreg:$0x4] =	wrdreg $0xC0  }
0xae: {  	_ =	task [dreg:s10], $0x5FFFF  }
0xaf: {  	[dreg:$0x1] =	wrdreg $0xFFFFFFFF  }
0xb0: {  	[dreg:$0x0] =	wrdreg $0x60  }
0xb1: {  	[dreg:$0x2] =	wrdreg s2  }
0xb2: {  	[dreg:$0x3] =	wrdreg s19  }
0xb3: {  	[dreg:$0x4] =	wrdreg s4  }
0xb4: {  	[dreg:$0x5] =	wrdreg s5  }
0xb5: {  	[dreg:$0x6] =	wrdreg $0x9  }
0xb6: {  	_ =	task.clear_ibuf [dreg:s10], $0x7FFFF;
	_ =	strace $0x90000046  }
0xb7: {  	s29 =	simm.s32 $0x9;
	_ =	strace $0x80000048  }
0xb8: {  	_ =	swait.ge [sflag:s29], $0x1  }
0xb9: {  	[sflag:s29] =	ssyncadd.s32 $0xFFFFFFFF  }
0xba: {  	_ =	strace $0x90000048  }
0xbb: {  	_ =	sfence  }
0xbc: {  	s30 =	sld [smem:$0x0];
	_ =	sdelay $0x2  }
0xbd: {  	s31 =	sshll.u32 s1, $0xD;
	s1 =	sshrl.u32 s1, $0x2  }
0xbe: {  	s3 =	sand.u32 $0x4000, s31;
	s1 =	sadd.s32 s1, s30  }
0xbf: {  	s0 =	sor.u32 s3, s0;
	s1 =	sshll.u32 s1, $0x11  }
0xc0: {  	s0 =	sor.u32 s1, s0  }
0xc1: {  	s0 =	sadd.s32 $0x8F2B, s0  }
0xc2: {  	[sflag:s0] =	ssyncadd.remote.s32 $0x1  }
0xc3: {  	_ =	sfence.sel $0xFFFF  }
0xc4: {  	[dreg:$0x0] =	wrdreg $0xFFFFFFFF;
	(pc) =	sbr.abs _section_cstart, $3  }
0xc5: {  	[dreg:$0x1] =	wrdreg $0xFFFFFFFF  }
0xc6: {  	_ =	task.clear_ibuf [dreg:s10], $0x2FFFF;
	_ =	strace $0x9FFFFFFF  }
0xc7: {  	(tm) =	ssettm $0x7FFFFFFF  }
tec
execute0_lowered:
.L_overlay_start_1:
0x0: {  	(tag) =	ssettag $0x1  }
0x1: {  	s1 =	rddreg [dreg:$0x0];
	s5 =	simm.s32 $0x0  }
0x2: {  	[smem:$0x7FF] =	sst s5  }
0x3: {  	s4 =	rddreg [dreg:$0x3];
	v0 =	vimm.s32 $0x0;
	_ =	strace $0x80000047  }
0x4: {  	(xrf0) =	vadd.scan.msk.s32 $0xffff, v0;
	_ =	sdelay $0x5  }
0x5: {  	v0, _, _ =	vpop (xrf0)  }
0x6: {  	(v2sf) =	vpush v0, $0xF;
	_ =	sdelay $0x5  }
0x7: {  	s0 =	srdreg.scid;
	s3 =	stileid.u32;
	s18 =	simm.s32 $0x2  }
0x8: {  	s20 =	simm.s32 $0x3;
	s22 =	simm.s32 $0x4;
	s28 =	simm.s32 $0x6  }
0x9: {  	s30 =	simm.s32 $0xA;
	s0 =	sand.u32 $0x1, s0;
	s3 =	sshll.u32 s3, $0x1  }
0xa: {  	s31 =	simm.s32 $0x7;
	s2 =	ssub.s32 $0x2, s0;
	s0 =	sor.u32 s0, s3  }
0xb: {  	s15 =	simm.s32 $0xC;
	s8 =	simm.s32 $0x0;
	s7 =	sshll.u32 s0, $0x12  }
0xc: {  	s6 =	sshrl.u32 s2, $0x1;
	s9 =	sshll.u32 s0, $0x14;
	s24 =	sor.u32 $0x2000, s7  }
.Ltmp0:
0xd: {  	s25 =	sor.u32 $0x4000, s7;
	[dreg:$0x6] =	wrdreg s24;
	(pc) =	sbr.rel .LBB2_1-.Ltmp0, $4  }
0xe: {  	s2 =	ssub.s32 s2, s6;
	s26 =	sor.u32 $0x6000, s7;
	[dreg:$0x7] =	wrdreg s25  }
0xf: {  	s6 =	simm.s32 $0xB;
	[dreg:$0x8] =	wrdreg s26;
	s29 =	smax.u32 s2, $0x1  }
0x10: {  	vm0 =	vmmov $0x1;
	vm1 =	vcmask $0x308;
	s24 =	simm.s32 $0x5;
	[dreg:$0x9] =	wrdreg s29;
	s12 =	spop (v2sf)  }
0x11: {  	vm2 =	vcmask $0x70C;
	vm3 =	vcmask $0xB10;
	s26 =	simm.s32 $0x9;
	s2 =	simm.s32 $0x8;
	v0 =	vlaneseq.u32;
	[dreg:$0x5] =	wrdreg s12  }
.LBB2_34:
0x12: {  	s0 =	simm.s32 $0xD  }
0x13: {  	_ =	swait.ge [sflag:s0], $0x2000  }
0x14: {  	[sflag:s0] =	ssyncset.done $0x0  }
0x15: {  	s23 =	simm.s32 $0xE;
	[sflag:s0] =	ssyncadd.s32 $0xFFFFE000  }
0x16: {  	_ =	swait.ge [sflag:s23], $0x2000  }
0x17: {  	[sflag:s23] =	ssyncset.done $0x0  }
0x18: {  	s25 =	simm.s32 $0xF;
	[sflag:s23] =	ssyncadd.s32 $0xFFFFE000  }
0x19: {  	_ =	swait.ge [sflag:s25], $0x2000  }
0x1a: {  	[sflag:s25] =	ssyncset.done $0x0  }
0x1b: {  	s3 =	simm.s32 $0x10;
	[sflag:s25] =	ssyncadd.s32 $0xFFFFE000  }
0x1c: {  	_ =	swait.ge [sflag:s3], $0x2000  }
0x1d: {  	s8 =	rddreg [dreg:$0xa]  }
0x1e: {  	s29 =	rddreg [dreg:$0x9];
	s8 =	sadd.s32 $0x1, s8  }
0x1f: {  	p0 =	sne.s32 s8, s29  }
.Ltmp1:
0x20: {  	_ = 	snop;
	(pc) =	sbr.rel @!p0 .LBB2_35-.Ltmp1, $3  }
0x21: {  	_ =	sdelay $0x1  }
0x22: {  	[sflag:s3] =	ssyncset.done $0x0  }
0x23: {  	s12 =	rddreg [dreg:$0x5];
	[sflag:s3] =	ssyncadd.s32 $0xFFFFE000  }
.LBB2_1:
0x24: {  	[dreg:$0xa] =	wrdreg s8  }
0x25: {  	s0 =	rddreg [dreg:$0x1];
	s3 =	simm.s32 $0x11  }
0x26: {  	[tilespmem:s5], [sflag:$0x11] =	stream.linear.gather [hbm4b:s0+s5], $0x80, $0x38;
	[tilespmem:$0x10100] =	vst v63  }
0x27: {  	_ =	swait.ge [sflag:s3], $0x80  }
0x28: {  	[sflag:s3] =	ssyncset.done $0x0  }
0x29: {  	[sflag:s3] =	ssyncadd.s32 $0xFFFFFF80  }
0x2a: {  	s11 =	simm.s32 $0x80;
	s10 =	rddreg [dreg:$0x2]  }
0x2b: {  	[tilespmem:s11], [sflag:$0x11] =	stream.linear.gather [hbm4b:s10+s5], $0x80, $0x38;
	[tilespmem:$0x10100] =	vst v63  }
0x2c: {  	_ =	swait.ge [sflag:s3], $0x80  }
0x2d: {  	[sflag:s3] =	ssyncset.done $0x0  }
0x2e: {  	[sflag:s3] =	ssyncadd.s32 $0xFFFFFF80  }
0x2f: {  	v1 =	vld [tilespmem:$0x80]  }
0x30: {  	v2 =	vld [tilespmem:$0x0];
	_ =	sdelay $0x2  }
0x31: {  	v4 =	vmov s5;
	v3 =	vld [tilespmem:$0x10]  }
0x32: {  	vm4 =	veq.s32 v4, v0;
	v5 =	vnsel vm0, $0x0, v1  }
0x33: {  	s13 =	simm.s32 $0xFFFFFFF0;
	(xrf0) =	vadd.scan.msk.s32 $0xffff, v5;
	v5 =	vnsel vm4, $0x0, v2  }
0x34: {  	v4 =	vmov s13;
	(xrf0) =	vadd.scan.msk.s32 $0xffff, v5  }
0x35: {  	vm4 =	veq.s32 v4, v0  }
0x36: {  	v4 =	vnsel vm4, $0x0, v3;
	_ =	sdelay $0x2  }
0x37: {  	(xrf0) =	vadd.scan.msk.s32 $0xffff, v4;
	v4, _, _ =	vpop (xrf0)  }
0x38: {  	(v2sf) =	vpush v4, $0xF;
	v4, _, _ =	vpop (xrf0)  }
0x39: {  	(v2sf) =	vpush v4, $0xF;
	_ =	sdelay $0x3  }
0x3a: {  	s14 =	simm.s32 $0x1;
	v4, _, _ =	vpop (xrf0)  }
0x3b: {  	(v2sf) =	vpush v4, $0xF;
	v4 =	vmov s14  }
0x3c: {  	s16 =	simm.s32 $0xFFFFFFF1;
	vm4 =	veq.s32 v4, v0  }
0x3d: {  	s17 =	simm.s32 $0x2;
	v4 =	vmov s16;
	v5 =	vnsel vm4, $0x0, v2  }
0x3e: {  	s19 =	simm.s32 $0xFFFFFFF2;
	vm4 =	veq.s32 v4, v0;
	v4 =	vmov s17;
	(xrf0) =	vadd.scan.msk.s32 $0xffff, v5  }
0x3f: {  	v5 =	vnsel vm4, $0x0, v3;
	vm4 =	veq.s32 v4, v0;
	v4 =	vmov s19  }
0x40: {  	(xrf0) =	vadd.scan.msk.s32 $0xffff, v5;
	v5 =	vnsel vm4, $0x0, v2;
	vm4 =	veq.s32 v4, v0  }
0x41: {  	v4 =	vnsel vm4, $0x0, v3;
	_ =	sdelay $0x1  }
0x42: {  	(xrf0) =	vadd.scan.msk.s32 $0xffff, v5  }
0x43: {  	(xrf0) =	vadd.scan.msk.s32 $0xffff, v4;
	v4, _, _ =	vpop (xrf0);
	s21 =	spop (v2sf)  }
0x44: {  	s23 =	spop (v2sf);
	(v2sf) =	vpush v4, $0xF  }
0x45: {  	v5, _, _ =	vpop (xrf0)  }
0x46: {  	(v2sf) =	vpush v5, $0xF;
	_ =	sdelay $0x3  }
0x47: {  	v4, _, _ =	vpop (xrf0)  }
0x48: {  	s25 =	spop (v2sf);
	v7, _, _ =	vpop (xrf0);
	(v2sf) =	vpush v4, $0xF  }
0x49: {  	s29 =	simm.s32 $0x3;
	s10 =	simm.s32 $0xFFFFFFF3;
	s0 =	sadd.s32 s12, s21;
	(v2sf) =	vpush v7, $0xF  }
0x4a: {  	s14 =	simm.s32 $0x0;
	s0 =	sshll.u32 s0, $0xE;
	s3 =	sadd.s32 s23, s25  }
0x4b: {  	s17 =	simm.s32 $0x4;
	v5 =	vmov s29;
	s13 =	sadd.s32 s9, s0;
	s8 =	sshll.u32 s3, $0x8  }
0x4c: {  	s0 =	sand.u32 $0x1800, s5;
	vm4 =	veq.s32 v5, v0;
	s11 =	sshll.u32 s3, $0x7;
	s8 =	sand.u32 $0xFFFFF800, s8  }
0x4d: {  	v6 =	vmov s10;
	v4 =	vld [tilespmem:$0x90];
	v5 =	vnsel vm4, $0x0, v2;
	s10 =	sand.u32 $0x380, s11;
	s3 =	sadd.s32 s8, s13;
	s8 =	simm.s32 $0x0  }
.LBB2_2:
0x4e: {  	p0 =	sne.s32 s17, $0x1F;
	vm4 =	veq.s32 v6, v0;
	(xrf0) =	vadd.scan.msk.s32 $0xffff, v5;
	s11 =	sand.u32 $0x380, s14;
	s3 =	sor.u32 s10, s3  }
0x4f: {  	v5 =	vnsel vm4, $0x0, v3;
	s0 =	sor.u32 s11, s0;
	s3 =	sshrl.u32 s3, $0x3  }
0x50: {  	(xrf0) =	vadd.scan.msk.s32 $0xffff, v5;
	s10 =	spop (v2sf);
	s11 =	sadd.s32 $0x100, s0;
	s3 =	sadd.s32 s1, s3  }
0x51: {  	[tilespmem:s11], [sflag:$0x1] =	stream.linear.gather [hbm4b:s3+s5], $0x80, $0x38;
	[tilespmem:$0x10100] =	vst v63  }
0x52: {  	s0 =	sadd.s32 $0x500, s0;
	s3 =	sadd.s32 $0x80, s3;
	s11 =	spop (v2sf)  }
0x53: {  	[tilespmem:s0], [sflag:$0x1] =	stream.linear.gather [hbm4b:s3+s5], $0x80, $0x38;
	[tilespmem:$0x10100] =	vst v63  }
.Ltmp2:
0x54: {  	_ = 	snop;
	(pc) =	sbr.rel @p0 .LBB2_2-.Ltmp2, $4  }
0x55: {  	s14 =	sadd.s32 $0x80, s14;
	s3 =	sadd.s32 s10, s11;
	v5, _, _ =	vpop (xrf0)  }
0x56: {  	v6 =	vmov s17;
	s8 =	sadd.s32 $0x100, s8;
	s10 =	sadd.s32 $0xFFFFFFF0, s17;
	s11 =	sshll.u32 s3, $0x8;
	(v2sf) =	vpush v5, $0xF  }
0x57: {  	vm4 =	veq.s32 v6, v0;
	s0 =	sand.u32 $0x1800, s8;
	s19 =	sshll.u32 s3, $0x7;
	s11 =	sand.u32 $0xFFFFF800, s11;
	v7, _, _ =	vpop (xrf0)  }
0x58: {  	s17 =	sadd.s32 $0x1, s17;
	v6 =	vmov s10;
	v5 =	vnsel vm4, $0x0, v2;
	s10 =	sand.u32 $0x380, s19;
	s3 =	sadd.s32 s11, s13;
	(v2sf) =	vpush v7, $0xF  }
0x59: {  	_ =	sdelay $0x3  }
0x5a: {  	s11 =	sand.u32 $0x380, s14;
	s3 =	sor.u32 s10, s3;
	s25 =	spop (v2sf);
	vm4 =	veq.s32 v6, v0  }
0x5b: {  	(xrf0) =	vadd.scan.msk.s32 $0xffff, v5;
	s0 =	sor.u32 s11, s0;
	s3 =	sshrl.u32 s3, $0x3;
	s29 =	spop (v2sf);
	v5 =	vnsel vm4, $0x0, v3  }
0x5c: {  	s11 =	sadd.s32 $0x100, s0;
	s3 =	sadd.s32 s1, s3;
	s16 =	sadd.s32 s25, s29;
	(xrf0) =	vadd.scan.msk.s32 $0xffff, v5  }
0x5d: {  	[tilespmem:s11], [sflag:$0x1] =	stream.linear.gather [hbm4b:s3+s5], $0x80, $0x38;
	[tilespmem:$0x10100] =	vst v63  }
0x5e: {  	s0 =	sadd.s32 $0x500, s0;
	s3 =	sadd.s32 $0x80, s3;
	s17 =	sshll.u32 s16, $0x8  }
0x5f: {  	[tilespmem:s0], [sflag:$0x1] =	stream.linear.gather [hbm4b:s3+s5], $0x80, $0x38;
	[tilespmem:$0x10100] =	vst v63  }
0x60: {  	s19 =	sadd.s32 $0x80, s14;
	s3 =	sand.u32 $0xFFFFF800, s17;
	s0 =	sshll.u32 s16, $0x7  }
0x61: {  	s8 =	sadd.s32 $0x100, s8;
	s3 =	sadd.s32 s3, s13;
	s0 =	sand.u32 $0x380, s0  }
0x62: {  	s21 =	sand.u32 $0x1800, s8;
	s14 =	sand.u32 $0x380, s19;
	v5, _, _ =	vpop (xrf0);
	s0 =	sor.u32 s0, s3  }
0x63: {  	s23 =	sor.u32 s14, s21;
	s0 =	sshrl.u32 s0, $0x3;
	s25 =	spop (v2sf);
	(v2sf) =	vpush v5, $0xF;
	v5, _, _ =	vpop (xrf0)  }
0x64: {  	s14 =	sadd.s32 $0x100, s23;
	s0 =	sadd.s32 s1, s0;
	s29 =	spop (v2sf);
	(v2sf) =	vpush v5, $0xF  }
0x65: {  	[tilespmem:s14], [sflag:$0x1] =	stream.linear.gather [hbm4b:s0+s5], $0x80, $0x38;
	[tilespmem:$0x10100] =	vst v63  }
0x66: {  	s3 =	sadd.s32 $0x500, s23;
	s0 =	sadd.s32 $0x80, s0  }
0x67: {  	[tilespmem:s3], [sflag:$0x1] =	stream.linear.gather [hbm4b:s0+s5], $0x80, $0x38;
	[tilespmem:$0x10100] =	vst v63  }
0x68: {  	s11 =	sadd.s32 s25, s29  }
0x69: {  	s14 =	sshll.u32 s11, $0x8  }
0x6a: {  	s10 =	sadd.s32 $0x80, s19;
	s0 =	sshll.u32 s11, $0x7;
	s3 =	sand.u32 $0xFFFFF800, s14  }
0x6b: {  	s16 =	sadd.s32 $0x100, s8;
	s0 =	sand.u32 $0x380, s0;
	s3 =	sadd.s32 s3, s13  }
0x6c: {  	s17 =	sand.u32 $0x380, s10;
	s8 =	sand.u32 $0x1800, s16;
	s0 =	sor.u32 s0, s3  }
0x6d: {  	s19 =	sor.u32 s17, s8;
	s0 =	sshrl.u32 s0, $0x3  }
0x6e: {  	s21 =	simm.s32 $0xFFFFFFF0;
	s8 =	sadd.s32 $0x100, s19;
	s0 =	sadd.s32 s1, s0  }
0x6f: {  	v6 =	vsel vm1, $0x0, v1;
	[tilespmem:s8], [sflag:$0x1] =	stream.linear.gather [hbm4b:s0+s5], $0x80, $0x38;
	[tilespmem:$0x10100] =	vst v63  }
0x70: {  	(xrf0) =	vadd.scan.msk.s32 $0xffff, v6;
	s3 =	sadd.s32 $0x500, s19;
	s8 =	simm.s32 $0x0;
	s0 =	sadd.s32 $0x80, s0  }
0x71: {  	v5 =	vmov s8;
	[tilespmem:s3], [sflag:$0x1] =	stream.linear.gather [hbm4b:s0+s5], $0x80, $0x38;
	[tilespmem:$0x10100] =	vst v63  }
0x72: {  	vm4 =	veq.s32 v5, v0;
	v5 =	vmov s21;
	s23 =	spop (v2sf)  }
0x73: {  	v6 =	vnsel vm4, $0x0, v2;
	vm4 =	veq.s32 v5, v0;
	s25 =	spop (v2sf)  }
0x74: {  	v5 =	vnsel vm4, $0x0, v3;
	s0 =	sadd.s32 s23, s25  }
0x75: {  	(xrf0) =	vadd.scan.msk.s32 $0xffff, v6;
	s3 =	sshll.u32 s0, $0x8  }
0x76: {  	s10 =	sadd.s32 $0x80, s10;
	(xrf0) =	vadd.scan.msk.s32 $0xffff, v5;
	s0 =	sshll.u32 s0, $0x7;
	s3 =	sand.u32 $0xFFFFF800, s3  }
0x77: {  	s11 =	sadd.s32 $0x100, s16;
	v5, _, _ =	vpop (xrf0);
	s0 =	sand.u32 $0x380, s0;
	s3 =	sadd.s32 s3, s13  }
0x78: {  	s10 =	sand.u32 $0x380, s10;
	s11 =	sand.u32 $0x1800, s11;
	(v2sf) =	vpush v5, $0xF;
	s0 =	sor.u32 s0, s3  }
0x79: {  	s29 =	sor.u32 s10, s11;
	s0 =	sshrl.u32 s0, $0x3  }
0x7a: {  	s10 =	sadd.s32 $0x100, s29;
	s0 =	sadd.s32 s1, s0  }
0x7b: {  	v5, _, _ =	vpop (xrf0);
	[tilespmem:s10], [sflag:$0x1] =	stream.linear.gather [hbm4b:s0+s5], $0x80, $0x38;
	[tilespmem:$0x10100] =	vst v63  }
0x7c: {  	(v2sf) =	vpush v5, $0xF;
	v5, _, _ =	vpop (xrf0);
	s10 =	simm.s32 $0x1  }
0x7d: {  	(v2sf) =	vpush v5, $0xF;
	v5 =	vmov s10  }
0x7e: {  	s11 =	simm.s32 $0xFFFFFFF1;
	vm4 =	veq.s32 v5, v0  }
0x7f: {  	s13 =	simm.s32 $0x2;
	v5 =	vmov s11;
	v6 =	vnsel vm4, $0x0, v2  }
0x80: {  	s14 =	simm.s32 $0xFFFFFFF2;
	vm4 =	veq.s32 v5, v0;
	v5 =	vmov s13;
	(xrf0) =	vadd.scan.msk.s32 $0xffff, v6  }
0x81: {  	v6 =	vnsel vm4, $0x0, v3;
	vm4 =	veq.s32 v5, v0;
	v5 =	vmov s14  }
0x82: {  	(xrf0) =	vadd.scan.msk.s32 $0xffff, v6;
	v6 =	vnsel vm4, $0x0, v2;
	vm4 =	veq.s32 v5, v0  }
0x83: {  	v5 =	vnsel vm4, $0x0, v3;
	_ =	sdelay $0x1  }
0x84: {  	(xrf0) =	vadd.scan.msk.s32 $0xffff, v6  }
0x85: {  	(xrf0) =	vadd.scan.msk.s32 $0xffff, v5;
	v5, _, _ =	vpop (xrf0)  }
0x86: {  	s16 =	spop (v2sf);
	(v2sf) =	vpush v5, $0xF  }
0x87: {  	v6, _, _ =	vpop (xrf0)  }
0x88: {  	(v2sf) =	vpush v6, $0xF;
	_ =	sdelay $0x2  }
0x89: {  	s3 =	sadd.s32 $0x500, s29;
	s0 =	sadd.s32 $0x80, s0  }
0x8a: {  	[tilespmem:s3], [sflag:$0x1] =	stream.linear.gather [hbm4b:s0+s5], $0x80, $0x38;
	v5, _, _ =	vpop (xrf0);
	[tilespmem:$0x10100] =	vst v63  }
0x8b: {  	s17 =	spop (v2sf);
	(v2sf) =	vpush v5, $0xF;
	v7, _, _ =	vpop (xrf0)  }
0x8c: {  	s21 =	simm.s32 $0x3;
	s0 =	sadd.s32 s12, s16;
	s19 =	spop (v2sf);
	(v2sf) =	vpush v7, $0xF  }
0x8d: {  	s23 =	simm.s32 $0xFFFFFFF3;
	s0 =	sshll.u32 s0, $0xE;
	s3 =	sadd.s32 s17, s19  }
0x8e: {  	s14 =	simm.s32 $0x0;
	s13 =	sadd.s32 s9, s0;
	v6 =	vmov s21;
	s25 =	sshll.u32 s3, $0x8  }
0x8f: {  	s0 =	sand.u32 $0x1800, s8;
	vm4 =	veq.s32 v6, v0;
	s29 =	sshll.u32 s3, $0x7;
	s11 =	sand.u32 $0xFFFFF800, s25  }
0x90: {  	s17 =	simm.s32 $0x4;
	v6 =	vmov s23;
	v5 =	vnsel vm4, $0x0, v2;
	s10 =	sand.u32 $0x380, s29;
	s3 =	sadd.s32 s11, s13  }
.LBB2_4:
0x91: {  	p0 =	sne.s32 s17, $0x1F;
	vm4 =	veq.s32 v6, v0;
	(xrf0) =	vadd.scan.msk.s32 $0xffff, v5;
	s11 =	sand.u32 $0x380, s8;
	s3 =	sor.u32 s10, s3  }
0x92: {  	v5 =	vnsel vm4, $0x0, v3;
	s0 =	sor.u32 s11, s0;
	s3 =	sshrl.u32 s3, $0x3  }
0x93: {  	(xrf0) =	vadd.scan.msk.s32 $0xffff, v5;
	s10 =	spop (v2sf);
	s11 =	sadd.s32 $0x2100, s0;
	s3 =	sadd.s32 s1, s3  }
0x94: {  	[tilespmem:s11], [sflag:$0x2] =	stream.linear.gather [hbm4b:s3+s5], $0x80, $0x38;
	[tilespmem:$0x10100] =	vst v63  }
0x95: {  	s0 =	sadd.s32 $0x2500, s0;
	s3 =	sadd.s32 $0x80, s3;
	s11 =	spop (v2sf)  }
0x96: {  	[tilespmem:s0], [sflag:$0x2] =	stream.linear.gather [hbm4b:s3+s5], $0x80, $0x38;
	[tilespmem:$0x10100] =	vst v63  }
.Ltmp3:
0x97: {  	_ = 	snop;
	(pc) =	sbr.rel @p0 .LBB2_4-.Ltmp3, $4  }
0x98: {  	s8 =	sadd.s32 $0x80, s8;
	s3 =	sadd.s32 s10, s11;
	v5, _, _ =	vpop (xrf0)  }
0x99: {  	v6 =	vmov s17;
	s14 =	sadd.s32 $0x100, s14;
	s10 =	sadd.s32 $0xFFFFFFF0, s17;
	s11 =	sshll.u32 s3, $0x8;
	(v2sf) =	vpush v5, $0xF  }
0x9a: {  	vm4 =	veq.s32 v6, v0;
	s0 =	sand.u32 $0x1800, s14;
	s19 =	sshll.u32 s3, $0x7;
	s11 =	sand.u32 $0xFFFFF800, s11;
	v7, _, _ =	vpop (xrf0)  }
0x9b: {  	s17 =	sadd.s32 $0x1, s17;
	v6 =	vmov s10;
	v5 =	vnsel vm4, $0x0, v2;
	s10 =	sand.u32 $0x380, s19;
	s3 =	sadd.s32 s11, s13;
	(v2sf) =	vpush v7, $0xF  }
0x9c: {  	_ =	sdelay $0x3  }
0x9d: {  	s11 =	sand.u32 $0x380, s8;
	s3 =	sor.u32 s10, s3;
	s19 =	spop (v2sf);
	vm4 =	veq.s32 v6, v0  }
0x9e: {  	(xrf0) =	vadd.scan.msk.s32 $0xffff, v5;
	s0 =	sor.u32 s11, s0;
	s3 =	sshrl.u32 s3, $0x3;
	s21 =	spop (v2sf);
	v5 =	vnsel vm4, $0x0, v3  }
0x9f: {  	s11 =	sadd.s32 $0x2100, s0;
	s3 =	sadd.s32 s1, s3;
	s23 =	sadd.s32 s19, s21;
	(xrf0) =	vadd.scan.msk.s32 $0xffff, v5  }
0xa0: {  	[tilespmem:s11], [sflag:$0x2] =	stream.linear.gather [hbm4b:s3+s5], $0x80, $0x38;
	[tilespmem:$0x10100] =	vst v63  }
0xa1: {  	s0 =	sadd.s32 $0x2500, s0;
	s3 =	sadd.s32 $0x80, s3;
	s25 =	sshll.u32 s23, $0x8  }
0xa2: {  	[tilespmem:s0], [sflag:$0x2] =	stream.linear.gather [hbm4b:s3+s5], $0x80, $0x38;
	[tilespmem:$0x10100] =	vst v63  }
0xa3: {  	s29 =	sadd.s32 $0x80, s8;
	s3 =	sand.u32 $0xFFFFF800, s25;
	s0 =	sshll.u32 s23, $0x7  }
0xa4: {  	s10 =	sadd.s32 $0x100, s14;
	s3 =	sadd.s32 s3, s13;
	s0 =	sand.u32 $0x380, s0  }
0xa5: {  	s14 =	sand.u32 $0x1800, s10;
	s16 =	sand.u32 $0x380, s29;
	v5, _, _ =	vpop (xrf0);
	s0 =	sor.u32 s0, s3  }
0xa6: {  	s17 =	sor.u32 s16, s14;
	s0 =	sshrl.u32 s0, $0x3;
	s19 =	spop (v2sf);
	(v2sf) =	vpush v5, $0xF;
	v5, _, _ =	vpop (xrf0)  }
0xa7: {  	s14 =	sadd.s32 $0x2100, s17;
	s0 =	sadd.s32 s1, s0;
	s21 =	spop (v2sf);
	(v2sf) =	vpush v5, $0xF  }
0xa8: {  	[tilespmem:s14], [sflag:$0x2] =	stream.linear.gather [hbm4b:s0+s5], $0x80, $0x38;
	[tilespmem:$0x10100] =	vst v63  }
0xa9: {  	s3 =	sadd.s32 $0x2500, s17;
	s0 =	sadd.s32 $0x80, s0  }
0xaa: {  	[tilespmem:s3], [sflag:$0x2] =	stream.linear.gather [hbm4b:s0+s5], $0x80, $0x38;
	[tilespmem:$0x10100] =	vst v63  }
0xab: {  	s23 =	sadd.s32 s19, s21  }
0xac: {  	s25 =	sshll.u32 s23, $0x8  }
0xad: {  	s29 =	sadd.s32 $0x80, s29;
	s0 =	sshll.u32 s23, $0x7;
	s3 =	sand.u32 $0xFFFFF800, s25  }
0xae: {  	s10 =	sadd.s32 $0x100, s10;
	s0 =	sand.u32 $0x380, s0;
	s3 =	sadd.s32 s3, s13  }
0xaf: {  	s16 =	sand.u32 $0x1800, s10;
	s17 =	sand.u32 $0x380, s29;
	s0 =	sor.u32 s0, s3  }
0xb0: {  	s19 =	sor.u32 s17, s16;
	s0 =	sshrl.u32 s0, $0x3  }
0xb1: {  	s21 =	simm.s32 $0xFFFFFFF0;
	s8 =	sadd.s32 $0x2100, s19;
	s0 =	sadd.s32 s1, s0  }
0xb2: {  	v6 =	vsel vm2, $0x0, v1;
	[tilespmem:s8], [sflag:$0x2] =	stream.linear.gather [hbm4b:s0+s5], $0x80, $0x38;
	[tilespmem:$0x10100] =	vst v63  }
0xb3: {  	(xrf0) =	vadd.scan.msk.s32 $0xffff, v6;
	s3 =	sadd.s32 $0x2500, s19;
	s8 =	simm.s32 $0x0;
	s0 =	sadd.s32 $0x80, s0  }
0xb4: {  	v5 =	vmov s8;
	[tilespmem:s3], [sflag:$0x2] =	stream.linear.gather [hbm4b:s0+s5], $0x80, $0x38;
	[tilespmem:$0x10100] =	vst v63  }
0xb5: {  	vm4 =	veq.s32 v5, v0;
	v5 =	vmov s21;
	s23 =	spop (v2sf)  }
0xb6: {  	v6 =	vnsel vm4, $0x0, v2;
	vm4 =	veq.s32 v5, v0;
	s25 =	spop (v2sf)  }
0xb7: {  	v5 =	vnsel vm4, $0x0, v3;
	s0 =	sadd.s32 s23, s25  }
0xb8: {  	(xrf0) =	vadd.scan.msk.s32 $0xffff, v6;
	s3 =	sshll.u32 s0, $0x8  }
0xb9: {  	s10 =	sadd.s32 $0x100, s10;
	(xrf0) =	vadd.scan.msk.s32 $0xffff, v5;
	s0 =	sshll.u32 s0, $0x7;
	s3 =	sand.u32 $0xFFFFF800, s3  }
0xba: {  	s11 =	sadd.s32 $0x80, s29;
	v5, _, _ =	vpop (xrf0);
	s0 =	sand.u32 $0x380, s0;
	s3 =	sadd.s32 s3, s13  }
0xbb: {  	s10 =	sand.u32 $0x1800, s10;
	s11 =	sand.u32 $0x380, s11;
	(v2sf) =	vpush v5, $0xF;
	s0 =	sor.u32 s0, s3  }
0xbc: {  	s29 =	sor.u32 s11, s10;
	s0 =	sshrl.u32 s0, $0x3  }
0xbd: {  	s10 =	sadd.s32 $0x2100, s29;
	s0 =	sadd.s32 s1, s0  }
0xbe: {  	v5, _, _ =	vpop (xrf0);
	[tilespmem:s10], [sflag:$0x2] =	stream.linear.gather [hbm4b:s0+s5], $0x80, $0x38;
	[tilespmem:$0x10100] =	vst v63  }
0xbf: {  	(v2sf) =	vpush v5, $0xF;
	v5, _, _ =	vpop (xrf0);
	s10 =	simm.s32 $0x1  }
0xc0: {  	(v2sf) =	vpush v5, $0xF;
	v5 =	vmov s10  }
0xc1: {  	s11 =	simm.s32 $0xFFFFFFF1;
	vm4 =	veq.s32 v5, v0  }
0xc2: {  	s13 =	simm.s32 $0x2;
	v5 =	vmov s11;
	v6 =	vnsel vm4, $0x0, v2  }
0xc3: {  	s14 =	simm.s32 $0xFFFFFFF2;
	vm4 =	veq.s32 v5, v0;
	v5 =	vmov s13;
	(xrf0) =	vadd.scan.msk.s32 $0xffff, v6  }
0xc4: {  	v6 =	vnsel vm4, $0x0, v3;
	vm4 =	veq.s32 v5, v0;
	v5 =	vmov s14  }
0xc5: {  	(xrf0) =	vadd.scan.msk.s32 $0xffff, v6;
	v6 =	vnsel vm4, $0x0, v2;
	vm4 =	veq.s32 v5, v0  }
0xc6: {  	v5 =	vnsel vm4, $0x0, v3;
	_ =	sdelay $0x1  }
0xc7: {  	(xrf0) =	vadd.scan.msk.s32 $0xffff, v6  }
0xc8: {  	(xrf0) =	vadd.scan.msk.s32 $0xffff, v5;
	v5, _, _ =	vpop (xrf0)  }
0xc9: {  	s16 =	spop (v2sf);
	(v2sf) =	vpush v5, $0xF  }
0xca: {  	v6, _, _ =	vpop (xrf0)  }
0xcb: {  	(v2sf) =	vpush v6, $0xF;
	_ =	sdelay $0x2  }
0xcc: {  	s3 =	sadd.s32 $0x2500, s29;
	s0 =	sadd.s32 $0x80, s0  }
0xcd: {  	[tilespmem:s3], [sflag:$0x2] =	stream.linear.gather [hbm4b:s0+s5], $0x80, $0x38;
	v5, _, _ =	vpop (xrf0);
	[tilespmem:$0x10100] =	vst v63  }
0xce: {  	s17 =	spop (v2sf);
	(v2sf) =	vpush v5, $0xF;
	v7, _, _ =	vpop (xrf0)  }
0xcf: {  	s21 =	simm.s32 $0x3;
	s0 =	sadd.s32 s12, s16;
	s19 =	spop (v2sf);
	(v2sf) =	vpush v7, $0xF  }
0xd0: {  	s23 =	simm.s32 $0xFFFFFFF3;
	s0 =	sshll.u32 s0, $0xE;
	s3 =	sadd.s32 s17, s19  }
0xd1: {  	s14 =	simm.s32 $0x0;
	s13 =	sadd.s32 s9, s0;
	v6 =	vmov s21;
	s25 =	sshll.u32 s3, $0x8  }
0xd2: {  	s0 =	sand.u32 $0x1800, s8;
	vm4 =	veq.s32 v6, v0;
	s29 =	sshll.u32 s3, $0x7;
	s11 =	sand.u32 $0xFFFFF800, s25  }
0xd3: {  	s17 =	simm.s32 $0x4;
	v6 =	vmov s23;
	v5 =	vnsel vm4, $0x0, v2;
	s10 =	sand.u32 $0x380, s29;
	s3 =	sadd.s32 s11, s13  }
.LBB2_6:
0xd4: {  	p0 =	sne.s32 s17, $0x1F;
	vm4 =	veq.s32 v6, v0;
	(xrf0) =	vadd.scan.msk.s32 $0xffff, v5;
	s11 =	sand.u32 $0x380, s8;
	s3 =	sor.u32 s10, s3  }
0xd5: {  	v5 =	vnsel vm4, $0x0, v3;
	s0 =	sor.u32 s11, s0;
	s3 =	sshrl.u32 s3, $0x3  }
0xd6: {  	(xrf0) =	vadd.scan.msk.s32 $0xffff, v5;
	s10 =	spop (v2sf);
	s11 =	sadd.s32 $0x4100, s0;
	s3 =	sadd.s32 s1, s3  }
0xd7: {  	[tilespmem:s11], [sflag:$0x3] =	stream.linear.gather [hbm4b:s3+s5], $0x80, $0x38;
	[tilespmem:$0x10100] =	vst v63  }
0xd8: {  	s0 =	sadd.s32 $0x4500, s0;
	s3 =	sadd.s32 $0x80, s3;
	s11 =	spop (v2sf)  }
0xd9: {  	[tilespmem:s0], [sflag:$0x3] =	stream.linear.gather [hbm4b:s3+s5], $0x80, $0x38;
	[tilespmem:$0x10100] =	vst v63  }
.Ltmp4:
0xda: {  	_ = 	snop;
	(pc) =	sbr.rel @p0 .LBB2_6-.Ltmp4, $4  }
0xdb: {  	s8 =	sadd.s32 $0x80, s8;
	s3 =	sadd.s32 s10, s11;
	v5, _, _ =	vpop (xrf0)  }
0xdc: {  	v6 =	vmov s17;
	s14 =	sadd.s32 $0x100, s14;
	s10 =	sadd.s32 $0xFFFFFFF0, s17;
	s11 =	sshll.u32 s3, $0x8;
	(v2sf) =	vpush v5, $0xF  }
0xdd: {  	vm4 =	veq.s32 v6, v0;
	s0 =	sand.u32 $0x1800, s14;
	s19 =	sshll.u32 s3, $0x7;
	s11 =	sand.u32 $0xFFFFF800, s11;
	v7, _, _ =	vpop (xrf0)  }
0xde: {  	s17 =	sadd.s32 $0x1, s17;
	v6 =	vmov s10;
	v5 =	vnsel vm4, $0x0, v2;
	s10 =	sand.u32 $0x380, s19;
	s3 =	sadd.s32 s11, s13;
	(v2sf) =	vpush v7, $0xF  }
0xdf: {  	s11 =	sand.u32 $0x380, s8;
	s3 =	sor.u32 s10, s3;
	vm4 =	veq.s32 v6, v0;
	s17 =	spop (v2sf)  }
0xe0: {  	(xrf0) =	vadd.scan.msk.s32 $0xffff, v5;
	s0 =	sor.u32 s11, s0;
	s3 =	sshrl.u32 s3, $0x3;
	v5 =	vnsel vm4, $0x0, v3;
	s19 =	spop (v2sf)  }
0xe1: {  	s11 =	sadd.s32 $0x4100, s0;
	s3 =	sadd.s32 s1, s3;
	(xrf0) =	vadd.scan.msk.s32 $0xffff, v5;
	s21 =	sadd.s32 s17, s19  }
0xe2: {  	[tilespmem:s11], [sflag:$0x3] =	stream.linear.gather [hbm4b:s3+s5], $0x80, $0x38;
	[tilespmem:$0x10100] =	vst v63  }
0xe3: {  	s0 =	sadd.s32 $0x4500, s0;
	s3 =	sadd.s32 $0x80, s3;
	s23 =	sshll.u32 s21, $0x8  }
0xe4: {  	[tilespmem:s0], [sflag:$0x3] =	stream.linear.gather [hbm4b:s3+s5], $0x80, $0x38;
	[tilespmem:$0x10100] =	vst v63  }
0xe5: {  	s8 =	sadd.s32 $0x80, s8;
	s3 =	sand.u32 $0xFFFFF800, s23;
	s0 =	sshll.u32 s21, $0x7  }
0xe6: {  	s10 =	sadd.s32 $0x100, s14;
	s3 =	sadd.s32 s3, s13;
	s0 =	sand.u32 $0x380, s0;
	v5, _, _ =	vpop (xrf0)  }
0xe7: {  	s25 =	sand.u32 $0x1800, s10;
	s29 =	sand.u32 $0x380, s8;
	s0 =	sor.u32 s0, s3;
	(v2sf) =	vpush v5, $0xF;
	v5, _, _ =	vpop (xrf0)  }
0xe8: {  	s16 =	sor.u32 s29, s25;
	s0 =	sshrl.u32 s0, $0x3;
	(v2sf) =	vpush v5, $0xF  }
0xe9: {  	s14 =	sadd.s32 $0x4100, s16;
	s0 =	sadd.s32 s1, s0  }
0xea: {  	[tilespmem:s14], [sflag:$0x3] =	stream.linear.gather [hbm4b:s0+s5], $0x80, $0x38;
	[tilespmem:$0x10100] =	vst v63  }
0xeb: {  	s3 =	sadd.s32 $0x4500, s16;
	s0 =	sadd.s32 $0x80, s0;
	s17 =	spop (v2sf)  }
0xec: {  	[tilespmem:s3], [sflag:$0x3] =	stream.linear.gather [hbm4b:s0+s5], $0x80, $0x38;
	[tilespmem:$0x10100] =	vst v63  }
0xed: {  	s19 =	spop (v2sf)  }
0xee: {  	s21 =	sadd.s32 s17, s19  }
0xef: {  	s23 =	sshll.u32 s21, $0x8  }
0xf0: {  	s8 =	sadd.s32 $0x80, s8;
	s0 =	sshll.u32 s21, $0x7;
	s3 =	sand.u32 $0xFFFFF800, s23  }
0xf1: {  	s10 =	sadd.s32 $0x100, s10;
	s0 =	sand.u32 $0x380, s0;
	s3 =	sadd.s32 s3, s13  }
0xf2: {  	s25 =	sand.u32 $0x1800, s10;
	s29 =	sand.u32 $0x380, s8;
	s0 =	sor.u32 s0, s3  }
0xf3: {  	s16 =	sor.u32 s29, s25;
	s0 =	sshrl.u32 s0, $0x3  }
0xf4: {  	s11 =	sadd.s32 $0x4100, s16;
	s14 =	simm.s32 $0x0;
	s0 =	sadd.s32 s1, s0  }
0xf5: {  	v6 =	vsel vm3, $0x0, v1;
	[tilespmem:s11], [sflag:$0x3] =	stream.linear.gather [hbm4b:s0+s5], $0x80, $0x38;
	[tilespmem:$0x10100] =	vst v63  }
0xf6: {  	(xrf0) =	vadd.scan.msk.s32 $0xffff, v6;
	v5 =	vmov s14;
	s17 =	simm.s32 $0xFFFFFFF0;
	s19 =	spop (v2sf)  }
0xf7: {  	vm4 =	veq.s32 v5, v0;
	v5 =	vmov s17;
	s3 =	sadd.s32 $0x4500, s16;
	s0 =	sadd.s32 $0x80, s0;
	s21 =	spop (v2sf)  }
0xf8: {  	v6 =	vnsel vm4, $0x0, v2;
	vm4 =	veq.s32 v5, v0;
	[tilespmem:s3], [sflag:$0x3] =	stream.linear.gather [hbm4b:s0+s5], $0x80, $0x38;
	[tilespmem:$0x10100] =	vst v63  }
0xf9: {  	v5 =	vnsel vm4, $0x0, v3;
	s23 =	sadd.s32 s19, s21  }
0xfa: {  	(xrf0) =	vadd.scan.msk.s32 $0xffff, v6;
	s25 =	sshll.u32 s23, $0x8  }
0xfb: {  	s8 =	sadd.s32 $0x80, s8;
	(xrf0) =	vadd.scan.msk.s32 $0xffff, v5;
	s0 =	sshll.u32 s23, $0x7;
	s3 =	sand.u32 $0xFFFFF800, s25  }
0xfc: {  	s10 =	sadd.s32 $0x100, s10;
	v5, _, _ =	vpop (xrf0);
	s0 =	sand.u32 $0x380, s0;
	s3 =	sadd.s32 s3, s13  }
0xfd: {  	s10 =	sand.u32 $0x1800, s10;
	s8 =	sand.u32 $0x380, s8;
	(v2sf) =	vpush v5, $0xF;
	s0 =	sor.u32 s0, s3  }
0xfe: {  	s29 =	sor.u32 s8, s10;
	s0 =	sshrl.u32 s0, $0x3  }
0xff: {  	s8 =	sadd.s32 $0x4100, s29;
	s0 =	sadd.s32 s1, s0  }
0x100: {  	v5, _, _ =	vpop (xrf0);
	[tilespmem:s8], [sflag:$0x3] =	stream.linear.gather [hbm4b:s0+s5], $0x80, $0x38;
	[tilespmem:$0x10100] =	vst v63  }
0x101: {  	(v2sf) =	vpush v5, $0xF;
	v5, _, _ =	vpop (xrf0);
	s8 =	simm.s32 $0x1  }
0x102: {  	(v2sf) =	vpush v5, $0xF;
	v5 =	vmov s8  }
0x103: {  	s10 =	simm.s32 $0xFFFFFFF1;
	vm4 =	veq.s32 v5, v0  }
0x104: {  	s11 =	simm.s32 $0x2;
	v5 =	vmov s10;
	v6 =	vnsel vm4, $0x0, v2  }
0x105: {  	s13 =	simm.s32 $0xFFFFFFF2;
	vm4 =	veq.s32 v5, v0;
	v5 =	vmov s11;
	(xrf0) =	vadd.scan.msk.s32 $0xffff, v6  }
0x106: {  	v6 =	vnsel vm4, $0x0, v3;
	vm4 =	veq.s32 v5, v0;
	v5 =	vmov s13  }
0x107: {  	(xrf0) =	vadd.scan.msk.s32 $0xffff, v6;
	v6 =	vnsel vm4, $0x0, v2;
	vm4 =	veq.s32 v5, v0  }
0x108: {  	v5 =	vnsel vm4, $0x0, v3;
	_ =	sdelay $0x1  }
0x109: {  	(xrf0) =	vadd.scan.msk.s32 $0xffff, v6  }
0x10a: {  	(xrf0) =	vadd.scan.msk.s32 $0xffff, v5;
	v5, _, _ =	vpop (xrf0)  }
0x10b: {  	s16 =	spop (v2sf);
	(v2sf) =	vpush v5, $0xF  }
0x10c: {  	v6, _, _ =	vpop (xrf0)  }
0x10d: {  	(v2sf) =	vpush v6, $0xF;
	_ =	sdelay $0x2  }
0x10e: {  	s3 =	sadd.s32 $0x4500, s29;
	s0 =	sadd.s32 $0x80, s0  }
0x10f: {  	[tilespmem:s3], [sflag:$0x3] =	stream.linear.gather [hbm4b:s0+s5], $0x80, $0x38;
	v5, _, _ =	vpop (xrf0);
	[tilespmem:$0x10100] =	vst v63  }
0x110: {  	s21 =	simm.s32 $0x3;
	s17 =	spop (v2sf);
	(v2sf) =	vpush v5, $0xF;
	v7, _, _ =	vpop (xrf0)  }
0x111: {  	s25 =	simm.s32 $0xFFFFFFF3;
	s0 =	sadd.s32 s12, s16;
	s19 =	spop (v2sf);
	(v2sf) =	vpush v7, $0xF  }
0x112: {  	s13 =	simm.s32 $0x0;
	s0 =	sshll.u32 s0, $0xE;
	s3 =	sadd.s32 s17, s19  }
0x113: {  	s8 =	sadd.s32 s9, s0;
	s0 =	sand.u32 $0x1800, s14;
	s23 =	sshll.u32 s3, $0x8;
	v6 =	vmov s21  }
0x114: {  	s19 =	simm.s32 $0x4;
	s29 =	sshll.u32 s3, $0x7;
	s10 =	sand.u32 $0xFFFFF800, s23;
	vm4 =	veq.s32 v6, v0  }
0x115: {  	s17 =	simm.s32 $0x0;
	s3 =	sadd.s32 s10, s8;
	v6 =	vmov s25;
	s10 =	sand.u32 $0x380, s29;
	v5 =	vnsel vm4, $0x0, v2  }
.LBB2_8:
0x116: {  	p0 =	sne.s32 s19, $0x1F;
	vm4 =	veq.s32 v6, v0;
	(xrf0) =	vadd.scan.msk.s32 $0xffff, v5;
	s11 =	sand.u32 $0x380, s17;
	s3 =	sor.u32 s10, s3  }
0x117: {  	v5 =	vnsel vm4, $0x0, v3;
	s0 =	sor.u32 s11, s0;
	s3 =	sshrl.u32 s3, $0x3  }
0x118: {  	(xrf0) =	vadd.scan.msk.s32 $0xffff, v5;
	s10 =	spop (v2sf);
	s11 =	sadd.s32 $0x6100, s0;
	s3 =	sadd.s32 s1, s3  }
0x119: {  	[tilespmem:s11], [sflag:$0x4] =	stream.linear.gather [hbm4b:s3+s14], $0x80, $0x38;
	[tilespmem:$0x10100] =	vst v63  }
0x11a: {  	s0 =	sadd.s32 $0x6500, s0;
	s3 =	sadd.s32 $0x80, s3;
	s11 =	spop (v2sf)  }
0x11b: {  	[tilespmem:s0], [sflag:$0x4] =	stream.linear.gather [hbm4b:s3+s14], $0x80, $0x38;
	[tilespmem:$0x10100] =	vst v63  }
.Ltmp5:
0x11c: {  	_ = 	snop;
	(pc) =	sbr.rel @p0 .LBB2_8-.Ltmp5, $4  }
0x11d: {  	s17 =	sadd.s32 $0x80, s17;
	s3 =	sadd.s32 s10, s11;
	v5, _, _ =	vpop (xrf0)  }
0x11e: {  	v6 =	vmov s19;
	s13 =	sadd.s32 $0x100, s13;
	s10 =	sadd.s32 $0xFFFFFFF0, s19;
	s11 =	sshll.u32 s3, $0x8;
	(v2sf) =	vpush v5, $0xF  }
0x11f: {  	vm4 =	veq.s32 v6, v0;
	s0 =	sand.u32 $0x1800, s13;
	s21 =	sshll.u32 s3, $0x7;
	s11 =	sand.u32 $0xFFFFF800, s11;
	v7, _, _ =	vpop (xrf0)  }
0x120: {  	s19 =	sadd.s32 $0x1, s19;
	v6 =	vmov s10;
	v5 =	vnsel vm4, $0x0, v2;
	s10 =	sand.u32 $0x380, s21;
	s3 =	sadd.s32 s11, s8;
	(v2sf) =	vpush v7, $0xF  }
0x121: {  	vm4 =	veq.s32 v6, v0;
	(xrf0) =	vadd.scan.msk.s32 $0xffff, v5  }
0x122: {  	s11 =	sand.u32 $0x380, s17;
	s3 =	sor.u32 s10, s3;
	s23 =	spop (v2sf);
	v5 =	vnsel vm4, $0x0, v3  }
0x123: {  	s0 =	sor.u32 s11, s0;
	s3 =	sshrl.u32 s3, $0x3;
	s25 =	spop (v2sf);
	(xrf0) =	vadd.scan.msk.s32 $0xffff, v5  }
0x124: {  	s11 =	sadd.s32 $0x6100, s0;
	s3 =	sadd.s32 s1, s3;
	s29 =	sadd.s32 s23, s25  }
0x125: {  	[tilespmem:s11], [sflag:$0x4] =	stream.linear.gather [hbm4b:s3+s14], $0x80, $0x38;
	[tilespmem:$0x10100] =	vst v63  }
0x126: {  	s0 =	sadd.s32 $0x6500, s0;
	s3 =	sadd.s32 $0x80, s3;
	s10 =	sshll.u32 s29, $0x8  }
0x127: {  	[tilespmem:s0], [sflag:$0x4] =	stream.linear.gather [hbm4b:s3+s14], $0x80, $0x38;
	v5, _, _ =	vpop (xrf0);
	[tilespmem:$0x10100] =	vst v63  }
0x128: {  	s12 =	sadd.s32 $0x100, s13;
	s3 =	sand.u32 $0xFFFFF800, s10;
	s0 =	sshll.u32 s29, $0x7;
	(v2sf) =	vpush v5, $0xF  }
0x129: {  	s11 =	sadd.s32 $0x80, s17;
	s3 =	sadd.s32 s3, s8;
	s0 =	sand.u32 $0x380, s0;
	v5, _, _ =	vpop (xrf0)  }
0x12a: {  	s13 =	sand.u32 $0x1800, s12;
	s17 =	sand.u32 $0x380, s11;
	s0 =	sor.u32 s0, s3;
	(v2sf) =	vpush v5, $0xF  }
0x12b: {  	s16 =	sor.u32 s17, s13;
	s0 =	sshrl.u32 s0, $0x3  }
0x12c: {  	s17 =	sadd.s32 $0x6100, s16;
	s0 =	sadd.s32 s1, s0  }
0x12d: {  	[tilespmem:s17], [sflag:$0x4] =	stream.linear.gather [hbm4b:s0+s14], $0x80, $0x38;
	[tilespmem:$0x10100] =	vst v63  }
0x12e: {  	s3 =	sadd.s32 $0x6500, s16;
	s0 =	sadd.s32 $0x80, s0;
	s19 =	spop (v2sf)  }
0x12f: {  	[tilespmem:s3], [sflag:$0x4] =	stream.linear.gather [hbm4b:s0+s14], $0x80, $0x38;
	[tilespmem:$0x10100] =	vst v63  }
0x130: {  	s21 =	spop (v2sf)  }
0x131: {  	s23 =	sadd.s32 s19, s21  }
0x132: {  	s25 =	sshll.u32 s23, $0x8  }
0x133: {  	s10 =	sadd.s32 $0x80, s11;
	s0 =	sshll.u32 s23, $0x7;
	s3 =	sand.u32 $0xFFFFF800, s25  }
0x134: {  	s11 =	sadd.s32 $0x100, s12;
	s0 =	sand.u32 $0x380, s0;
	s3 =	sadd.s32 s3, s8  }
0x135: {  	s29 =	sand.u32 $0x1800, s11;
	s12 =	sand.u32 $0x380, s10;
	s0 =	sor.u32 s0, s3  }
0x136: {  	s13 =	sor.u32 s12, s29;
	s0 =	sshrl.u32 s0, $0x3  }
0x137: {  	s17 =	sadd.s32 $0x6100, s13;
	s0 =	sadd.s32 s1, s0;
	s16 =	spop (v2sf)  }
0x138: {  	[tilespmem:s17], [sflag:$0x4] =	stream.linear.gather [hbm4b:s0+s14], $0x80, $0x38;
	[tilespmem:$0x10100] =	vst v63  }
0x139: {  	s3 =	sadd.s32 $0x6500, s13;
	s0 =	sadd.s32 $0x80, s0;
	s19 =	spop (v2sf)  }
0x13a: {  	[tilespmem:s3], [sflag:$0x4] =	stream.linear.gather [hbm4b:s0+s14], $0x80, $0x38;
	[tilespmem:$0x10100] =	vst v63  }
0x13b: {  	s21 =	sadd.s32 s16, s19  }
0x13c: {  	s23 =	sshll.u32 s21, $0x8  }
0x13d: {  	s10 =	sadd.s32 $0x80, s10;
	s0 =	sshll.u32 s21, $0x7;
	s3 =	sand.u32 $0xFFFFF800, s23  }
0x13e: {  	s11 =	sadd.s32 $0x100, s11;
	s0 =	sand.u32 $0x380, s0;
	s3 =	sadd.s32 s3, s8  }
0x13f: {  	s10 =	sand.u32 $0x380, s10;
	s25 =	sand.u32 $0x1800, s11;
	s0 =	sor.u32 s0, s3  }
0x140: {  	s29 =	sor.u32 s10, s25;
	s0 =	sshrl.u32 s0, $0x3  }
0x141: {  	s8 =	sadd.s32 $0x6100, s29;
	s0 =	sadd.s32 s1, s0  }
0x142: {  	[tilespmem:s8], [sflag:$0x4] =	stream.linear.gather [hbm4b:s0+s14], $0x80, $0x38;
	[tilespmem:$0x10100] =	vst v63  }
0x143: {  	s3 =	sadd.s32 $0x6500, s29;
	s0 =	sadd.s32 $0x80, s0  }
0x144: {  	[tilespmem:s3], [sflag:$0x4] =	stream.linear.gather [hbm4b:s0+s14], $0x80, $0x38;
	[tilespmem:$0x10100] =	vst v63  }
.LBB2_10:
0x145: {  	s13 =	sshll.u32 s14, $0x10;
	s3 =	simm.s32 $0x1  }
0x146: {  	s8 =	sshll.u32 s14, $0x3;
	s17 =	simm.s32 $0x100;
	p0 =	seq.s32 s14, $0x0  }
0x147: {  	_ =	swait.ge [sflag:s3], $0x2000;
	s0 =	sor.u32 s7, s13;
	s21 =	sor.u32 $0x4, s8  }
0x148: {  	s19 =	sadd.s32 $0xFFFFFFF4, s8;
	[sflag:s3] =	ssyncset.done $0x0;
	s0 =	sshrl.u32 s0, $0x3  }
0x149: {  	v5 =	vmov s21;
	[sflag:s3] =	ssyncadd.s32 $0xFFFFE000;
	s0 =	sadd.s32 s4, s0;
	s3 =	simm.s32 @!p0 $0xD  }
0x14a: {  	vm4 =	veq.s32 v5, v0;
	v5 =	vmov s19;
	[hbm4b:s0+s5] =	stream.linear.scatter [tilespmem:s17], [sflag:$0x9], $0x2000, $0x38;
	[tilespmem:$0x10100] =	vst v63  }
0x14b: {  	s17 =	simm.s32 $0x0;
	v6 =	vnsel vm4, $0x0, v1;
	vm4 =	veq.s32 v5, v0;
	_ =	swait.ge @!p0 [sflag:s3], $0x2000  }
0x14c: {  	s23 =	simm.s32 $0xFFFFFFF0;
	v5 =	vmov s17;
	(xrf0) =	vadd.scan.msk.s32 $0xffff, v6;
	v6 =	vnsel vm4, $0x0, v4  }
0x14d: {  	vm4 =	veq.s32 v5, v0;
	v5 =	vmov s23;
	(xrf0) =	vadd.scan.msk.s32 $0xffff, v6  }
0x14e: {  	v6 =	vnsel vm4, $0x0, v2;
	vm4 =	veq.s32 v5, v0  }
0x14f: {  	v5 =	vnsel vm4, $0x0, v3;
	_ =	sdelay $0x1  }
0x150: {  	(xrf0) =	vadd.scan.msk.s32 $0xffff, v6  }
0x151: {  	(xrf0) =	vadd.scan.msk.s32 $0xffff, v5;
	v5, _, _ =	vpop (xrf0)  }
0x152: {  	(v2sf) =	vpush v5, $0xF;
	v5, _, _ =	vpop (xrf0)  }
0x153: {  	(v2sf) =	vpush v5, $0xF;
	_ =	sdelay $0x2  }
0x154: {  	v5, _, _ =	vpop (xrf0)  }
0x155: {  	s25 =	simm.s32 $0x1;
	(v2sf) =	vpush v5, $0xF;
	v5, _, _ =	vpop (xrf0)  }
0x156: {  	(v2sf) =	vpush v5, $0xF;
	v5 =	vmov s25  }
0x157: {  	s29 =	simm.s32 $0xFFFFFFF1;
	vm4 =	veq.s32 v5, v0  }
0x158: {  	s10 =	simm.s32 $0x2;
	v5 =	vmov s29;
	v6 =	vnsel vm4, $0x0, v2  }
0x159: {  	s11 =	simm.s32 $0xFFFFFFF2;
	vm4 =	veq.s32 v5, v0;
	v5 =	vmov s10;
	(xrf0) =	vadd.scan.msk.s32 $0xffff, v6  }
0x15a: {  	v6 =	vnsel vm4, $0x0, v3;
	vm4 =	veq.s32 v5, v0;
	v5 =	vmov s11  }
0x15b: {  	(xrf0) =	vadd.scan.msk.s32 $0xffff, v6;
	v6 =	vnsel vm4, $0x0, v2;
	vm4 =	veq.s32 v5, v0  }
0x15c: {  	v5 =	vnsel vm4, $0x0, v3;
	_ =	sdelay $0x1  }
0x15d: {  	(xrf0) =	vadd.scan.msk.s32 $0xffff, v6  }
0x15e: {  	(xrf0) =	vadd.scan.msk.s32 $0xffff, v5;
	v5, _, _ =	vpop (xrf0);
	s12 =	spop (v2sf)  }
0x15f: {  	s10 =	spop (v2sf);
	(v2sf) =	vpush v5, $0xF  }
0x160: {  	v6, _, _ =	vpop (xrf0)  }
0x161: {  	(v2sf) =	vpush v6, $0xF;
	_ =	sdelay $0x3  }
0x162: {  	[sflag:s3] =	ssyncset.done @!p0 $0x0;
	v5, _, _ =	vpop (xrf0)  }
0x163: {  	[sflag:s3] =	ssyncadd.s32 @!p0 $0xFFFFE000;
	s16 =	spop (v2sf);
	v7, _, _ =	vpop (xrf0);
	(v2sf) =	vpush v5, $0xF  }
0x164: {  	s25 =	simm.s32 $0x3;
	s0 =	sadd.s32 s10, s12;
	s23 =	spop (v2sf);
	(v2sf) =	vpush v7, $0xF  }
0x165: {  	s29 =	simm.s32 $0xFFFFFFF3;
	s0 =	sshll.u32 s0, $0xE;
	s3 =	sadd.s32 s16, s23  }
0x166: {  	v6 =	vmov s25;
	s25 =	simm.s32 $0x4;
	s19 =	sadd.s32 s9, s0;
	s11 =	sshll.u32 s3, $0x8  }
0x167: {  	vm4 =	veq.s32 v6, v0;
	s0 =	sand.u32 $0x1800, s17;
	s23 =	sshll.u32 s3, $0x7;
	s11 =	sand.u32 $0xFFFFF800, s11  }
0x168: {  	v6 =	vmov s29;
	v5 =	vnsel vm4, $0x0, v2;
	s10 =	sand.u32 $0x380, s23;
	s23 =	simm.s32 $0x0;
	s3 =	sadd.s32 s11, s19  }
.LBB2_11:
0x169: {  	p1 =	sne.s32 s25, $0x1F;
	vm4 =	veq.s32 v6, v0;
	(xrf0) =	vadd.scan.msk.s32 $0xffff, v5;
	s11 =	sand.u32 $0x380, s17;
	s3 =	sor.u32 s10, s3  }
0x16a: {  	v5 =	vnsel vm4, $0x0, v3;
	s0 =	sor.u32 s11, s0;
	s3 =	sshrl.u32 s3, $0x3  }
0x16b: {  	(xrf0) =	vadd.scan.msk.s32 $0xffff, v5;
	s10 =	spop (v2sf);
	s11 =	sadd.s32 $0x8100, s0;
	s3 =	sadd.s32 s1, s3  }
0x16c: {  	[tilespmem:s11], [sflag:$0x5] =	stream.linear.gather [hbm4b:s3+s5], $0x80, $0x38;
	[tilespmem:$0x10100] =	vst v63  }
0x16d: {  	s0 =	sadd.s32 $0x8500, s0;
	s3 =	sadd.s32 $0x80, s3;
	s11 =	spop (v2sf)  }
0x16e: {  	[tilespmem:s0], [sflag:$0x5] =	stream.linear.gather [hbm4b:s3+s5], $0x80, $0x38;
	[tilespmem:$0x10100] =	vst v63  }
.Ltmp6:
0x16f: {  	_ = 	snop;
	(pc) =	sbr.rel @p1 .LBB2_11-.Ltmp6, $4  }
0x170: {  	s17 =	sadd.s32 $0x80, s17;
	s3 =	sadd.s32 s10, s11;
	v5, _, _ =	vpop (xrf0)  }
0x171: {  	v6 =	vmov s25;
	s23 =	sadd.s32 $0x100, s23;
	s10 =	sadd.s32 $0xFFFFFFF0, s25;
	s11 =	sshll.u32 s3, $0x8;
	(v2sf) =	vpush v5, $0xF  }
0x172: {  	vm4 =	veq.s32 v6, v0;
	s0 =	sand.u32 $0x1800, s23;
	s29 =	sshll.u32 s3, $0x7;
	s11 =	sand.u32 $0xFFFFF800, s11;
	v7, _, _ =	vpop (xrf0)  }
0x173: {  	s25 =	sadd.s32 $0x1, s25;
	v6 =	vmov s10;
	v5 =	vnsel vm4, $0x0, v2;
	s10 =	sand.u32 $0x380, s29;
	s3 =	sadd.s32 s11, s19;
	(v2sf) =	vpush v7, $0xF  }
0x174: {  	vm4 =	veq.s32 v6, v0;
	(xrf0) =	vadd.scan.msk.s32 $0xffff, v5  }
0x175: {  	s11 =	sand.u32 $0x380, s17;
	s3 =	sor.u32 s10, s3;
	s12 =	spop (v2sf);
	v5 =	vnsel vm4, $0x0, v3  }
0x176: {  	s0 =	sor.u32 s11, s0;
	s3 =	sshrl.u32 s3, $0x3;
	s16 =	spop (v2sf);
	(xrf0) =	vadd.scan.msk.s32 $0xffff, v5  }
0x177: {  	s11 =	sadd.s32 $0x8100, s0;
	s3 =	sadd.s32 s1, s3;
	s25 =	sadd.s32 s12, s16  }
0x178: {  	[tilespmem:s11], [sflag:$0x5] =	stream.linear.gather [hbm4b:s3+s5], $0x80, $0x38;
	[tilespmem:$0x10100] =	vst v63  }
0x179: {  	s0 =	sadd.s32 $0x8500, s0;
	s3 =	sadd.s32 $0x80, s3;
	s11 =	sshll.u32 s25, $0x8  }
0x17a: {  	[tilespmem:s0], [sflag:$0x5] =	stream.linear.gather [hbm4b:s3+s5], $0x80, $0x38;
	v5, _, _ =	vpop (xrf0);
	[tilespmem:$0x10100] =	vst v63  }
0x17b: {  	s10 =	sadd.s32 $0x80, s17;
	s3 =	sand.u32 $0xFFFFF800, s11;
	s0 =	sshll.u32 s25, $0x7;
	(v2sf) =	vpush v5, $0xF  }
0x17c: {  	s11 =	sadd.s32 $0x100, s23;
	s3 =	sadd.s32 s3, s19;
	s0 =	sand.u32 $0x380, s0;
	v5, _, _ =	vpop (xrf0)  }
0x17d: {  	s16 =	sand.u32 $0x380, s10;
	s12 =	sand.u32 $0x1800, s11;
	s0 =	sor.u32 s0, s3;
	(v2sf) =	vpush v5, $0xF  }
0x17e: {  	s25 =	sor.u32 s16, s12;
	s0 =	sshrl.u32 s0, $0x3  }
0x17f: {  	s23 =	sadd.s32 $0x8100, s25;
	s0 =	sadd.s32 s1, s0  }
0x180: {  	[tilespmem:s23], [sflag:$0x5] =	stream.linear.gather [hbm4b:s0+s5], $0x80, $0x38;
	[tilespmem:$0x10100] =	vst v63  }
0x181: {  	s3 =	sadd.s32 $0x8500, s25;
	s0 =	sadd.s32 $0x80, s0;
	s12 =	spop (v2sf)  }
0x182: {  	[tilespmem:s3], [sflag:$0x5] =	stream.linear.gather [hbm4b:s0+s5], $0x80, $0x38;
	[tilespmem:$0x10100] =	vst v63  }
0x183: {  	s16 =	spop (v2sf)  }
0x184: {  	s23 =	sadd.s32 s12, s16  }
0x185: {  	s25 =	sshll.u32 s23, $0x8  }
0x186: {  	s10 =	sadd.s32 $0x80, s10;
	s0 =	sshll.u32 s23, $0x7;
	s3 =	sand.u32 $0xFFFFF800, s25  }
0x187: {  	s11 =	sadd.s32 $0x100, s11;
	s0 =	sand.u32 $0x380, s0;
	s3 =	sadd.s32 s3, s19  }
0x188: {  	s12 =	sand.u32 $0x1800, s11;
	s16 =	sand.u32 $0x380, s10;
	s0 =	sor.u32 s0, s3  }
0x189: {  	s25 =	sor.u32 s16, s12;
	s0 =	sshrl.u32 s0, $0x3  }
0x18a: {  	s23 =	sadd.s32 $0x8100, s25;
	s0 =	sadd.s32 s1, s0;
	s12 =	spop (v2sf)  }
0x18b: {  	[tilespmem:s23], [sflag:$0x5] =	stream.linear.gather [hbm4b:s0+s5], $0x80, $0x38;
	[tilespmem:$0x10100] =	vst v63  }
0x18c: {  	s3 =	sadd.s32 $0x8500, s25;
	s0 =	sadd.s32 $0x80, s0;
	s16 =	spop (v2sf)  }
0x18d: {  	[tilespmem:s3], [sflag:$0x5] =	stream.linear.gather [hbm4b:s0+s5], $0x80, $0x38;
	[tilespmem:$0x10100] =	vst v63  }
0x18e: {  	s23 =	sadd.s32 s12, s16  }
0x18f: {  	s25 =	sshll.u32 s23, $0x8  }
0x190: {  	s10 =	sadd.s32 $0x80, s10;
	s0 =	sshll.u32 s23, $0x7;
	s3 =	sand.u32 $0xFFFFF800, s25  }
0x191: {  	s11 =	sadd.s32 $0x100, s11;
	s0 =	sand.u32 $0x380, s0;
	s3 =	sadd.s32 s3, s19  }
0x192: {  	s11 =	sand.u32 $0x1800, s11;
	s10 =	sand.u32 $0x380, s10;
	s0 =	sor.u32 s0, s3  }
0x193: {  	s11 =	sor.u32 s10, s11;
	s0 =	sshrl.u32 s0, $0x3  }
0x194: {  	s10 =	sadd.s32 $0x8100, s11;
	s0 =	sadd.s32 s1, s0  }
0x195: {  	[tilespmem:s10], [sflag:$0x5] =	stream.linear.gather [hbm4b:s0+s5], $0x80, $0x38;
	[tilespmem:$0x10100] =	vst v63  }
0x196: {  	s3 =	sadd.s32 $0x8500, s11;
	s0 =	sadd.s32 $0x80, s0  }
0x197: {  	[tilespmem:s3], [sflag:$0x5] =	stream.linear.gather [hbm4b:s0+s5], $0x80, $0x38;
	[tilespmem:$0x10100] =	vst v63  }
0x198: {  	_ =	swait.ge [sflag:s18], $0x2000  }
0x199: {  	s12 =	rddreg [dreg:$0x6]  }
0x19a: {  	s17 =	sadd.s32 $0xFFFFFFF5, s8;
	s16 =	simm.s32 $0x2100;
	s0 =	sor.u32 s12, s13  }
0x19b: {  	s19 =	sor.u32 $0x5, s8;
	[sflag:s18] =	ssyncset.done $0x0;
	s0 =	sshrl.u32 s0, $0x3  }
0x19c: {  	v5 =	vmov s19;
	s3 =	simm.s32 @!p0 $0xE;
	[sflag:s18] =	ssyncadd.s32 $0xFFFFE000;
	s0 =	sadd.s32 s4, s0  }
0x19d: {  	vm4 =	veq.s32 v5, v0;
	v5 =	vmov s17;
	[hbm4b:s0+s5] =	stream.linear.scatter [tilespmem:s16], [sflag:$0xA], $0x2000, $0x38;
	[tilespmem:$0x10100] =	vst v63  }
0x19e: {  	s17 =	simm.s32 $0x0;
	v6 =	vnsel vm4, $0x0, v1;
	vm4 =	veq.s32 v5, v0;
	_ =	swait.ge @!p0 [sflag:s3], $0x2000  }
0x19f: {  	s23 =	simm.s32 $0xFFFFFFF0;
	v5 =	vmov s17;
	(xrf0) =	vadd.scan.msk.s32 $0xffff, v6;
	v6 =	vnsel vm4, $0x0, v4  }
0x1a0: {  	vm4 =	veq.s32 v5, v0;
	v5 =	vmov s23;
	(xrf0) =	vadd.scan.msk.s32 $0xffff, v6  }
0x1a1: {  	v6 =	vnsel vm4, $0x0, v2;
	vm4 =	veq.s32 v5, v0  }
0x1a2: {  	v5 =	vnsel vm4, $0x0, v3;
	_ =	sdelay $0x1  }
0x1a3: {  	(xrf0) =	vadd.scan.msk.s32 $0xffff, v6  }
0x1a4: {  	(xrf0) =	vadd.scan.msk.s32 $0xffff, v5;
	v5, _, _ =	vpop (xrf0)  }
0x1a5: {  	(v2sf) =	vpush v5, $0xF;
	v5, _, _ =	vpop (xrf0)  }
0x1a6: {  	(v2sf) =	vpush v5, $0xF;
	_ =	sdelay $0x2  }
0x1a7: {  	v5, _, _ =	vpop (xrf0)  }
0x1a8: {  	s25 =	simm.s32 $0x1;
	(v2sf) =	vpush v5, $0xF;
	v5, _, _ =	vpop (xrf0)  }
0x1a9: {  	(v2sf) =	vpush v5, $0xF;
	v5 =	vmov s25  }
0x1aa: {  	s10 =	simm.s32 $0xFFFFFFF1;
	vm4 =	veq.s32 v5, v0  }
0x1ab: {  	s11 =	simm.s32 $0x2;
	v5 =	vmov s10;
	v6 =	vnsel vm4, $0x0, v2  }
0x1ac: {  	s12 =	simm.s32 $0xFFFFFFF2;
	vm4 =	veq.s32 v5, v0;
	v5 =	vmov s11;
	(xrf0) =	vadd.scan.msk.s32 $0xffff, v6  }
0x1ad: {  	v6 =	vnsel vm4, $0x0, v3;
	vm4 =	veq.s32 v5, v0;
	v5 =	vmov s12  }
0x1ae: {  	(xrf0) =	vadd.scan.msk.s32 $0xffff, v6;
	v6 =	vnsel vm4, $0x0, v2;
	vm4 =	veq.s32 v5, v0  }
0x1af: {  	v5 =	vnsel vm4, $0x0, v3;
	_ =	sdelay $0x1  }
0x1b0: {  	(xrf0) =	vadd.scan.msk.s32 $0xffff, v6  }
0x1b1: {  	(xrf0) =	vadd.scan.msk.s32 $0xffff, v5;
	v5, _, _ =	vpop (xrf0);
	s16 =	spop (v2sf)  }
0x1b2: {  	s23 =	spop (v2sf);
	(v2sf) =	vpush v5, $0xF  }
0x1b3: {  	v6, _, _ =	vpop (xrf0)  }
0x1b4: {  	(v2sf) =	vpush v6, $0xF;
	_ =	sdelay $0x3  }
0x1b5: {  	v5, _, _ =	vpop (xrf0)  }
0x1b6: {  	s29 =	simm.s32 $0x4;
	[sflag:s3] =	ssyncset.done @!p0 $0x0;
	s25 =	spop (v2sf);
	v7, _, _ =	vpop (xrf0);
	(v2sf) =	vpush v5, $0xF  }
0x1b7: {  	[sflag:s3] =	ssyncadd.s32 @!p0 $0xFFFFE000;
	s0 =	sadd.s32 s23, s16;
	s11 =	spop (v2sf);
	(v2sf) =	vpush v7, $0xF  }
0x1b8: {  	s12 =	simm.s32 $0x3;
	s0 =	sshll.u32 s0, $0xE;
	s3 =	sadd.s32 s25, s11  }
0x1b9: {  	v6 =	vmov s12;
	s16 =	simm.s32 $0xFFFFFFF3;
	s23 =	sadd.s32 s9, s0;
	s25 =	sshll.u32 s3, $0x8  }
0x1ba: {  	vm4 =	veq.s32 v6, v0;
	s0 =	sand.u32 $0x1800, s17;
	s11 =	sand.u32 $0xFFFFF800, s25;
	s25 =	sshll.u32 s3, $0x7  }
0x1bb: {  	v6 =	vmov s16;
	v5 =	vnsel vm4, $0x0, v2;
	s3 =	sadd.s32 s11, s23;
	s10 =	sand.u32 $0x380, s25;
	s25 =	simm.s32 $0x0  }
.LBB2_13:
0x1bc: {  	p1 =	sne.s32 s29, $0x1F;
	vm4 =	veq.s32 v6, v0;
	(xrf0) =	vadd.scan.msk.s32 $0xffff, v5;
	s11 =	sand.u32 $0x380, s17;
	s3 =	sor.u32 s10, s3  }
0x1bd: {  	v5 =	vnsel vm4, $0x0, v3;
	s0 =	sor.u32 s11, s0;
	s3 =	sshrl.u32 s3, $0x3  }
0x1be: {  	(xrf0) =	vadd.scan.msk.s32 $0xffff, v5;
	s10 =	spop (v2sf);
	s11 =	sadd.s32 $0xA100, s0;
	s3 =	sadd.s32 s1, s3  }
0x1bf: {  	[tilespmem:s11], [sflag:$0x6] =	stream.linear.gather [hbm4b:s3+s5], $0x80, $0x38;
	[tilespmem:$0x10100] =	vst v63  }
0x1c0: {  	s0 =	sadd.s32 $0xA500, s0;
	s3 =	sadd.s32 $0x80, s3;
	s11 =	spop (v2sf)  }
0x1c1: {  	[tilespmem:s0], [sflag:$0x6] =	stream.linear.gather [hbm4b:s3+s5], $0x80, $0x38;
	[tilespmem:$0x10100] =	vst v63  }
.Ltmp7:
0x1c2: {  	_ = 	snop;
	(pc) =	sbr.rel @p1 .LBB2_13-.Ltmp7, $4  }
0x1c3: {  	s17 =	sadd.s32 $0x80, s17;
	s3 =	sadd.s32 s10, s11;
	v5, _, _ =	vpop (xrf0)  }
0x1c4: {  	v6 =	vmov s29;
	s25 =	sadd.s32 $0x100, s25;
	s10 =	sadd.s32 $0xFFFFFFF0, s29;
	s11 =	sshll.u32 s3, $0x8;
	(v2sf) =	vpush v5, $0xF  }
0x1c5: {  	vm4 =	veq.s32 v6, v0;
	s0 =	sand.u32 $0x1800, s25;
	s12 =	sshll.u32 s3, $0x7;
	s11 =	sand.u32 $0xFFFFF800, s11;
	v7, _, _ =	vpop (xrf0)  }
0x1c6: {  	s29 =	sadd.s32 $0x1, s29;
	v6 =	vmov s10;
	v5 =	vnsel vm4, $0x0, v2;
	s10 =	sand.u32 $0x380, s12;
	s3 =	sadd.s32 s11, s23;
	(v2sf) =	vpush v7, $0xF  }
0x1c7: {  	vm4 =	veq.s32 v6, v0;
	(xrf0) =	vadd.scan.msk.s32 $0xffff, v5  }
0x1c8: {  	s11 =	sand.u32 $0x380, s17;
	s3 =	sor.u32 s10, s3;
	s16 =	spop (v2sf);
	v5 =	vnsel vm4, $0x0, v3  }
0x1c9: {  	s0 =	sor.u32 s11, s0;
	s3 =	sshrl.u32 s3, $0x3;
	s12 =	spop (v2sf);
	(xrf0) =	vadd.scan.msk.s32 $0xffff, v5  }
0x1ca: {  	s11 =	sadd.s32 $0xA100, s0;
	s3 =	sadd.s32 s1, s3;
	s16 =	sadd.s32 s16, s12  }
0x1cb: {  	[tilespmem:s11], [sflag:$0x6] =	stream.linear.gather [hbm4b:s3+s5], $0x80, $0x38;
	[tilespmem:$0x10100] =	vst v63  }
0x1cc: {  	s0 =	sadd.s32 $0xA500, s0;
	s3 =	sadd.s32 $0x80, s3;
	s11 =	sshll.u32 s16, $0x8  }
0x1cd: {  	[tilespmem:s0], [sflag:$0x6] =	stream.linear.gather [hbm4b:s3+s5], $0x80, $0x38;
	v5, _, _ =	vpop (xrf0);
	[tilespmem:$0x10100] =	vst v63  }
0x1ce: {  	s10 =	sadd.s32 $0x80, s17;
	s3 =	sand.u32 $0xFFFFF800, s11;
	s0 =	sshll.u32 s16, $0x7;
	(v2sf) =	vpush v5, $0xF  }
0x1cf: {  	s11 =	sadd.s32 $0x100, s25;
	s3 =	sadd.s32 s3, s23;
	s0 =	sand.u32 $0x380, s0;
	v5, _, _ =	vpop (xrf0)  }
0x1d0: {  	s17 =	sand.u32 $0x380, s10;
	s12 =	sand.u32 $0x1800, s11;
	s0 =	sor.u32 s0, s3;
	(v2sf) =	vpush v5, $0xF  }
0x1d1: {  	s12 =	sor.u32 s17, s12;
	s0 =	sshrl.u32 s0, $0x3  }
0x1d2: {  	s17 =	sadd.s32 $0xA100, s12;
	s0 =	sadd.s32 s1, s0  }
0x1d3: {  	[tilespmem:s17], [sflag:$0x6] =	stream.linear.gather [hbm4b:s0+s5], $0x80, $0x38;
	[tilespmem:$0x10100] =	vst v63  }
0x1d4: {  	s3 =	sadd.s32 $0xA500, s12;
	s0 =	sadd.s32 $0x80, s0;
	s16 =	spop (v2sf)  }
0x1d5: {  	[tilespmem:s3], [sflag:$0x6] =	stream.linear.gather [hbm4b:s0+s5], $0x80, $0x38;
	[tilespmem:$0x10100] =	vst v63  }
0x1d6: {  	s25 =	spop (v2sf)  }
0x1d7: {  	s12 =	sadd.s32 s16, s25  }
0x1d8: {  	s16 =	sshll.u32 s12, $0x8  }
0x1d9: {  	s10 =	sadd.s32 $0x80, s10;
	s0 =	sshll.u32 s12, $0x7;
	s3 =	sand.u32 $0xFFFFF800, s16  }
0x1da: {  	s11 =	sadd.s32 $0x100, s11;
	s0 =	sand.u32 $0x380, s0;
	s3 =	sadd.s32 s3, s23  }
0x1db: {  	s17 =	sand.u32 $0x1800, s11;
	s25 =	sand.u32 $0x380, s10;
	s0 =	sor.u32 s0, s3  }
0x1dc: {  	s12 =	sor.u32 s25, s17;
	s0 =	sshrl.u32 s0, $0x3  }
0x1dd: {  	s17 =	sadd.s32 $0xA100, s12;
	s0 =	sadd.s32 s1, s0;
	s25 =	spop (v2sf)  }
0x1de: {  	[tilespmem:s17], [sflag:$0x6] =	stream.linear.gather [hbm4b:s0+s5], $0x80, $0x38;
	[tilespmem:$0x10100] =	vst v63  }
0x1df: {  	s3 =	sadd.s32 $0xA500, s12;
	s0 =	sadd.s32 $0x80, s0;
	s16 =	spop (v2sf)  }
0x1e0: {  	[tilespmem:s3], [sflag:$0x6] =	stream.linear.gather [hbm4b:s0+s5], $0x80, $0x38;
	[tilespmem:$0x10100] =	vst v63  }
0x1e1: {  	s25 =	sadd.s32 s25, s16  }
0x1e2: {  	s12 =	sshll.u32 s25, $0x8  }
0x1e3: {  	s11 =	sadd.s32 $0x100, s11;
	s0 =	sshll.u32 s25, $0x7;
	s3 =	sand.u32 $0xFFFFF800, s12  }
0x1e4: {  	s10 =	sadd.s32 $0x80, s10;
	s0 =	sand.u32 $0x380, s0;
	s3 =	sadd.s32 s3, s23  }
0x1e5: {  	s11 =	sand.u32 $0x1800, s11;
	s10 =	sand.u32 $0x380, s10;
	s0 =	sor.u32 s0, s3  }
0x1e6: {  	s16 =	sor.u32 s10, s11;
	s0 =	sshrl.u32 s0, $0x3  }
0x1e7: {  	s10 =	sadd.s32 $0xA100, s16;
	s0 =	sadd.s32 s1, s0  }
0x1e8: {  	[tilespmem:s10], [sflag:$0x6] =	stream.linear.gather [hbm4b:s0+s5], $0x80, $0x38;
	[tilespmem:$0x10100] =	vst v63  }
0x1e9: {  	s3 =	sadd.s32 $0xA500, s16;
	s0 =	sadd.s32 $0x80, s0  }
0x1ea: {  	[tilespmem:s3], [sflag:$0x6] =	stream.linear.gather [hbm4b:s0+s5], $0x80, $0x38;
	[tilespmem:$0x10100] =	vst v63  }
0x1eb: {  	_ =	swait.ge [sflag:s20], $0x2000  }
0x1ec: {  	s17 =	rddreg [dreg:$0x7]  }
0x1ed: {  	s25 =	sadd.s32 $0xFFFFFFF6, s8;
	s23 =	simm.s32 $0x4100;
	s0 =	sor.u32 s17, s13  }
0x1ee: {  	[sflag:s20] =	ssyncset.done $0x0;
	s17 =	sor.u32 $0x6, s8;
	s0 =	sshrl.u32 s0, $0x3  }
0x1ef: {  	s3 =	simm.s32 @!p0 $0xF;
	[sflag:s20] =	ssyncadd.s32 $0xFFFFE000;
	v5 =	vmov s17;
	s0 =	sadd.s32 s4, s0  }
0x1f0: {  	vm4 =	veq.s32 v5, v0;
	v5 =	vmov s25;
	[hbm4b:s0+s5] =	stream.linear.scatter [tilespmem:s23], [sflag:$0xB], $0x2000, $0x38;
	[tilespmem:$0x10100] =	vst v63  }
0x1f1: {  	s23 =	simm.s32 $0x0;
	v6 =	vnsel vm4, $0x0, v1;
	vm4 =	veq.s32 v5, v0;
	_ =	swait.ge @!p0 [sflag:s3], $0x2000  }
0x1f2: {  	s10 =	simm.s32 $0xFFFFFFF0;
	v5 =	vmov s23;
	(xrf0) =	vadd.scan.msk.s32 $0xffff, v6;
	v6 =	vnsel vm4, $0x0, v4  }
0x1f3: {  	vm4 =	veq.s32 v5, v0;
	v5 =	vmov s10;
	(xrf0) =	vadd.scan.msk.s32 $0xffff, v6  }
0x1f4: {  	v6 =	vnsel vm4, $0x0, v2;
	vm4 =	veq.s32 v5, v0  }
0x1f5: {  	v5 =	vnsel vm4, $0x0, v3;
	_ =	sdelay $0x1  }
0x1f6: {  	(xrf0) =	vadd.scan.msk.s32 $0xffff, v6  }
0x1f7: {  	(xrf0) =	vadd.scan.msk.s32 $0xffff, v5;
	v5, _, _ =	vpop (xrf0)  }
0x1f8: {  	(v2sf) =	vpush v5, $0xF;
	v5, _, _ =	vpop (xrf0)  }
0x1f9: {  	(v2sf) =	vpush v5, $0xF;
	_ =	sdelay $0x2  }
0x1fa: {  	v5, _, _ =	vpop (xrf0)  }
0x1fb: {  	s11 =	simm.s32 $0x1;
	(v2sf) =	vpush v5, $0xF;
	v5, _, _ =	vpop (xrf0)  }
0x1fc: {  	(v2sf) =	vpush v5, $0xF;
	v5 =	vmov s11  }
0x1fd: {  	s12 =	simm.s32 $0xFFFFFFF1;
	vm4 =	veq.s32 v5, v0  }
0x1fe: {  	s16 =	simm.s32 $0x2;
	v5 =	vmov s12;
	v6 =	vnsel vm4, $0x0, v2  }
0x1ff: {  	s25 =	simm.s32 $0xFFFFFFF2;
	vm4 =	veq.s32 v5, v0;
	v5 =	vmov s16;
	(xrf0) =	vadd.scan.msk.s32 $0xffff, v6  }
0x200: {  	v6 =	vnsel vm4, $0x0, v3;
	vm4 =	veq.s32 v5, v0;
	v5 =	vmov s25  }
0x201: {  	(xrf0) =	vadd.scan.msk.s32 $0xffff, v6;
	v6 =	vnsel vm4, $0x0, v2;
	vm4 =	veq.s32 v5, v0  }
0x202: {  	v5 =	vnsel vm4, $0x0, v3;
	_ =	sdelay $0x1  }
0x203: {  	(xrf0) =	vadd.scan.msk.s32 $0xffff, v6  }
0x204: {  	(xrf0) =	vadd.scan.msk.s32 $0xffff, v5;
	v5, _, _ =	vpop (xrf0);
	s10 =	spop (v2sf)  }
0x205: {  	s11 =	spop (v2sf);
	(v2sf) =	vpush v5, $0xF  }
0x206: {  	v6, _, _ =	vpop (xrf0)  }
0x207: {  	(v2sf) =	vpush v6, $0xF;
	_ =	sdelay $0x3  }
0x208: {  	[sflag:s3] =	ssyncset.done @!p0 $0x0;
	v5, _, _ =	vpop (xrf0)  }
0x209: {  	[sflag:s3] =	ssyncadd.s32 @!p0 $0xFFFFE000;
	s12 =	spop (v2sf);
	v7, _, _ =	vpop (xrf0);
	(v2sf) =	vpush v5, $0xF  }
0x20a: {  	s3 =	sand.u32 $0x1800, s23;
	s0 =	sadd.s32 s11, s10;
	s16 =	spop (v2sf);
	(v2sf) =	vpush v7, $0xF  }
0x20b: {  	s11 =	simm.s32 $0x3;
	s0 =	sshll.u32 s0, $0xE;
	s10 =	sadd.s32 s12, s16  }
0x20c: {  	v6 =	vmov s11;
	s11 =	simm.s32 $0xFFFFFFF3;
	s25 =	sadd.s32 s9, s0;
	s12 =	sshll.u32 s10, $0x8  }
0x20d: {  	vm4 =	veq.s32 v6, v0;
	s0 =	simm.s32 $0x4;
	s29 =	sshll.u32 s10, $0x7;
	s16 =	sand.u32 $0xFFFFF800, s12  }
0x20e: {  	v6 =	vmov s11;
	v5 =	vnsel vm4, $0x0, v2;
	s11 =	sand.u32 $0x380, s29;
	s29 =	simm.s32 $0x0;
	s10 =	sadd.s32 s16, s25  }
.LBB2_15:
0x20f: {  	p1 =	sne.s32 s0, $0x1F;
	vm4 =	veq.s32 v6, v0;
	(xrf0) =	vadd.scan.msk.s32 $0xffff, v5;
	s12 =	sand.u32 $0x380, s23;
	s10 =	sor.u32 s11, s10  }
0x210: {  	v5 =	vnsel vm4, $0x0, v3;
	s3 =	sor.u32 s12, s3;
	s10 =	sshrl.u32 s10, $0x3  }
0x211: {  	(xrf0) =	vadd.scan.msk.s32 $0xffff, v5;
	s11 =	spop (v2sf);
	s12 =	sadd.s32 $0xC100, s3;
	s10 =	sadd.s32 s1, s10  }
0x212: {  	[tilespmem:s12], [sflag:$0x7] =	stream.linear.gather [hbm4b:s10+s5], $0x80, $0x38;
	[tilespmem:$0x10100] =	vst v63  }
0x213: {  	s3 =	sadd.s32 $0xC500, s3;
	s10 =	sadd.s32 $0x80, s10;
	s12 =	spop (v2sf)  }
0x214: {  	[tilespmem:s3], [sflag:$0x7] =	stream.linear.gather [hbm4b:s10+s5], $0x80, $0x38;
	[tilespmem:$0x10100] =	vst v63  }
.Ltmp8:
0x215: {  	_ = 	snop;
	(pc) =	sbr.rel @p1 .LBB2_15-.Ltmp8, $4  }
0x216: {  	s23 =	sadd.s32 $0x80, s23;
	s10 =	sadd.s32 s11, s12;
	v5, _, _ =	vpop (xrf0)  }
0x217: {  	v6 =	vmov s0;
	s29 =	sadd.s32 $0x100, s29;
	s11 =	sadd.s32 $0xFFFFFFF0, s0;
	s12 =	sshll.u32 s10, $0x8;
	(v2sf) =	vpush v5, $0xF  }
0x218: {  	vm4 =	veq.s32 v6, v0;
	s3 =	sand.u32 $0x1800, s29;
	s16 =	sshll.u32 s10, $0x7;
	s12 =	sand.u32 $0xFFFFF800, s12;
	v7, _, _ =	vpop (xrf0)  }
0x219: {  	s0 =	sadd.s32 $0x1, s0;
	v6 =	vmov s11;
	v5 =	vnsel vm4, $0x0, v2;
	s11 =	sand.u32 $0x380, s16;
	s10 =	sadd.s32 s12, s25;
	(v2sf) =	vpush v7, $0xF  }
0x21a: {  	vm4 =	veq.s32 v6, v0;
	(xrf0) =	vadd.scan.msk.s32 $0xffff, v5;
	s0 =	sand.u32 $0x380, s23;
	s10 =	sor.u32 s11, s10  }
0x21b: {  	v5 =	vnsel vm4, $0x0, v3;
	s0 =	sor.u32 s0, s3;
	s11 =	sshrl.u32 s10, $0x3;
	s10 =	spop (v2sf)  }
0x21c: {  	(xrf0) =	vadd.scan.msk.s32 $0xffff, v5;
	s12 =	sadd.s32 $0xC100, s0;
	s3 =	sadd.s32 s1, s11;
	s16 =	spop (v2sf)  }
0x21d: {  	[tilespmem:s12], [sflag:$0x7] =	stream.linear.gather [hbm4b:s3+s5], $0x80, $0x38;
	[tilespmem:$0x10100] =	vst v63  }
0x21e: {  	s12 =	sadd.s32 s10, s16  }
0x21f: {  	s0 =	sadd.s32 $0xC500, s0;
	s3 =	sadd.s32 $0x80, s3;
	s16 =	sshll.u32 s12, $0x8  }
0x220: {  	[tilespmem:s0], [sflag:$0x7] =	stream.linear.gather [hbm4b:s3+s5], $0x80, $0x38;
	v5, _, _ =	vpop (xrf0);
	[tilespmem:$0x10100] =	vst v63  }
0x221: {  	s11 =	sadd.s32 $0x100, s29;
	s3 =	sand.u32 $0xFFFFF800, s16;
	s0 =	sshll.u32 s12, $0x7;
	(v2sf) =	vpush v5, $0xF  }
0x222: {  	s10 =	sadd.s32 $0x80, s23;
	s3 =	sadd.s32 s3, s25;
	s0 =	sand.u32 $0x380, s0;
	v5, _, _ =	vpop (xrf0)  }
0x223: {  	s12 =	sand.u32 $0x1800, s11;
	s16 =	sand.u32 $0x380, s10;
	s0 =	sor.u32 s0, s3;
	(v2sf) =	vpush v5, $0xF  }
0x224: {  	s3 =	sor.u32 s16, s12;
	s0 =	sshrl.u32 s0, $0x3  }
0x225: {  	s16 =	sadd.s32 $0xC100, s3;
	s0 =	sadd.s32 s1, s0  }
0x226: {  	[tilespmem:s16], [sflag:$0x7] =	stream.linear.gather [hbm4b:s0+s5], $0x80, $0x38;
	[tilespmem:$0x10100] =	vst v63  }
0x227: {  	s3 =	sadd.s32 $0xC500, s3;
	s0 =	sadd.s32 $0x80, s0;
	s12 =	spop (v2sf)  }
0x228: {  	[tilespmem:s3], [sflag:$0x7] =	stream.linear.gather [hbm4b:s0+s5], $0x80, $0x38;
	[tilespmem:$0x10100] =	vst v63  }
0x229: {  	s23 =	spop (v2sf)  }
0x22a: {  	s23 =	sadd.s32 s12, s23  }
0x22b: {  	s12 =	sshll.u32 s23, $0x8  }
0x22c: {  	s10 =	sadd.s32 $0x80, s10;
	s0 =	sshll.u32 s23, $0x7;
	s3 =	sand.u32 $0xFFFFF800, s12  }
0x22d: {  	s11 =	sadd.s32 $0x100, s11;
	s0 =	sand.u32 $0x380, s0;
	s3 =	sadd.s32 s3, s25  }
0x22e: {  	s16 =	sand.u32 $0x1800, s11;
	s23 =	sand.u32 $0x380, s10;
	s0 =	sor.u32 s0, s3  }
0x22f: {  	s3 =	sor.u32 s23, s16;
	s0 =	sshrl.u32 s0, $0x3  }
0x230: {  	s16 =	sadd.s32 $0xC100, s3;
	s0 =	sadd.s32 s1, s0;
	s12 =	spop (v2sf)  }
0x231: {  	[tilespmem:s16], [sflag:$0x7] =	stream.linear.gather [hbm4b:s0+s5], $0x80, $0x38;
	[tilespmem:$0x10100] =	vst v63  }
0x232: {  	s3 =	sadd.s32 $0xC500, s3;
	s0 =	sadd.s32 $0x80, s0;
	s23 =	spop (v2sf)  }
0x233: {  	[tilespmem:s3], [sflag:$0x7] =	stream.linear.gather [hbm4b:s0+s5], $0x80, $0x38;
	[tilespmem:$0x10100] =	vst v63  }
0x234: {  	s23 =	sadd.s32 s12, s23  }
0x235: {  	s12 =	sshll.u32 s23, $0x8  }
0x236: {  	s11 =	sadd.s32 $0x100, s11;
	s0 =	sshll.u32 s23, $0x7;
	s3 =	sand.u32 $0xFFFFF800, s12  }
0x237: {  	s10 =	sadd.s32 $0x80, s10;
	s0 =	sand.u32 $0x380, s0;
	s3 =	sadd.s32 s3, s25  }
0x238: {  	s11 =	sand.u32 $0x1800, s11;
	s10 =	sand.u32 $0x380, s10;
	s0 =	sor.u32 s0, s3  }
0x239: {  	s16 =	sor.u32 s10, s11;
	s0 =	sshrl.u32 s0, $0x3  }
0x23a: {  	s10 =	sadd.s32 $0xC100, s16;
	s0 =	sadd.s32 s1, s0  }
0x23b: {  	[tilespmem:s10], [sflag:$0x7] =	stream.linear.gather [hbm4b:s0+s5], $0x80, $0x38;
	[tilespmem:$0x10100] =	vst v63  }
0x23c: {  	s3 =	sadd.s32 $0xC500, s16;
	s0 =	sadd.s32 $0x80, s0  }
0x23d: {  	[tilespmem:s3], [sflag:$0x7] =	stream.linear.gather [hbm4b:s0+s5], $0x80, $0x38;
	[tilespmem:$0x10100] =	vst v63  }
0x23e: {  	_ =	swait.ge [sflag:s22], $0x2000  }
0x23f: {  	s23 =	rddreg [dreg:$0x8]  }
0x240: {  	s25 =	simm.s32 $0x6100;
	s10 =	sadd.s32 $0xFFFFFFF7, s8;
	s0 =	sor.u32 s23, s13  }
0x241: {  	[sflag:s22] =	ssyncset.done $0x0;
	s13 =	sor.u32 $0x7, s8;
	s0 =	sshrl.u32 s0, $0x3  }
0x242: {  	s3 =	simm.s32 @!p0 $0x10;
	[sflag:s22] =	ssyncadd.s32 $0xFFFFE000;
	v5 =	vmov s13;
	s0 =	sadd.s32 s4, s0  }
0x243: {  	vm4 =	veq.s32 v5, v0;
	v5 =	vmov s10;
	[hbm4b:s0+s5] =	stream.linear.scatter [tilespmem:s25], [sflag:$0xC], $0x2000, $0x38;
	[tilespmem:$0x10100] =	vst v63  }
0x244: {  	s23 =	simm.s32 $0x0;
	v6 =	vnsel vm4, $0x0, v1;
	vm4 =	veq.s32 v5, v0;
	_ =	swait.ge @!p0 [sflag:s3], $0x2000  }
0x245: {  	s11 =	simm.s32 $0xFFFFFFF0;
	v5 =	vmov s23;
	(xrf0) =	vadd.scan.msk.s32 $0xffff, v6;
	v6 =	vnsel vm4, $0x0, v4  }
0x246: {  	vm4 =	veq.s32 v5, v0;
	v5 =	vmov s11;
	(xrf0) =	vadd.scan.msk.s32 $0xffff, v6  }
0x247: {  	v6 =	vnsel vm4, $0x0, v2;
	vm4 =	veq.s32 v5, v0  }
0x248: {  	v5 =	vnsel vm4, $0x0, v3;
	_ =	sdelay $0x1  }
0x249: {  	(xrf0) =	vadd.scan.msk.s32 $0xffff, v6  }
0x24a: {  	(xrf0) =	vadd.scan.msk.s32 $0xffff, v5;
	v5, _, _ =	vpop (xrf0)  }
0x24b: {  	(v2sf) =	vpush v5, $0xF;
	v5, _, _ =	vpop (xrf0)  }
0x24c: {  	(v2sf) =	vpush v5, $0xF;
	_ =	sdelay $0x2  }
0x24d: {  	v5, _, _ =	vpop (xrf0)  }
0x24e: {  	s12 =	simm.s32 $0x1;
	(v2sf) =	vpush v5, $0xF;
	v5, _, _ =	vpop (xrf0)  }
0x24f: {  	(v2sf) =	vpush v5, $0xF;
	v5 =	vmov s12  }
0x250: {  	s16 =	simm.s32 $0xFFFFFFF1;
	vm4 =	veq.s32 v5, v0  }
0x251: {  	s25 =	simm.s32 $0x2;
	v5 =	vmov s16;
	v6 =	vnsel vm4, $0x0, v2  }
0x252: {  	s10 =	simm.s32 $0xFFFFFFF2;
	vm4 =	veq.s32 v5, v0;
	v5 =	vmov s25;
	(xrf0) =	vadd.scan.msk.s32 $0xffff, v6  }
0x253: {  	v6 =	vnsel vm4, $0x0, v3;
	vm4 =	veq.s32 v5, v0;
	v5 =	vmov s10  }
0x254: {  	(xrf0) =	vadd.scan.msk.s32 $0xffff, v6;
	v6 =	vnsel vm4, $0x0, v2;
	vm4 =	veq.s32 v5, v0  }
0x255: {  	v5 =	vnsel vm4, $0x0, v3;
	_ =	sdelay $0x1  }
0x256: {  	(xrf0) =	vadd.scan.msk.s32 $0xffff, v6  }
0x257: {  	(xrf0) =	vadd.scan.msk.s32 $0xffff, v5;
	v5, _, _ =	vpop (xrf0);
	s11 =	spop (v2sf)  }
0x258: {  	s12 =	spop (v2sf);
	(v2sf) =	vpush v5, $0xF  }
0x259: {  	v6, _, _ =	vpop (xrf0)  }
0x25a: {  	(v2sf) =	vpush v6, $0xF;
	_ =	sdelay $0x3  }
0x25b: {  	v5, _, _ =	vpop (xrf0)  }
0x25c: {  	s29 =	simm.s32 $0x0;
	[sflag:s3] =	ssyncset.done @!p0 $0x0;
	s16 =	spop (v2sf);
	v7, _, _ =	vpop (xrf0);
	(v2sf) =	vpush v5, $0xF  }
0x25d: {  	[sflag:s3] =	ssyncadd.s32 @!p0 $0xFFFFE000;
	s0 =	sadd.s32 s12, s11;
	s11 =	spop (v2sf);
	(v2sf) =	vpush v7, $0xF  }
0x25e: {  	s12 =	simm.s32 $0x3;
	s0 =	sshll.u32 s0, $0xE;
	s10 =	sadd.s32 s16, s11  }
0x25f: {  	s3 =	sand.u32 $0x1800, s23;
	v6 =	vmov s12;
	s25 =	sadd.s32 s9, s0;
	s16 =	sshll.u32 s10, $0x8  }
0x260: {  	s11 =	simm.s32 $0xFFFFFFF3;
	vm4 =	veq.s32 v6, v0;
	s12 =	sand.u32 $0xFFFFF800, s16;
	s16 =	sshll.u32 s10, $0x7  }
0x261: {  	s0 =	simm.s32 $0x4;
	v5 =	vnsel vm4, $0x0, v2;
	v6 =	vmov s11;
	s10 =	sadd.s32 s12, s25;
	s11 =	sand.u32 $0x380, s16  }
.LBB2_17:
0x262: {  	p0 =	sne.s32 s0, $0x1F;
	vm4 =	veq.s32 v6, v0;
	(xrf0) =	vadd.scan.msk.s32 $0xffff, v5;
	s12 =	sand.u32 $0x380, s23;
	s10 =	sor.u32 s11, s10  }
0x263: {  	v5 =	vnsel vm4, $0x0, v3;
	s3 =	sor.u32 s12, s3;
	s10 =	sshrl.u32 s10, $0x3  }
0x264: {  	(xrf0) =	vadd.scan.msk.s32 $0xffff, v5;
	s11 =	spop (v2sf);
	s12 =	sadd.s32 $0xE100, s3;
	s10 =	sadd.s32 s1, s10  }
0x265: {  	[tilespmem:s12], [sflag:$0x8] =	stream.linear.gather [hbm4b:s10+s5], $0x80, $0x38;
	[tilespmem:$0x10100] =	vst v63  }
0x266: {  	s3 =	sadd.s32 $0xE500, s3;
	s10 =	sadd.s32 $0x80, s10;
	s12 =	spop (v2sf)  }
0x267: {  	[tilespmem:s3], [sflag:$0x8] =	stream.linear.gather [hbm4b:s10+s5], $0x80, $0x38;
	[tilespmem:$0x10100] =	vst v63  }
.Ltmp9:
0x268: {  	_ = 	snop;
	(pc) =	sbr.rel @p0 .LBB2_17-.Ltmp9, $4  }
0x269: {  	s23 =	sadd.s32 $0x80, s23;
	s10 =	sadd.s32 s11, s12;
	v5, _, _ =	vpop (xrf0)  }
0x26a: {  	v6 =	vmov s0;
	s29 =	sadd.s32 $0x100, s29;
	s11 =	sadd.s32 $0xFFFFFFF0, s0;
	s12 =	sshll.u32 s10, $0x8;
	(v2sf) =	vpush v5, $0xF  }
0x26b: {  	vm4 =	veq.s32 v6, v0;
	s3 =	sand.u32 $0x1800, s29;
	s16 =	sshll.u32 s10, $0x7;
	s12 =	sand.u32 $0xFFFFF800, s12;
	v7, _, _ =	vpop (xrf0)  }
0x26c: {  	s0 =	sadd.s32 $0x1, s0;
	v6 =	vmov s11;
	v5 =	vnsel vm4, $0x0, v2;
	s11 =	sand.u32 $0x380, s16;
	s10 =	sadd.s32 s12, s25;
	(v2sf) =	vpush v7, $0xF  }
0x26d: {  	vm4 =	veq.s32 v6, v0;
	(xrf0) =	vadd.scan.msk.s32 $0xffff, v5;
	s0 =	sand.u32 $0x380, s23;
	s10 =	sor.u32 s11, s10  }
0x26e: {  	v5 =	vnsel vm4, $0x0, v3;
	s0 =	sor.u32 s0, s3;
	s12 =	sshrl.u32 s10, $0x3;
	s10 =	spop (v2sf)  }
0x26f: {  	(xrf0) =	vadd.scan.msk.s32 $0xffff, v5;
	s16 =	sadd.s32 $0xE100, s0;
	s3 =	sadd.s32 s1, s12;
	s12 =	spop (v2sf)  }
0x270: {  	[tilespmem:s16], [sflag:$0x8] =	stream.linear.gather [hbm4b:s3+s5], $0x80, $0x38;
	[tilespmem:$0x10100] =	vst v63  }
0x271: {  	s16 =	sadd.s32 s10, s12  }
0x272: {  	s0 =	sadd.s32 $0xE500, s0;
	s3 =	sadd.s32 $0x80, s3;
	s11 =	sshll.u32 s16, $0x8  }
0x273: {  	[tilespmem:s0], [sflag:$0x8] =	stream.linear.gather [hbm4b:s3+s5], $0x80, $0x38;
	v5, _, _ =	vpop (xrf0);
	[tilespmem:$0x10100] =	vst v63  }
0x274: {  	s10 =	sadd.s32 $0x80, s23;
	s3 =	sand.u32 $0xFFFFF800, s11;
	s0 =	sshll.u32 s16, $0x7;
	(v2sf) =	vpush v5, $0xF  }
0x275: {  	s11 =	sadd.s32 $0x100, s29;
	s3 =	sadd.s32 s3, s25;
	s0 =	sand.u32 $0x380, s0;
	v5, _, _ =	vpop (xrf0)  }
0x276: {  	s16 =	sand.u32 $0x380, s10;
	s12 =	sand.u32 $0x1800, s11;
	s0 =	sor.u32 s0, s3;
	(v2sf) =	vpush v5, $0xF  }
0x277: {  	s12 =	sor.u32 s16, s12;
	s0 =	sshrl.u32 s0, $0x3  }
0x278: {  	s16 =	sadd.s32 $0xE100, s12;
	s0 =	sadd.s32 s1, s0  }
0x279: {  	[tilespmem:s16], [sflag:$0x8] =	stream.linear.gather [hbm4b:s0+s5], $0x80, $0x38;
	[tilespmem:$0x10100] =	vst v63  }
0x27a: {  	s3 =	sadd.s32 $0xE500, s12;
	s0 =	sadd.s32 $0x80, s0;
	s23 =	spop (v2sf)  }
0x27b: {  	[tilespmem:s3], [sflag:$0x8] =	stream.linear.gather [hbm4b:s0+s5], $0x80, $0x38;
	[tilespmem:$0x10100] =	vst v63  }
0x27c: {  	s29 =	spop (v2sf)  }
0x27d: {  	s12 =	sadd.s32 s23, s29  }
0x27e: {  	s16 =	sshll.u32 s12, $0x8  }
0x27f: {  	s10 =	sadd.s32 $0x80, s10;
	s0 =	sshll.u32 s12, $0x7;
	s3 =	sand.u32 $0xFFFFF800, s16  }
0x280: {  	s11 =	sadd.s32 $0x100, s11;
	s0 =	sand.u32 $0x380, s0;
	s3 =	sadd.s32 s3, s25  }
0x281: {  	s23 =	sand.u32 $0x1800, s11;
	s29 =	sand.u32 $0x380, s10;
	s0 =	sor.u32 s0, s3  }
0x282: {  	s12 =	sor.u32 s29, s23;
	s0 =	sshrl.u32 s0, $0x3  }
0x283: {  	s16 =	sadd.s32 $0xE100, s12;
	s0 =	sadd.s32 s1, s0;
	s23 =	spop (v2sf)  }
0x284: {  	[tilespmem:s16], [sflag:$0x8] =	stream.linear.gather [hbm4b:s0+s5], $0x80, $0x38;
	[tilespmem:$0x10100] =	vst v63  }
0x285: {  	s3 =	sadd.s32 $0xE500, s12;
	s0 =	sadd.s32 $0x80, s0;
	s29 =	spop (v2sf)  }
0x286: {  	[tilespmem:s3], [sflag:$0x8] =	stream.linear.gather [hbm4b:s0+s5], $0x80, $0x38;
	[tilespmem:$0x10100] =	vst v63  }
0x287: {  	s12 =	sadd.s32 s23, s29  }
0x288: {  	s16 =	sshll.u32 s12, $0x8  }
0x289: {  	s10 =	sadd.s32 $0x80, s10;
	s0 =	sshll.u32 s12, $0x7;
	s3 =	sand.u32 $0xFFFFF800, s16  }
0x28a: {  	s11 =	sadd.s32 $0x100, s11;
	s0 =	sand.u32 $0x380, s0;
	s3 =	sadd.s32 s3, s25  }
0x28b: {  	s11 =	sand.u32 $0x1800, s11;
	s10 =	sand.u32 $0x380, s10;
	s0 =	sor.u32 s0, s3  }
0x28c: {  	s23 =	sor.u32 s10, s11;
	s0 =	sshrl.u32 s0, $0x3  }
0x28d: {  	s10 =	sadd.s32 $0xE100, s23;
	s0 =	sadd.s32 s1, s0  }
0x28e: {  	[tilespmem:s10], [sflag:$0x8] =	stream.linear.gather [hbm4b:s0+s5], $0x80, $0x38;
	[tilespmem:$0x10100] =	vst v63  }
0x28f: {  	s25 =	sshll.u32 s21, $0xD;
	s3 =	sadd.s32 $0xE500, s23;
	s0 =	sadd.s32 $0x80, s0  }
0x290: {  	[tilespmem:s3], [sflag:$0x8] =	stream.linear.gather [hbm4b:s0+s5], $0x80, $0x38;
	[tilespmem:$0x10100] =	vst v63  }
0x291: {  	p0 =	seq.s32 s14, $0x3;
	s0 =	sadd.s32 s7, s25;
	_ =	swait.ge [sflag:s24], $0x2000  }
0x292: {  	s29 =	simm.s32 $0x8100;
	s0 =	sshrl.u32 s0, $0x3;
	[sflag:s24] =	ssyncset.done $0x0  }
.Ltmp10:
0x293: {  	s0 =	sadd.s32 s4, s0;
	[sflag:s24] =	ssyncadd.s32 $0xFFFFE000;
	(pc) =	sbr.rel @p0 .LBB2_22-.Ltmp10, $4  }
0x294: {  	[hbm4b:s0+s5] =	stream.linear.scatter [tilespmem:s29], [sflag:$0xD], $0x2000, $0x38;
	[tilespmem:$0x10100] =	vst v63  }
0x295: {  	_ =	swait.ge [sflag:s26], $0x2000  }
0x296: {  	[sflag:s26] =	ssyncset.done $0x0  }
0x297: {  	[sflag:s26] =	ssyncadd.s32 $0xFFFFE000  }
0x298: {  	s0 =	sadd.s32 $0x8, s8  }
0x299: {  	s23 =	sadd.s32 $0xFFFFFFF8, s8;
	v5 =	vmov s0  }
0x29a: {  	vm4 =	veq.s32 v5, v0;
	v5 =	vmov s23  }
0x29b: {  	s21 =	simm.s32 $0x0;
	v6 =	vnsel vm4, $0x0, v1;
	vm4 =	veq.s32 v5, v0  }
0x29c: {  	s25 =	simm.s32 $0xFFFFFFF0;
	v5 =	vmov s21;
	(xrf0) =	vadd.scan.msk.s32 $0xffff, v6;
	v6 =	vnsel vm4, $0x0, v4  }
0x29d: {  	vm4 =	veq.s32 v5, v0;
	v5 =	vmov s25;
	(xrf0) =	vadd.scan.msk.s32 $0xffff, v6  }
0x29e: {  	v6 =	vnsel vm4, $0x0, v2;
	vm4 =	veq.s32 v5, v0  }
0x29f: {  	v5 =	vnsel vm4, $0x0, v3;
	_ =	sdelay $0x1  }
0x2a0: {  	(xrf0) =	vadd.scan.msk.s32 $0xffff, v6  }
0x2a1: {  	(xrf0) =	vadd.scan.msk.s32 $0xffff, v5;
	v5, _, _ =	vpop (xrf0)  }
0x2a2: {  	(v2sf) =	vpush v5, $0xF;
	v5, _, _ =	vpop (xrf0)  }
0x2a3: {  	(v2sf) =	vpush v5, $0xF;
	_ =	sdelay $0x2  }
0x2a4: {  	v5, _, _ =	vpop (xrf0)  }
0x2a5: {  	s29 =	simm.s32 $0x1;
	(v2sf) =	vpush v5, $0xF;
	v5, _, _ =	vpop (xrf0)  }
0x2a6: {  	(v2sf) =	vpush v5, $0xF;
	v5 =	vmov s29  }
0x2a7: {  	s3 =	simm.s32 $0xFFFFFFF1;
	vm4 =	veq.s32 v5, v0  }
0x2a8: {  	s10 =	simm.s32 $0x2;
	v5 =	vmov s3;
	v6 =	vnsel vm4, $0x0, v2  }
0x2a9: {  	s11 =	simm.s32 $0xFFFFFFF2;
	vm4 =	veq.s32 v5, v0;
	v5 =	vmov s10;
	(xrf0) =	vadd.scan.msk.s32 $0xffff, v6  }
0x2aa: {  	v6 =	vnsel vm4, $0x0, v3;
	vm4 =	veq.s32 v5, v0;
	v5 =	vmov s11  }
0x2ab: {  	(xrf0) =	vadd.scan.msk.s32 $0xffff, v6;
	v6 =	vnsel vm4, $0x0, v2;
	vm4 =	veq.s32 v5, v0  }
0x2ac: {  	v5 =	vnsel vm4, $0x0, v3;
	_ =	sdelay $0x1  }
0x2ad: {  	(xrf0) =	vadd.scan.msk.s32 $0xffff, v6  }
0x2ae: {  	(xrf0) =	vadd.scan.msk.s32 $0xffff, v5;
	v5, _, _ =	vpop (xrf0);
	s12 =	spop (v2sf)  }
0x2af: {  	s3 =	spop (v2sf);
	(v2sf) =	vpush v5, $0xF  }
0x2b0: {  	v6, _, _ =	vpop (xrf0)  }
0x2b1: {  	(v2sf) =	vpush v6, $0xF;
	_ =	sdelay $0x3  }
0x2b2: {  	v5, _, _ =	vpop (xrf0)  }
0x2b3: {  	s16 =	spop (v2sf);
	v7, _, _ =	vpop (xrf0);
	(v2sf) =	vpush v5, $0xF  }
0x2b4: {  	s25 =	simm.s32 $0x3;
	s11 =	simm.s32 $0xFFFFFFF3;
	s10 =	spop (v2sf);
	(v2sf) =	vpush v7, $0xF  }
0x2b5: {  	s0 =	sadd.s32 s3, s12;
	s3 =	sand.u32 $0x1800, s21;
	s10 =	sadd.s32 s16, s10  }
0x2b6: {  	v6 =	vmov s25;
	s25 =	simm.s32 $0x0;
	s0 =	sshll.u32 s0, $0xE;
	s29 =	sshll.u32 s10, $0x8  }
0x2b7: {  	vm4 =	veq.s32 v6, v0;
	s23 =	sadd.s32 s9, s0;
	s16 =	sshll.u32 s10, $0x7;
	s12 =	sand.u32 $0xFFFFF800, s29  }
0x2b8: {  	v6 =	vmov s11;
	s0 =	simm.s32 $0x4;
	v5 =	vnsel vm4, $0x0, v2;
	s11 =	sand.u32 $0x380, s16;
	s10 =	sadd.s32 s12, s23  }
.LBB2_20:
0x2b9: {  	p1 =	sne.s32 s0, $0x1F;
	vm4 =	veq.s32 v6, v0;
	(xrf0) =	vadd.scan.msk.s32 $0xffff, v5;
	s12 =	sand.u32 $0x380, s21;
	s10 =	sor.u32 s11, s10  }
0x2ba: {  	v5 =	vnsel vm4, $0x0, v3;
	s3 =	sor.u32 s12, s3;
	s10 =	sshrl.u32 s10, $0x3  }
0x2bb: {  	(xrf0) =	vadd.scan.msk.s32 $0xffff, v5;
	s11 =	spop (v2sf);
	s12 =	sadd.s32 $0x100, s3;
	s10 =	sadd.s32 s1, s10  }
0x2bc: {  	[tilespmem:s12], [sflag:$0x1] =	stream.linear.gather [hbm4b:s10+s5], $0x80, $0x38;
	[tilespmem:$0x10100] =	vst v63  }
0x2bd: {  	s3 =	sadd.s32 $0x500, s3;
	s10 =	sadd.s32 $0x80, s10;
	s12 =	spop (v2sf)  }
0x2be: {  	[tilespmem:s3], [sflag:$0x1] =	stream.linear.gather [hbm4b:s10+s5], $0x80, $0x38;
	[tilespmem:$0x10100] =	vst v63  }
.Ltmp11:
0x2bf: {  	_ = 	snop;
	(pc) =	sbr.rel @p1 .LBB2_20-.Ltmp11, $4  }
0x2c0: {  	s21 =	sadd.s32 $0x80, s21;
	s10 =	sadd.s32 s11, s12;
	v5, _, _ =	vpop (xrf0)  }
0x2c1: {  	v6 =	vmov s0;
	s25 =	sadd.s32 $0x100, s25;
	s11 =	sadd.s32 $0xFFFFFFF0, s0;
	s12 =	sshll.u32 s10, $0x8;
	(v2sf) =	vpush v5, $0xF  }
0x2c2: {  	vm4 =	veq.s32 v6, v0;
	s3 =	sand.u32 $0x1800, s25;
	s16 =	sshll.u32 s10, $0x7;
	s12 =	sand.u32 $0xFFFFF800, s12;
	v7, _, _ =	vpop (xrf0)  }
0x2c3: {  	s0 =	sadd.s32 $0x1, s0;
	v6 =	vmov s11;
	v5 =	vnsel vm4, $0x0, v2;
	s11 =	sand.u32 $0x380, s16;
	s10 =	sadd.s32 s12, s23;
	(v2sf) =	vpush v7, $0xF  }
0x2c4: {  	vm4 =	veq.s32 v6, v0;
	(xrf0) =	vadd.scan.msk.s32 $0xffff, v5  }
0x2c5: {  	s0 =	sand.u32 $0x380, s21;
	s10 =	sor.u32 s11, s10;
	s12 =	spop (v2sf);
	v5 =	vnsel vm4, $0x0, v3  }
0x2c6: {  	s0 =	sor.u32 s0, s3;
	s11 =	sshrl.u32 s10, $0x3;
	s29 =	spop (v2sf);
	(xrf0) =	vadd.scan.msk.s32 $0xffff, v5  }
0x2c7: {  	s16 =	sadd.s32 $0x100, s0;
	s3 =	sadd.s32 s1, s11;
	s12 =	sadd.s32 s12, s29  }
0x2c8: {  	[tilespmem:s16], [sflag:$0x1] =	stream.linear.gather [hbm4b:s3+s5], $0x80, $0x38;
	[tilespmem:$0x10100] =	vst v63  }
0x2c9: {  	s0 =	sadd.s32 $0x500, s0;
	s3 =	sadd.s32 $0x80, s3;
	s16 =	sshll.u32 s12, $0x8  }
0x2ca: {  	[tilespmem:s0], [sflag:$0x1] =	stream.linear.gather [hbm4b:s3+s5], $0x80, $0x38;
	v5, _, _ =	vpop (xrf0);
	[tilespmem:$0x10100] =	vst v63  }
0x2cb: {  	s10 =	sadd.s32 $0x80, s21;
	s3 =	sand.u32 $0xFFFFF800, s16;
	s0 =	sshll.u32 s12, $0x7;
	(v2sf) =	vpush v5, $0xF  }
0x2cc: {  	s11 =	sadd.s32 $0x100, s25;
	s3 =	sadd.s32 s3, s23;
	s0 =	sand.u32 $0x380, s0;
	v5, _, _ =	vpop (xrf0)  }
0x2cd: {  	s12 =	sand.u32 $0x1800, s11;
	s16 =	sand.u32 $0x380, s10;
	s0 =	sor.u32 s0, s3;
	(v2sf) =	vpush v5, $0xF  }
0x2ce: {  	s21 =	sor.u32 s16, s12;
	s0 =	sshrl.u32 s0, $0x3  }
0x2cf: {  	s16 =	sadd.s32 $0x100, s21;
	s0 =	sadd.s32 s1, s0  }
0x2d0: {  	[tilespmem:s16], [sflag:$0x1] =	stream.linear.gather [hbm4b:s0+s5], $0x80, $0x38;
	[tilespmem:$0x10100] =	vst v63  }
0x2d1: {  	s3 =	sadd.s32 $0x500, s21;
	s0 =	sadd.s32 $0x80, s0;
	s25 =	spop (v2sf)  }
0x2d2: {  	[tilespmem:s3], [sflag:$0x1] =	stream.linear.gather [hbm4b:s0+s5], $0x80, $0x38;
	[tilespmem:$0x10100] =	vst v63  }
0x2d3: {  	s29 =	spop (v2sf)  }
0x2d4: {  	s16 =	sadd.s32 s25, s29  }
0x2d5: {  	s21 =	sshll.u32 s16, $0x8  }
0x2d6: {  	s10 =	sadd.s32 $0x80, s10;
	s0 =	sshll.u32 s16, $0x7;
	s3 =	sand.u32 $0xFFFFF800, s21  }
0x2d7: {  	s11 =	sadd.s32 $0x100, s11;
	s0 =	sand.u32 $0x380, s0;
	s3 =	sadd.s32 s3, s23  }
0x2d8: {  	s25 =	sand.u32 $0x1800, s11;
	s29 =	sand.u32 $0x380, s10;
	s0 =	sor.u32 s0, s3  }
0x2d9: {  	s21 =	sor.u32 s29, s25;
	s0 =	sshrl.u32 s0, $0x3  }
0x2da: {  	s16 =	sadd.s32 $0x100, s21;
	s0 =	sadd.s32 s1, s0;
	s25 =	spop (v2sf)  }
0x2db: {  	[tilespmem:s16], [sflag:$0x1] =	stream.linear.gather [hbm4b:s0+s5], $0x80, $0x38;
	[tilespmem:$0x10100] =	vst v63  }
0x2dc: {  	s3 =	sadd.s32 $0x500, s21;
	s0 =	sadd.s32 $0x80, s0;
	s29 =	spop (v2sf)  }
0x2dd: {  	[tilespmem:s3], [sflag:$0x1] =	stream.linear.gather [hbm4b:s0+s5], $0x80, $0x38;
	[tilespmem:$0x10100] =	vst v63  }
0x2de: {  	s21 =	sadd.s32 s25, s29  }
0x2df: {  	s25 =	sshll.u32 s21, $0x8  }
0x2e0: {  	s10 =	sadd.s32 $0x80, s10;
	s0 =	sshll.u32 s21, $0x7;
	s3 =	sand.u32 $0xFFFFF800, s25  }
0x2e1: {  	s11 =	sadd.s32 $0x100, s11;
	s0 =	sand.u32 $0x380, s0;
	s3 =	sadd.s32 s3, s23  }
0x2e2: {  	s11 =	sand.u32 $0x1800, s11;
	s10 =	sand.u32 $0x380, s10;
	s0 =	sor.u32 s0, s3  }
0x2e3: {  	s29 =	sor.u32 s10, s11;
	s0 =	sshrl.u32 s0, $0x3  }
0x2e4: {  	s10 =	sadd.s32 $0x100, s29;
	s0 =	sadd.s32 s1, s0  }
0x2e5: {  	[tilespmem:s10], [sflag:$0x1] =	stream.linear.gather [hbm4b:s0+s5], $0x80, $0x38;
	[tilespmem:$0x10100] =	vst v63  }
0x2e6: {  	s3 =	sadd.s32 $0x500, s29;
	s0 =	sadd.s32 $0x80, s0  }
0x2e7: {  	[tilespmem:s3], [sflag:$0x1] =	stream.linear.gather [hbm4b:s0+s5], $0x80, $0x38;
	[tilespmem:$0x10100] =	vst v63  }
.LBB2_22:
0x2e8: {  	s0 =	sshll.u32 s19, $0xD  }
0x2e9: {  	_ =	swait.ge [sflag:s28], $0x2000;
	s0 =	sadd.s32 s7, s0  }
0x2ea: {  	s3 =	simm.s32 $0xA100;
	[sflag:s28] =	ssyncset.done $0x0;
	s0 =	sshrl.u32 s0, $0x3  }
.Ltmp12:
0x2eb: {  	[sflag:s28] =	ssyncadd.s32 $0xFFFFE000;
	s0 =	sadd.s32 s4, s0;
	(pc) =	sbr.rel @p0 .LBB2_26-.Ltmp12, $4  }
0x2ec: {  	[hbm4b:s0+s5] =	stream.linear.scatter [tilespmem:s3], [sflag:$0xE], $0x2000, $0x38;
	[tilespmem:$0x10100] =	vst v63  }
0x2ed: {  	_ =	swait.ge [sflag:s30], $0x2000  }
0x2ee: {  	[sflag:s30] =	ssyncset.done $0x0  }
0x2ef: {  	[sflag:s30] =	ssyncadd.s32 $0xFFFFE000  }
0x2f0: {  	s0 =	sadd.s32 $0x9, s8  }
0x2f1: {  	s29 =	sadd.s32 $0xFFFFFFF9, s8;
	v5 =	vmov s0  }
0x2f2: {  	vm4 =	veq.s32 v5, v0;
	v5 =	vmov s29  }
0x2f3: {  	s19 =	simm.s32 $0x0;
	v6 =	vnsel vm4, $0x0, v1;
	vm4 =	veq.s32 v5, v0  }
0x2f4: {  	s3 =	simm.s32 $0xFFFFFFF0;
	v5 =	vmov s19;
	(xrf0) =	vadd.scan.msk.s32 $0xffff, v6;
	v6 =	vnsel vm4, $0x0, v4  }
0x2f5: {  	vm4 =	veq.s32 v5, v0;
	v5 =	vmov s3;
	(xrf0) =	vadd.scan.msk.s32 $0xffff, v6  }
0x2f6: {  	v6 =	vnsel vm4, $0x0, v2;
	vm4 =	veq.s32 v5, v0  }
0x2f7: {  	v5 =	vnsel vm4, $0x0, v3;
	_ =	sdelay $0x1  }
0x2f8: {  	(xrf0) =	vadd.scan.msk.s32 $0xffff, v6  }
0x2f9: {  	(xrf0) =	vadd.scan.msk.s32 $0xffff, v5;
	v5, _, _ =	vpop (xrf0)  }
0x2fa: {  	(v2sf) =	vpush v5, $0xF;
	v5, _, _ =	vpop (xrf0)  }
0x2fb: {  	(v2sf) =	vpush v5, $0xF;
	_ =	sdelay $0x2  }
0x2fc: {  	v5, _, _ =	vpop (xrf0)  }
0x2fd: {  	s10 =	simm.s32 $0x1;
	(v2sf) =	vpush v5, $0xF;
	v5, _, _ =	vpop (xrf0)  }
0x2fe: {  	(v2sf) =	vpush v5, $0xF;
	v5 =	vmov s10  }
0x2ff: {  	s11 =	simm.s32 $0xFFFFFFF1;
	vm4 =	veq.s32 v5, v0  }
0x300: {  	s12 =	simm.s32 $0x2;
	v5 =	vmov s11;
	v6 =	vnsel vm4, $0x0, v2  }
0x301: {  	s16 =	simm.s32 $0xFFFFFFF2;
	vm4 =	veq.s32 v5, v0;
	v5 =	vmov s12;
	(xrf0) =	vadd.scan.msk.s32 $0xffff, v6  }
0x302: {  	v6 =	vnsel vm4, $0x0, v3;
	vm4 =	veq.s32 v5, v0;
	v5 =	vmov s16  }
0x303: {  	(xrf0) =	vadd.scan.msk.s32 $0xffff, v6;
	v6 =	vnsel vm4, $0x0, v2;
	vm4 =	veq.s32 v5, v0  }
0x304: {  	v5 =	vnsel vm4, $0x0, v3;
	_ =	sdelay $0x1  }
0x305: {  	(xrf0) =	vadd.scan.msk.s32 $0xffff, v6  }
0x306: {  	(xrf0) =	vadd.scan.msk.s32 $0xffff, v5;
	v5, _, _ =	vpop (xrf0);
	s21 =	spop (v2sf)  }
0x307: {  	s3 =	spop (v2sf);
	(v2sf) =	vpush v5, $0xF  }
0x308: {  	v6, _, _ =	vpop (xrf0)  }
0x309: {  	(v2sf) =	vpush v6, $0xF;
	_ =	sdelay $0x3  }
0x30a: {  	v5, _, _ =	vpop (xrf0)  }
0x30b: {  	s23 =	spop (v2sf);
	v7, _, _ =	vpop (xrf0);
	(v2sf) =	vpush v5, $0xF  }
0x30c: {  	s25 =	simm.s32 $0x3;
	s0 =	sadd.s32 s3, s21;
	s10 =	spop (v2sf);
	(v2sf) =	vpush v7, $0xF  }
0x30d: {  	s11 =	simm.s32 $0xFFFFFFF3;
	s0 =	sshll.u32 s0, $0xE;
	s10 =	sadd.s32 s23, s10  }
0x30e: {  	v6 =	vmov s25;
	s3 =	sand.u32 $0x1800, s19;
	s21 =	sadd.s32 s9, s0;
	s29 =	sshll.u32 s10, $0x8  }
0x30f: {  	vm4 =	veq.s32 v6, v0;
	s0 =	simm.s32 $0x4;
	s16 =	sshll.u32 s10, $0x7;
	s12 =	sand.u32 $0xFFFFF800, s29  }
0x310: {  	v6 =	vmov s11;
	v5 =	vnsel vm4, $0x0, v2;
	s23 =	simm.s32 $0x0;
	s11 =	sand.u32 $0x380, s16;
	s10 =	sadd.s32 s12, s21  }
.LBB2_24:
0x311: {  	p1 =	sne.s32 s0, $0x1F;
	vm4 =	veq.s32 v6, v0;
	(xrf0) =	vadd.scan.msk.s32 $0xffff, v5;
	s12 =	sand.u32 $0x380, s19;
	s10 =	sor.u32 s11, s10  }
0x312: {  	v5 =	vnsel vm4, $0x0, v3;
	s3 =	sor.u32 s12, s3;
	s10 =	sshrl.u32 s10, $0x3  }
0x313: {  	(xrf0) =	vadd.scan.msk.s32 $0xffff, v5;
	s11 =	spop (v2sf);
	s12 =	sadd.s32 $0x2100, s3;
	s10 =	sadd.s32 s1, s10  }
0x314: {  	[tilespmem:s12], [sflag:$0x2] =	stream.linear.gather [hbm4b:s10+s5], $0x80, $0x38;
	[tilespmem:$0x10100] =	vst v63  }
0x315: {  	s3 =	sadd.s32 $0x2500, s3;
	s10 =	sadd.s32 $0x80, s10;
	s12 =	spop (v2sf)  }
0x316: {  	[tilespmem:s3], [sflag:$0x2] =	stream.linear.gather [hbm4b:s10+s5], $0x80, $0x38;
	[tilespmem:$0x10100] =	vst v63  }
.Ltmp13:
0x317: {  	_ = 	snop;
	(pc) =	sbr.rel @p1 .LBB2_24-.Ltmp13, $4  }
0x318: {  	s19 =	sadd.s32 $0x80, s19;
	s10 =	sadd.s32 s11, s12;
	v5, _, _ =	vpop (xrf0)  }
0x319: {  	v6 =	vmov s0;
	s23 =	sadd.s32 $0x100, s23;
	s11 =	sadd.s32 $0xFFFFFFF0, s0;
	s12 =	sshll.u32 s10, $0x8;
	(v2sf) =	vpush v5, $0xF  }
0x31a: {  	vm4 =	veq.s32 v6, v0;
	s3 =	sand.u32 $0x1800, s23;
	s16 =	sshll.u32 s10, $0x7;
	s12 =	sand.u32 $0xFFFFF800, s12;
	v7, _, _ =	vpop (xrf0)  }
0x31b: {  	s0 =	sadd.s32 $0x1, s0;
	v6 =	vmov s11;
	v5 =	vnsel vm4, $0x0, v2;
	s11 =	sand.u32 $0x380, s16;
	s10 =	sadd.s32 s12, s21;
	(v2sf) =	vpush v7, $0xF  }
0x31c: {  	vm4 =	veq.s32 v6, v0;
	(xrf0) =	vadd.scan.msk.s32 $0xffff, v5  }
0x31d: {  	s0 =	sand.u32 $0x380, s19;
	s10 =	sor.u32 s11, s10;
	s12 =	spop (v2sf);
	v5 =	vnsel vm4, $0x0, v3  }
0x31e: {  	s0 =	sor.u32 s0, s3;
	s11 =	sshrl.u32 s10, $0x3;
	s25 =	spop (v2sf);
	(xrf0) =	vadd.scan.msk.s32 $0xffff, v5  }
0x31f: {  	s16 =	sadd.s32 $0x2100, s0;
	s3 =	sadd.s32 s1, s11;
	s29 =	sadd.s32 s12, s25  }
0x320: {  	[tilespmem:s16], [sflag:$0x2] =	stream.linear.gather [hbm4b:s3+s5], $0x80, $0x38;
	[tilespmem:$0x10100] =	vst v63  }
0x321: {  	s0 =	sadd.s32 $0x2500, s0;
	s3 =	sadd.s32 $0x80, s3;
	s10 =	sshll.u32 s29, $0x8  }
0x322: {  	[tilespmem:s0], [sflag:$0x2] =	stream.linear.gather [hbm4b:s3+s5], $0x80, $0x38;
	v5, _, _ =	vpop (xrf0);
	[tilespmem:$0x10100] =	vst v63  }
0x323: {  	s11 =	sadd.s32 $0x80, s19;
	s3 =	sand.u32 $0xFFFFF800, s10;
	s0 =	sshll.u32 s29, $0x7;
	(v2sf) =	vpush v5, $0xF  }
0x324: {  	s19 =	sadd.s32 $0x100, s23;
	s3 =	sadd.s32 s3, s21;
	s0 =	sand.u32 $0x380, s0;
	v5, _, _ =	vpop (xrf0)  }
0x325: {  	s12 =	sand.u32 $0x1800, s19;
	s16 =	sand.u32 $0x380, s11;
	s0 =	sor.u32 s0, s3;
	(v2sf) =	vpush v5, $0xF  }
0x326: {  	s23 =	sor.u32 s16, s12;
	s0 =	sshrl.u32 s0, $0x3  }
0x327: {  	s16 =	sadd.s32 $0x2100, s23;
	s0 =	sadd.s32 s1, s0  }
0x328: {  	[tilespmem:s16], [sflag:$0x2] =	stream.linear.gather [hbm4b:s0+s5], $0x80, $0x38;
	[tilespmem:$0x10100] =	vst v63  }
0x329: {  	s3 =	sadd.s32 $0x2500, s23;
	s0 =	sadd.s32 $0x80, s0;
	s25 =	spop (v2sf)  }
0x32a: {  	[tilespmem:s3], [sflag:$0x2] =	stream.linear.gather [hbm4b:s0+s5], $0x80, $0x38;
	[tilespmem:$0x10100] =	vst v63  }
0x32b: {  	s29 =	spop (v2sf)  }
0x32c: {  	s12 =	sadd.s32 s25, s29  }
0x32d: {  	s16 =	sshll.u32 s12, $0x8  }
0x32e: {  	s10 =	sadd.s32 $0x80, s11;
	s0 =	sshll.u32 s12, $0x7;
	s3 =	sand.u32 $0xFFFFF800, s16  }
0x32f: {  	s11 =	sadd.s32 $0x100, s19;
	s0 =	sand.u32 $0x380, s0;
	s3 =	sadd.s32 s3, s21  }
0x330: {  	s19 =	sand.u32 $0x1800, s11;
	s23 =	sand.u32 $0x380, s10;
	s0 =	sor.u32 s0, s3  }
0x331: {  	s25 =	sor.u32 s23, s19;
	s0 =	sshrl.u32 s0, $0x3  }
0x332: {  	s16 =	sadd.s32 $0x2100, s25;
	s0 =	sadd.s32 s1, s0;
	s29 =	spop (v2sf)  }
0x333: {  	[tilespmem:s16], [sflag:$0x2] =	stream.linear.gather [hbm4b:s0+s5], $0x80, $0x38;
	[tilespmem:$0x10100] =	vst v63  }
0x334: {  	s3 =	sadd.s32 $0x2500, s25;
	s0 =	sadd.s32 $0x80, s0;
	s19 =	spop (v2sf)  }
0x335: {  	[tilespmem:s3], [sflag:$0x2] =	stream.linear.gather [hbm4b:s0+s5], $0x80, $0x38;
	[tilespmem:$0x10100] =	vst v63  }
0x336: {  	s23 =	sadd.s32 s29, s19  }
0x337: {  	s25 =	sshll.u32 s23, $0x8  }
0x338: {  	s11 =	sadd.s32 $0x100, s11;
	s0 =	sshll.u32 s23, $0x7;
	s3 =	sand.u32 $0xFFFFF800, s25  }
0x339: {  	s10 =	sadd.s32 $0x80, s10;
	s0 =	sand.u32 $0x380, s0;
	s3 =	sadd.s32 s3, s21  }
0x33a: {  	s11 =	sand.u32 $0x1800, s11;
	s10 =	sand.u32 $0x380, s10;
	s0 =	sor.u32 s0, s3  }
0x33b: {  	s29 =	sor.u32 s10, s11;
	s0 =	sshrl.u32 s0, $0x3  }
0x33c: {  	s10 =	sadd.s32 $0x2100, s29;
	s0 =	sadd.s32 s1, s0  }
0x33d: {  	[tilespmem:s10], [sflag:$0x2] =	stream.linear.gather [hbm4b:s0+s5], $0x80, $0x38;
	[tilespmem:$0x10100] =	vst v63  }
0x33e: {  	s3 =	sadd.s32 $0x2500, s29;
	s0 =	sadd.s32 $0x80, s0  }
0x33f: {  	[tilespmem:s3], [sflag:$0x2] =	stream.linear.gather [hbm4b:s0+s5], $0x80, $0x38;
	[tilespmem:$0x10100] =	vst v63  }
.LBB2_26:
0x340: {  	s0 =	sshll.u32 s17, $0xD  }
0x341: {  	_ =	swait.ge [sflag:s31], $0x2000;
	s0 =	sadd.s32 s7, s0  }
0x342: {  	s3 =	simm.s32 $0xC100;
	[sflag:s31] =	ssyncset.done $0x0;
	s0 =	sshrl.u32 s0, $0x3  }
.Ltmp14:
0x343: {  	[sflag:s31] =	ssyncadd.s32 $0xFFFFE000;
	s0 =	sadd.s32 s4, s0;
	(pc) =	sbr.rel @p0 .LBB2_30-.Ltmp14, $4  }
0x344: {  	[hbm4b:s0+s5] =	stream.linear.scatter [tilespmem:s3], [sflag:$0xF], $0x2000, $0x38;
	[tilespmem:$0x10100] =	vst v63  }
0x345: {  	_ =	swait.ge [sflag:s6], $0x2000  }
0x346: {  	[sflag:s6] =	ssyncset.done $0x0  }
0x347: {  	[sflag:s6] =	ssyncadd.s32 $0xFFFFE000  }
0x348: {  	s0 =	sadd.s32 $0xA, s8  }
0x349: {  	s3 =	sadd.s32 $0xFFFFFFFA, s8;
	v5 =	vmov s0  }
0x34a: {  	vm4 =	veq.s32 v5, v0;
	v5 =	vmov s3  }
0x34b: {  	s17 =	simm.s32 $0x0;
	v6 =	vnsel vm4, $0x0, v1;
	vm4 =	veq.s32 v5, v0  }
0x34c: {  	s10 =	simm.s32 $0xFFFFFFF0;
	v5 =	vmov s17;
	(xrf0) =	vadd.scan.msk.s32 $0xffff, v6;
	v6 =	vnsel vm4, $0x0, v4  }
0x34d: {  	vm4 =	veq.s32 v5, v0;
	v5 =	vmov s10;
	(xrf0) =	vadd.scan.msk.s32 $0xffff, v6  }
0x34e: {  	v6 =	vnsel vm4, $0x0, v2;
	vm4 =	veq.s32 v5, v0  }
0x34f: {  	v5 =	vnsel vm4, $0x0, v3;
	_ =	sdelay $0x1  }
0x350: {  	(xrf0) =	vadd.scan.msk.s32 $0xffff, v6  }
0x351: {  	(xrf0) =	vadd.scan.msk.s32 $0xffff, v5;
	v5, _, _ =	vpop (xrf0)  }
0x352: {  	(v2sf) =	vpush v5, $0xF;
	v5, _, _ =	vpop (xrf0)  }
0x353: {  	(v2sf) =	vpush v5, $0xF;
	_ =	sdelay $0x2  }
0x354: {  	v5, _, _ =	vpop (xrf0)  }
0x355: {  	s11 =	simm.s32 $0x1;
	(v2sf) =	vpush v5, $0xF;
	v5, _, _ =	vpop (xrf0)  }
0x356: {  	(v2sf) =	vpush v5, $0xF;
	v5 =	vmov s11  }
0x357: {  	s12 =	simm.s32 $0xFFFFFFF1;
	vm4 =	veq.s32 v5, v0  }
0x358: {  	s16 =	simm.s32 $0x2;
	v5 =	vmov s12;
	v6 =	vnsel vm4, $0x0, v2  }
0x359: {  	s19 =	simm.s32 $0xFFFFFFF2;
	vm4 =	veq.s32 v5, v0;
	v5 =	vmov s16;
	(xrf0) =	vadd.scan.msk.s32 $0xffff, v6  }
0x35a: {  	v6 =	vnsel vm4, $0x0, v3;
	vm4 =	veq.s32 v5, v0;
	v5 =	vmov s19  }
0x35b: {  	(xrf0) =	vadd.scan.msk.s32 $0xffff, v6;
	v6 =	vnsel vm4, $0x0, v2;
	vm4 =	veq.s32 v5, v0  }
0x35c: {  	v5 =	vnsel vm4, $0x0, v3;
	_ =	sdelay $0x1  }
0x35d: {  	(xrf0) =	vadd.scan.msk.s32 $0xffff, v6  }
0x35e: {  	(xrf0) =	vadd.scan.msk.s32 $0xffff, v5;
	v5, _, _ =	vpop (xrf0);
	s21 =	spop (v2sf)  }
0x35f: {  	s3 =	spop (v2sf);
	(v2sf) =	vpush v5, $0xF  }
0x360: {  	v6, _, _ =	vpop (xrf0)  }
0x361: {  	(v2sf) =	vpush v6, $0xF;
	_ =	sdelay $0x3  }
0x362: {  	v5, _, _ =	vpop (xrf0)  }
0x363: {  	s23 =	spop (v2sf);
	v7, _, _ =	vpop (xrf0);
	(v2sf) =	vpush v5, $0xF  }
0x364: {  	s25 =	simm.s32 $0x3;
	s11 =	simm.s32 $0xFFFFFFF3;
	s10 =	spop (v2sf);
	(v2sf) =	vpush v7, $0xF  }
0x365: {  	s0 =	sadd.s32 s3, s21;
	s3 =	sand.u32 $0x1800, s17;
	s10 =	sadd.s32 s23, s10  }
0x366: {  	v6 =	vmov s25;
	s21 =	simm.s32 $0x0;
	s0 =	sshll.u32 s0, $0xE;
	s29 =	sshll.u32 s10, $0x8  }
0x367: {  	vm4 =	veq.s32 v6, v0;
	s19 =	sadd.s32 s9, s0;
	s16 =	sshll.u32 s10, $0x7;
	s12 =	sand.u32 $0xFFFFF800, s29  }
0x368: {  	v6 =	vmov s11;
	s0 =	simm.s32 $0x4;
	v5 =	vnsel vm4, $0x0, v2;
	s11 =	sand.u32 $0x380, s16;
	s10 =	sadd.s32 s12, s19  }
.LBB2_28:
0x369: {  	p1 =	sne.s32 s0, $0x1F;
	vm4 =	veq.s32 v6, v0;
	(xrf0) =	vadd.scan.msk.s32 $0xffff, v5;
	s12 =	sand.u32 $0x380, s17;
	s10 =	sor.u32 s11, s10  }
0x36a: {  	v5 =	vnsel vm4, $0x0, v3;
	s3 =	sor.u32 s12, s3;
	s10 =	sshrl.u32 s10, $0x3  }
0x36b: {  	(xrf0) =	vadd.scan.msk.s32 $0xffff, v5;
	s11 =	spop (v2sf);
	s12 =	sadd.s32 $0x4100, s3;
	s10 =	sadd.s32 s1, s10  }
0x36c: {  	[tilespmem:s12], [sflag:$0x3] =	stream.linear.gather [hbm4b:s10+s5], $0x80, $0x38;
	[tilespmem:$0x10100] =	vst v63  }
0x36d: {  	s3 =	sadd.s32 $0x4500, s3;
	s10 =	sadd.s32 $0x80, s10;
	s12 =	spop (v2sf)  }
0x36e: {  	[tilespmem:s3], [sflag:$0x3] =	stream.linear.gather [hbm4b:s10+s5], $0x80, $0x38;
	[tilespmem:$0x10100] =	vst v63  }
.Ltmp15:
0x36f: {  	_ = 	snop;
	(pc) =	sbr.rel @p1 .LBB2_28-.Ltmp15, $4  }
0x370: {  	s17 =	sadd.s32 $0x80, s17;
	s10 =	sadd.s32 s11, s12;
	v5, _, _ =	vpop (xrf0)  }
0x371: {  	v6 =	vmov s0;
	s21 =	sadd.s32 $0x100, s21;
	s11 =	sadd.s32 $0xFFFFFFF0, s0;
	s12 =	sshll.u32 s10, $0x8;
	(v2sf) =	vpush v5, $0xF  }
0x372: {  	vm4 =	veq.s32 v6, v0;
	s3 =	sand.u32 $0x1800, s21;
	s16 =	sshll.u32 s10, $0x7;
	s12 =	sand.u32 $0xFFFFF800, s12;
	v7, _, _ =	vpop (xrf0)  }
0x373: {  	s0 =	sadd.s32 $0x1, s0;
	v6 =	vmov s11;
	v5 =	vnsel vm4, $0x0, v2;
	s11 =	sand.u32 $0x380, s16;
	s10 =	sadd.s32 s12, s19;
	(v2sf) =	vpush v7, $0xF  }
0x374: {  	vm4 =	veq.s32 v6, v0;
	(xrf0) =	vadd.scan.msk.s32 $0xffff, v5  }
0x375: {  	s0 =	sand.u32 $0x380, s17;
	s10 =	sor.u32 s11, s10;
	s25 =	spop (v2sf);
	v5 =	vnsel vm4, $0x0, v3  }
0x376: {  	s0 =	sor.u32 s0, s3;
	s23 =	sshrl.u32 s10, $0x3;
	s12 =	spop (v2sf);
	(xrf0) =	vadd.scan.msk.s32 $0xffff, v5  }
0x377: {  	s29 =	sadd.s32 $0x4100, s0;
	s3 =	sadd.s32 s1, s23;
	s16 =	sadd.s32 s25, s12  }
0x378: {  	[tilespmem:s29], [sflag:$0x3] =	stream.linear.gather [hbm4b:s3+s5], $0x80, $0x38;
	[tilespmem:$0x10100] =	vst v63  }
0x379: {  	s0 =	sadd.s32 $0x4500, s0;
	s3 =	sadd.s32 $0x80, s3;
	s23 =	sshll.u32 s16, $0x8  }
0x37a: {  	[tilespmem:s0], [sflag:$0x3] =	stream.linear.gather [hbm4b:s3+s5], $0x80, $0x38;
	v5, _, _ =	vpop (xrf0);
	[tilespmem:$0x10100] =	vst v63  }
0x37b: {  	s11 =	sadd.s32 $0x100, s21;
	s3 =	sand.u32 $0xFFFFF800, s23;
	s0 =	sshll.u32 s16, $0x7;
	(v2sf) =	vpush v5, $0xF  }
0x37c: {  	s10 =	sadd.s32 $0x80, s17;
	s3 =	sadd.s32 s3, s19;
	s0 =	sand.u32 $0x380, s0;
	v5, _, _ =	vpop (xrf0)  }
0x37d: {  	s12 =	sand.u32 $0x1800, s11;
	s16 =	sand.u32 $0x380, s10;
	s0 =	sor.u32 s0, s3;
	(v2sf) =	vpush v5, $0xF  }
0x37e: {  	s25 =	sor.u32 s16, s12;
	s0 =	sshrl.u32 s0, $0x3  }
0x37f: {  	s16 =	sadd.s32 $0x4100, s25;
	s0 =	sadd.s32 s1, s0  }
0x380: {  	[tilespmem:s16], [sflag:$0x3] =	stream.linear.gather [hbm4b:s0+s5], $0x80, $0x38;
	[tilespmem:$0x10100] =	vst v63  }
0x381: {  	s3 =	sadd.s32 $0x4500, s25;
	s0 =	sadd.s32 $0x80, s0;
	s29 =	spop (v2sf)  }
0x382: {  	[tilespmem:s3], [sflag:$0x3] =	stream.linear.gather [hbm4b:s0+s5], $0x80, $0x38;
	[tilespmem:$0x10100] =	vst v63  }
0x383: {  	s17 =	spop (v2sf)  }
0x384: {  	s21 =	sadd.s32 s29, s17  }
0x385: {  	s23 =	sshll.u32 s21, $0x8  }
0x386: {  	s11 =	sadd.s32 $0x100, s11;
	s0 =	sshll.u32 s21, $0x7;
	s3 =	sand.u32 $0xFFFFF800, s23  }
0x387: {  	s10 =	sadd.s32 $0x80, s10;
	s0 =	sand.u32 $0x380, s0;
	s3 =	sadd.s32 s3, s19  }
0x388: {  	s25 =	sand.u32 $0x1800, s11;
	s29 =	sand.u32 $0x380, s10;
	s0 =	sor.u32 s0, s3  }
0x389: {  	s12 =	sor.u32 s29, s25;
	s0 =	sshrl.u32 s0, $0x3  }
0x38a: {  	s16 =	sadd.s32 $0x4100, s12;
	s0 =	sadd.s32 s1, s0;
	s17 =	spop (v2sf)  }
0x38b: {  	[tilespmem:s16], [sflag:$0x3] =	stream.linear.gather [hbm4b:s0+s5], $0x80, $0x38;
	[tilespmem:$0x10100] =	vst v63  }
0x38c: {  	s3 =	sadd.s32 $0x4500, s12;
	s0 =	sadd.s32 $0x80, s0;
	s21 =	spop (v2sf)  }
0x38d: {  	[tilespmem:s3], [sflag:$0x3] =	stream.linear.gather [hbm4b:s0+s5], $0x80, $0x38;
	[tilespmem:$0x10100] =	vst v63  }
0x38e: {  	s23 =	sadd.s32 s17, s21  }
0x38f: {  	s25 =	sshll.u32 s23, $0x8  }
0x390: {  	s11 =	sadd.s32 $0x100, s11;
	s0 =	sshll.u32 s23, $0x7;
	s3 =	sand.u32 $0xFFFFF800, s25  }
0x391: {  	s10 =	sadd.s32 $0x80, s10;
	s0 =	sand.u32 $0x380, s0;
	s3 =	sadd.s32 s3, s19  }
0x392: {  	s11 =	sand.u32 $0x1800, s11;
	s10 =	sand.u32 $0x380, s10;
	s0 =	sor.u32 s0, s3  }
0x393: {  	s29 =	sor.u32 s10, s11;
	s0 =	sshrl.u32 s0, $0x3  }
0x394: {  	s10 =	sadd.s32 $0x4100, s29;
	s0 =	sadd.s32 s1, s0  }
0x395: {  	[tilespmem:s10], [sflag:$0x3] =	stream.linear.gather [hbm4b:s0+s5], $0x80, $0x38;
	[tilespmem:$0x10100] =	vst v63  }
0x396: {  	s3 =	sadd.s32 $0x4500, s29;
	s0 =	sadd.s32 $0x80, s0  }
0x397: {  	[tilespmem:s3], [sflag:$0x3] =	stream.linear.gather [hbm4b:s0+s5], $0x80, $0x38;
	[tilespmem:$0x10100] =	vst v63  }
.LBB2_30:
0x398: {  	s0 =	sshll.u32 s13, $0xD  }
0x399: {  	_ =	swait.ge [sflag:s2], $0x2000;
	s0 =	sadd.s32 s7, s0  }
0x39a: {  	s3 =	simm.s32 $0xE100;
	[sflag:s2] =	ssyncset.done $0x0;
	s0 =	sshrl.u32 s0, $0x3  }
.Ltmp16:
0x39b: {  	[sflag:s2] =	ssyncadd.s32 $0xFFFFE000;
	s0 =	sadd.s32 s4, s0;
	(pc) =	sbr.rel @p0 .LBB2_34-.Ltmp16, $4  }
0x39c: {  	[hbm4b:s0+s5] =	stream.linear.scatter [tilespmem:s3], [sflag:$0x10], $0x2000, $0x38;
	[tilespmem:$0x10100] =	vst v63  }
0x39d: {  	_ =	swait.ge [sflag:s15], $0x2000  }
0x39e: {  	[sflag:s15] =	ssyncset.done $0x0  }
0x39f: {  	[sflag:s15] =	ssyncadd.s32 $0xFFFFE000  }
0x3a0: {  	s0 =	sadd.s32 $0xB, s8  }
0x3a1: {  	s11 =	sadd.s32 $0xFFFFFFFB, s8;
	v5 =	vmov s0  }
0x3a2: {  	vm4 =	veq.s32 v5, v0;
	v5 =	vmov s11  }
0x3a3: {  	s8 =	simm.s32 $0x0;
	v6 =	vnsel vm4, $0x0, v1;
	vm4 =	veq.s32 v5, v0  }
0x3a4: {  	s12 =	simm.s32 $0xFFFFFFF0;
	v5 =	vmov s8;
	(xrf0) =	vadd.scan.msk.s32 $0xffff, v6;
	v6 =	vnsel vm4, $0x0, v4  }
0x3a5: {  	vm4 =	veq.s32 v5, v0;
	v5 =	vmov s12;
	(xrf0) =	vadd.scan.msk.s32 $0xffff, v6  }
0x3a6: {  	v6 =	vnsel vm4, $0x0, v2;
	vm4 =	veq.s32 v5, v0  }
0x3a7: {  	v5 =	vnsel vm4, $0x0, v3;
	_ =	sdelay $0x1  }
0x3a8: {  	(xrf0) =	vadd.scan.msk.s32 $0xffff, v6  }
0x3a9: {  	(xrf0) =	vadd.scan.msk.s32 $0xffff, v5;
	v5, _, _ =	vpop (xrf0)  }
0x3aa: {  	(v2sf) =	vpush v5, $0xF;
	v5, _, _ =	vpop (xrf0)  }
0x3ab: {  	(v2sf) =	vpush v5, $0xF;
	_ =	sdelay $0x2  }
0x3ac: {  	v5, _, _ =	vpop (xrf0)  }
0x3ad: {  	s13 =	simm.s32 $0x1;
	(v2sf) =	vpush v5, $0xF;
	v5, _, _ =	vpop (xrf0)  }
0x3ae: {  	(v2sf) =	vpush v5, $0xF;
	v5 =	vmov s13  }
0x3af: {  	s16 =	simm.s32 $0xFFFFFFF1;
	vm4 =	veq.s32 v5, v0  }
0x3b0: {  	s17 =	simm.s32 $0x2;
	v5 =	vmov s16;
	v6 =	vnsel vm4, $0x0, v2  }
0x3b1: {  	s19 =	simm.s32 $0xFFFFFFF2;
	vm4 =	veq.s32 v5, v0;
	v5 =	vmov s17;
	(xrf0) =	vadd.scan.msk.s32 $0xffff, v6  }
0x3b2: {  	v6 =	vnsel vm4, $0x0, v3;
	vm4 =	veq.s32 v5, v0;
	v5 =	vmov s19  }
0x3b3: {  	(xrf0) =	vadd.scan.msk.s32 $0xffff, v6;
	v6 =	vnsel vm4, $0x0, v2;
	vm4 =	veq.s32 v5, v0  }
0x3b4: {  	v5 =	vnsel vm4, $0x0, v3;
	_ =	sdelay $0x1  }
0x3b5: {  	(xrf0) =	vadd.scan.msk.s32 $0xffff, v6  }
0x3b6: {  	(xrf0) =	vadd.scan.msk.s32 $0xffff, v5;
	v5, _, _ =	vpop (xrf0);
	s21 =	spop (v2sf)  }
0x3b7: {  	s3 =	spop (v2sf);
	(v2sf) =	vpush v5, $0xF  }
0x3b8: {  	v6, _, _ =	vpop (xrf0)  }
0x3b9: {  	(v2sf) =	vpush v6, $0xF;
	_ =	sdelay $0x3  }
0x3ba: {  	v5, _, _ =	vpop (xrf0)  }
0x3bb: {  	s23 =	spop (v2sf);
	v7, _, _ =	vpop (xrf0);
	(v2sf) =	vpush v5, $0xF  }
0x3bc: {  	s25 =	simm.s32 $0x3;
	s11 =	simm.s32 $0xFFFFFFF3;
	s10 =	spop (v2sf);
	(v2sf) =	vpush v7, $0xF  }
0x3bd: {  	s17 =	simm.s32 $0x0;
	s0 =	sadd.s32 s3, s21;
	s10 =	sadd.s32 s23, s10  }
0x3be: {  	v6 =	vmov s25;
	s3 =	sand.u32 $0x1800, s8;
	s0 =	sshll.u32 s0, $0xE;
	s29 =	sshll.u32 s10, $0x8  }
0x3bf: {  	vm4 =	veq.s32 v6, v0;
	s13 =	sadd.s32 s9, s0;
	s16 =	sshll.u32 s10, $0x7;
	s12 =	sand.u32 $0xFFFFF800, s29  }
0x3c0: {  	v6 =	vmov s11;
	s0 =	simm.s32 $0x4;
	v5 =	vnsel vm4, $0x0, v2;
	s11 =	sand.u32 $0x380, s16;
	s10 =	sadd.s32 s12, s13  }
.LBB2_32:
0x3c1: {  	p0 =	sne.s32 s0, $0x1F;
	vm4 =	veq.s32 v6, v0;
	(xrf0) =	vadd.scan.msk.s32 $0xffff, v5;
	s12 =	sand.u32 $0x380, s8;
	s10 =	sor.u32 s11, s10  }
0x3c2: {  	v5 =	vnsel vm4, $0x0, v3;
	s3 =	sor.u32 s12, s3;
	s10 =	sshrl.u32 s10, $0x3  }
0x3c3: {  	(xrf0) =	vadd.scan.msk.s32 $0xffff, v5;
	s11 =	spop (v2sf);
	s12 =	sadd.s32 $0x6100, s3;
	s10 =	sadd.s32 s1, s10  }
0x3c4: {  	[tilespmem:s12], [sflag:$0x4] =	stream.linear.gather [hbm4b:s10+s5], $0x80, $0x38;
	[tilespmem:$0x10100] =	vst v63  }
0x3c5: {  	s3 =	sadd.s32 $0x6500, s3;
	s10 =	sadd.s32 $0x80, s10;
	s12 =	spop (v2sf)  }
0x3c6: {  	[tilespmem:s3], [sflag:$0x4] =	stream.linear.gather [hbm4b:s10+s5], $0x80, $0x38;
	[tilespmem:$0x10100] =	vst v63  }
.Ltmp17:
0x3c7: {  	_ = 	snop;
	(pc) =	sbr.rel @p0 .LBB2_32-.Ltmp17, $4  }
0x3c8: {  	s8 =	sadd.s32 $0x80, s8;
	s10 =	sadd.s32 s11, s12;
	v5, _, _ =	vpop (xrf0)  }
0x3c9: {  	v6 =	vmov s0;
	s17 =	sadd.s32 $0x100, s17;
	s11 =	sadd.s32 $0xFFFFFFF0, s0;
	s12 =	sshll.u32 s10, $0x8;
	(v2sf) =	vpush v5, $0xF  }
0x3ca: {  	vm4 =	veq.s32 v6, v0;
	s3 =	sand.u32 $0x1800, s17;
	s16 =	sshll.u32 s10, $0x7;
	s12 =	sand.u32 $0xFFFFF800, s12;
	v7, _, _ =	vpop (xrf0)  }
0x3cb: {  	s0 =	sadd.s32 $0x1, s0;
	v6 =	vmov s11;
	v5 =	vnsel vm4, $0x0, v2;
	s11 =	sand.u32 $0x380, s16;
	s10 =	sadd.s32 s12, s13;
	(v2sf) =	vpush v7, $0xF  }
0x3cc: {  	vm4 =	veq.s32 v6, v0;
	(xrf0) =	vadd.scan.msk.s32 $0xffff, v5  }
0x3cd: {  	s0 =	sand.u32 $0x380, s8;
	s10 =	sor.u32 s11, s10;
	s23 =	spop (v2sf);
	v5 =	vnsel vm4, $0x0, v3  }
0x3ce: {  	s0 =	sor.u32 s0, s3;
	s21 =	sshrl.u32 s10, $0x3;
	s29 =	spop (v2sf);
	(xrf0) =	vadd.scan.msk.s32 $0xffff, v5  }
0x3cf: {  	s25 =	sadd.s32 $0x6100, s0;
	s3 =	sadd.s32 s1, s21;
	s11 =	sadd.s32 s23, s29  }
0x3d0: {  	[tilespmem:s25], [sflag:$0x4] =	stream.linear.gather [hbm4b:s3+s5], $0x80, $0x38;
	[tilespmem:$0x10100] =	vst v63  }
0x3d1: {  	s0 =	sadd.s32 $0x6500, s0;
	s3 =	sadd.s32 $0x80, s3;
	s12 =	sshll.u32 s11, $0x8  }
0x3d2: {  	[tilespmem:s0], [sflag:$0x4] =	stream.linear.gather [hbm4b:s3+s5], $0x80, $0x38;
	v5, _, _ =	vpop (xrf0);
	[tilespmem:$0x10100] =	vst v63  }
0x3d3: {  	s16 =	sadd.s32 $0x80, s8;
	s3 =	sand.u32 $0xFFFFF800, s12;
	s0 =	sshll.u32 s11, $0x7;
	(v2sf) =	vpush v5, $0xF  }
0x3d4: {  	s17 =	sadd.s32 $0x100, s17;
	s3 =	sadd.s32 s3, s13;
	s0 =	sand.u32 $0x380, s0;
	v5, _, _ =	vpop (xrf0)  }
0x3d5: {  	s19 =	sand.u32 $0x1800, s17;
	s12 =	sand.u32 $0x380, s16;
	s0 =	sor.u32 s0, s3;
	(v2sf) =	vpush v5, $0xF  }
0x3d6: {  	s21 =	sor.u32 s12, s19;
	s0 =	sshrl.u32 s0, $0x3  }
0x3d7: {  	s12 =	sadd.s32 $0x6100, s21;
	s0 =	sadd.s32 s1, s0  }
0x3d8: {  	[tilespmem:s12], [sflag:$0x4] =	stream.linear.gather [hbm4b:s0+s5], $0x80, $0x38;
	[tilespmem:$0x10100] =	vst v63  }
0x3d9: {  	s3 =	sadd.s32 $0x6500, s21;
	s0 =	sadd.s32 $0x80, s0;
	s23 =	spop (v2sf)  }
0x3da: {  	[tilespmem:s3], [sflag:$0x4] =	stream.linear.gather [hbm4b:s0+s5], $0x80, $0x38;
	[tilespmem:$0x10100] =	vst v63  }
0x3db: {  	s25 =	spop (v2sf)  }
0x3dc: {  	s29 =	sadd.s32 s23, s25  }
0x3dd: {  	s11 =	sshll.u32 s29, $0x8  }
0x3de: {  	s8 =	sadd.s32 $0x80, s16;
	s0 =	sshll.u32 s29, $0x7;
	s3 =	sand.u32 $0xFFFFF800, s11  }
0x3df: {  	s10 =	sadd.s32 $0x100, s17;
	s0 =	sand.u32 $0x380, s0;
	s3 =	sadd.s32 s3, s13  }
0x3e0: {  	s16 =	sand.u32 $0x380, s8;
	s12 =	sand.u32 $0x1800, s10;
	s0 =	sor.u32 s0, s3  }
0x3e1: {  	s17 =	sor.u32 s16, s12;
	s0 =	sshrl.u32 s0, $0x3  }
0x3e2: {  	s12 =	sadd.s32 $0x6100, s17;
	s0 =	sadd.s32 s1, s0;
	s19 =	spop (v2sf)  }
0x3e3: {  	[tilespmem:s12], [sflag:$0x4] =	stream.linear.gather [hbm4b:s0+s5], $0x80, $0x38;
	[tilespmem:$0x10100] =	vst v63  }
0x3e4: {  	s3 =	sadd.s32 $0x6500, s17;
	s0 =	sadd.s32 $0x80, s0;
	s21 =	spop (v2sf)  }
0x3e5: {  	[tilespmem:s3], [sflag:$0x4] =	stream.linear.gather [hbm4b:s0+s5], $0x80, $0x38;
	[tilespmem:$0x10100] =	vst v63  }
0x3e6: {  	s23 =	sadd.s32 s19, s21  }
0x3e7: {  	s25 =	sshll.u32 s23, $0x8  }
0x3e8: {  	s8 =	sadd.s32 $0x80, s8;
	s0 =	sshll.u32 s23, $0x7;
	s3 =	sand.u32 $0xFFFFF800, s25  }
0x3e9: {  	s10 =	sadd.s32 $0x100, s10;
	s0 =	sand.u32 $0x380, s0;
	s3 =	sadd.s32 s3, s13  }
0x3ea: {  	s8 =	sand.u32 $0x380, s8;
	s10 =	sand.u32 $0x1800, s10;
	s0 =	sor.u32 s0, s3  }
.Ltmp18:
0x3eb: {  	s29 =	sor.u32 s8, s10;
	s0 =	sshrl.u32 s0, $0x3;
	(pc) =	sbr.rel .LBB2_10-.Ltmp18, $4  }
0x3ec: {  	s8 =	sadd.s32 $0x6100, s29;
	s0 =	sadd.s32 s1, s0  }
0x3ed: {  	[tilespmem:s8], [sflag:$0x4] =	stream.linear.gather [hbm4b:s0+s5], $0x80, $0x38;
	[tilespmem:$0x10100] =	vst v63  }
0x3ee: {  	s14 =	sadd.s32 $0x1, s14;
	s3 =	sadd.s32 $0x6500, s29;
	s0 =	sadd.s32 $0x80, s0  }
0x3ef: {  	[tilespmem:s3], [sflag:$0x4] =	stream.linear.gather [hbm4b:s0+s5], $0x80, $0x38;
	[tilespmem:$0x10100] =	vst v63  }
.LBB2_35:
0x3f0: {  	_ =	sfence.sel $0x180000  }
0x3f1: {  	[bflag:$0x0] =	sbarrier.arrive $0xFFFF  }
0x3f2: {  	_ =	strace $0x90000047  }
0x3f3: {  	s0 =	stileid.u32;
	[bflag:$0x2] =	sbarrier.arrive $0xFFFF  }
0x3f4: {  	p0 =	sne.s32 s0, $0x0;
	s0 =	rddreg [dreg:$0x4]  }
0x3f5: {  	s0 =	sadd.s32 @!p0 $0x100000, s0  }
0x3f6: {  	[sflag:s0] =	ssyncadd.tile.s32 @!p0 $0x1;
	_ =	shalt  }
.Lfunc_end2:
_tile_overlayer_lowered:
.L_overlay_start_2:
0x3f7: {  	(tag) =	ssettag $0x2  }
0x3f8: {  	s0 =	rddreg [dreg:$0x0];
	s2 =	stileid.u32  }
0x3f9: {  	s1 =	rddreg [dreg:$0x1];
	p0 =	sne.s32 s2, $0x0  }
0x3fa: {  	s3 =	rddreg [dreg:$0x2];
	[bflag:$0x3] =	sbarrier.arrive $0xFFFF;
	s2 =	simm.s32 @!p0 $0x1C11  }
0x3fb: {  	[timem:s3], [sflag:s2] =	dma.local @!p0 [hbm:s0], s1  }
0x3fc: {  	s0 =	simm.s32 @!p0 $0x11  }
0x3fd: {  	_ =	swait.ge @!p0 [sflag:s0], s1  }
0x3fe: {  	s1 =	ssub.s32 @!p0 $0x0, s1;
	[sflag:s0] =	ssyncset.done @!p0 $0x0  }
0x3ff: {  	[sflag:s0] =	ssyncadd.s32 @!p0 s1  }
0x400: {  	[bflag:$0x3] =	sbarrier.arrive $0xFFFF  }
0x401: {  	_ =	shalt  }

</sc_bundles>
